<compile_context>
chip_gen: v7x
topology: tpu7x:2x2x1
jax: 0.10.2.dev20260603
libtpu: 0.0.44.dev20260713+nightly
codegen_flags: <defaults>
</compile_context>

<pallas_src>
import functools

import jax
import jax.numpy as jnp
from jax import lax
from jax.experimental import pallas as pl
from jax.experimental.pallas import tpu as pltpu
from jax.experimental.pallas import tpu_sc as plsc

_CHUNK = 40
_NJOB = 5
_D = 128
_K = 3 * _D

_mesh = plsc.VectorSubcoreMesh(core_axis_name="c", subcore_axis_name="s")


_TPM = 5


@functools.partial(
    pl.kernel,
    mesh=_mesh,
    out_type=jax.ShapeDtypeStruct((_NJOB, _K), jnp.float32),
    scratch_types=[
        pltpu.VMEM((_CHUNK,), jnp.int32),
        pltpu.VMEM((_CHUNK, _D), jnp.float32),
        pltpu.VMEM((_D,), jnp.float32),
        pltpu.SemaphoreType.DMA,
    ],
)
def _gather_pool(pat_hbm, e0, e1, e2, out_hbm, idx_v, rows_v, acc_v, sem_g):
    wid = lax.axis_index("s") * 2 + lax.axis_index("c")

    @pl.when(wid < 3 * _TPM)
    def _():
        m = wid // _TPM
        p = wid % _TPM
        off = 600 + 200 * m - 600 * (m // 2) + _CHUNK * p
        pltpu.sync_copy(pat_hbm.at[pl.ds(pl.multiple_of(off, 8), _CHUNK)],
                        idx_v)

        @pl.when(m == 0)
        def _():
            pltpu.async_copy(e0.at[idx_v], rows_v, sem_g).wait()

        @pl.when(m == 1)
        def _():
            pltpu.async_copy(e1.at[idx_v], rows_v, sem_g).wait()

        @pl.when(m == 2)
        def _():
            pltpu.async_copy(e2.at[idx_v], rows_v, sem_g).wait()

        for v in range(_D // 16):
            a = rows_v[0, pl.ds(v * 16, 16)]
            for r in range(1, _CHUNK):
                a = a + rows_v[r, pl.ds(v * 16, 16)]
            acc_v[pl.ds(v * 16, 16)] = a
        pltpu.sync_copy(acc_v, out_hbm.at[p, pl.ds(pl.multiple_of(m * _D, 8),
                                                   _D)])


def _dense(partial_ref, w_ref, b_ref, ddi_ref, res_ref, bn_ref):
    rep = jnp.sum(partial_ref[:], axis=0, keepdims=True)
    rep = jnp.maximum(rep, 0.0)
    out = lax.dot_general(
        rep, w_ref[:],
        dimension_numbers=(((1,), (1,)), ((), ())),
        preferred_element_type=jnp.float32,
    ) + b_ref[:][None, :]
    res_ref[:] = out
    neg = jax.nn.sigmoid(out)
    s = jnp.sum(neg)
    bn_ref[:] = jnp.reshape(0.0005 * ddi_ref[0, 0] * s * s, (1, 1))


def kernel(patient, E0, E1, E2, W, b, ddi_adj):
    partial = _gather_pool(patient.reshape(-1), E0, E1, E2)
    result, bn = pl.pallas_call(
        _dense,
        out_shape=(
            jax.ShapeDtypeStruct((1, 1000), jnp.float32),
            jax.ShapeDtypeStruct((1, 1), jnp.float32),
        ),
    )(partial, W, b, ddi_adj)
    return (result, bn.reshape(()))

# --- scband reference (transcript-rebuilt; emitter-appended) ---
"""Pipeline reference for scband-basic-model-22222160789800 (READ-ONLY COPY).

The authoritative reference and input builder live on the scoring server;
editing this copy changes nothing except your own understanding.
"""

import jax, jax.numpy as jnp
import numpy as np


def setup_inputs(seed: int = 0) -> dict:
    key = jax.random.key(seed)
    ks = jax.random.split(key, 6)
    # patient: [n_admissions=2, 3 modalities, 200 codes]; all indices < 1000 so they are
    # in-range for every table (vocab sizes 100000, 100000, 1000)
    patient = jax.random.randint(ks[0], (2, 3, 200), 0, 1000, dtype=jnp.int64 if jax.config.jax_enable_x64 else jnp.int32)
    # embedding tables, uniform(-0.1, 0.1) per init_weights
    E0 = jax.random.uniform(ks[1], (100000, 128), jnp.float32, -0.1, 0.1)
    E1 = jax.random.uniform(ks[2], (100000, 128), jnp.float32, -0.1, 0.1)
    E2 = jax.random.uniform(ks[3], (1000, 128), jnp.float32, -0.1, 0.1)
    # query head: Linear(3*emb_dim=384 -> vocab_size[2]=1000)
    W = jax.random.normal(ks[4], (1000, 384), jnp.float32) * 0.02
    b = jnp.zeros((1000,), jnp.float32)
    # DDI adjacency buffer; [[1.0]] broadcasts against the [1000,1000] outer product
    ddi_adj = jnp.ones((1, 1), jnp.float32)
    return {"patient": patient, "E0": E0, "E1": E1, "E2": E2, "W": W, "b": b, "ddi_adj": ddi_adj}


def reference(patient, E0, E1, E2, W, b, ddi_adj):
    # eval mode: dropout(p=0.5) is identity; GRU encoders are unused in forward
    adm = patient[-1]
    i1 = jnp.take(E0, adm[0], axis=0).sum(axis=0)  # [128]
    i2 = jnp.take(E1, adm[1], axis=0).sum(axis=0)  # [128]
    adm_prev = patient[-2]  # len(patient)=2 > 1 branch
    i3 = jnp.take(E2, adm_prev[2], axis=0).sum(axis=0)  # [128]
    rep = jnp.concatenate([i1, i2, i3])[None, :]  # [1, 384]
    result = jax.nn.relu(rep) @ W.T + b  # [1, 1000]
    result = result[-1:, :]
    neg = jax.nn.sigmoid(result)
    outer = neg.T * neg  # [1000, 1000]
    batch_neg = 0.0005 * (outer * ddi_adj).sum()
    return (result, batch_neg)

if __name__ == "__main__":
    import jax
    _d = setup_inputs()
    print(jax.jit(kernel)(*tuple(_d.values())))

</pallas_src>

<mosaic_0001>
#map = affine_map<(d0, d1) -> (0)>
#map1 = affine_map<(d0, d1) -> (0, 0)>
module attributes {stable_mosaic.version = 14 : i64} {
  func.func @_gather_pool(%arg0: i32, %arg1: i32, %arg2: memref<1200xi32, #tpu.memory_space<hbm>>, %arg3: memref<100000x128xf32, #tpu.memory_space<hbm>>, %arg4: memref<100000x128xf32, #tpu.memory_space<hbm>>, %arg5: memref<1000x128xf32, #tpu.memory_space<hbm>>, %arg6: memref<5x384xf32, #tpu.memory_space<hbm>>, %arg7: memref<40xi32, #tpu.memory_space<vmem>>, %arg8: memref<40x128xf32, #tpu.memory_space<vmem>>, %arg9: memref<128xf32, #tpu.memory_space<vmem>>, %arg10: memref<!tpu.dma_semaphore, #tpu.memory_space<semaphore_mem>>) attributes {dimension_semantics = [#tpu.dimension_semantics<core_parallel>, #tpu.dimension_semantics<subcore_parallel>], iteration_bounds = array<i64: 2, 16>, scalar_prefetch = 0 : i64, scratch_operands = 4 : i64, tpu.core_type = #tpu.core_type<sc_vector_subcore>, window_params = [{transform_indices = #map}, {transform_indices = #map1}, {transform_indices = #map1}, {transform_indices = #map1}, {transform_indices = #map1}]} {
    %mul3A = arith.constant 2 : i32
    %mul3A_0 = arith.muli %arg1, %mul3A : i32
    %add3A = arith.addi %mul3A_0, %arg0 : i32
    %lt3A = arith.constant 15 : i32
    %lt3A_1 = arith.cmpi slt, %add3A, %lt3A : i32
    %convert_element_type3A = arith.extui %lt3A_1 : i1 to i32
    %cond3A = arith.constant 0 : i32
    %cond3A_2 = arith.cmpi ne, %convert_element_type3A, %cond3A : i32
    scf.if %cond3A_2 {
      %jit3A = arith.constant 5 : i32
      %div3A = arith.divsi %add3A, %jit3A : i32
      %sign3A = arith.constant 0 : i32
      %sign3A_3 = arith.cmpi sgt, %add3A, %sign3A : i32
      %sign3A_4 = arith.extui %sign3A_3 : i1 to i32
      %sign3A_5 = arith.constant 0 : i32
      %sign3A_6 = arith.cmpi slt, %add3A, %sign3A_5 : i32
      %sign3A_7 = arith.extui %sign3A_6 : i1 to i32
      %sign3A_8 = arith.subi %sign3A_4, %sign3A_7 : i32
      %sign3A_9 = arith.constant 0 : i32
      %sign3A_10 = arith.cmpi sgt, %jit3A, %sign3A_9 : i32
      %sign3A_11 = arith.extui %sign3A_10 : i1 to i32
      %sign3A_12 = arith.constant 0 : i32
      %sign3A_13 = arith.cmpi slt, %jit3A, %sign3A_12 : i32
      %sign3A_14 = arith.extui %sign3A_13 : i1 to i32
      %sign3A_15 = arith.subi %sign3A_11, %sign3A_14 : i32
      %ne3A = arith.cmpi ne, %sign3A_8, %sign3A_15 : i32
      %rem3A = arith.remsi %add3A, %jit3A : i32
      %ne3A_16 = arith.constant 0 : i32
      %ne3A_17 = arith.cmpi ne, %rem3A, %ne3A_16 : i32
      %and3A = arith.andi %ne3A, %ne3A_17 : i1
      %sub3A = arith.constant 1 : i32
      %sub3A_18 = arith.subi %div3A, %sub3A : i32
      %select_n3A = arith.select %and3A, %sub3A_18, %div3A : i32
      %jit3A_19 = arith.constant 5 : i32
      %eq3A = arith.constant 0 : i32
      %eq3A_20 = arith.cmpi eq, %jit3A_19, %eq3A : i32
      %jit3A_21 = arith.constant 1 : i32
      %select_n3A_22 = arith.select %eq3A_20, %jit3A_21, %jit3A_19 : i32
      %rem3A_23 = arith.remsi %add3A, %select_n3A_22 : i32
      %ne3A_24 = arith.constant 0 : i32
      %ne3A_25 = arith.cmpi ne, %rem3A_23, %ne3A_24 : i32
      %lt3A_26 = arith.constant 0 : i32
      %lt3A_27 = arith.cmpi slt, %rem3A_23, %lt3A_26 : i32
      %lt3A_28 = arith.constant 0 : i32
      %lt3A_29 = arith.cmpi slt, %select_n3A_22, %lt3A_28 : i32
      %ne3A_30 = arith.xori %lt3A_27, %lt3A_29 : i1
      %and3A_31 = arith.andi %ne3A_30, %ne3A_25 : i1
      %add3A_32 = arith.addi %rem3A_23, %select_n3A_22 : i32
      %select_n3A_33 = arith.select %and3A_31, %add3A_32, %rem3A_23 : i32
      %mul3A_34 = arith.constant 200 : i32
      %mul3A_35 = arith.muli %mul3A_34, %select_n3A : i32
      %add3A_36 = arith.constant 600 : i32
      %add3A_37 = arith.addi %add3A_36, %mul3A_35 : i32
      %jit3A_38 = arith.constant 2 : i32
      %div3A_39 = arith.divsi %select_n3A, %jit3A_38 : i32
      %sign3A_40 = arith.constant 0 : i32
      %sign3A_41 = arith.cmpi sgt, %select_n3A, %sign3A_40 : i32
      %sign3A_42 = arith.extui %sign3A_41 : i1 to i32
      %sign3A_43 = arith.constant 0 : i32
      %sign3A_44 = arith.cmpi slt, %select_n3A, %sign3A_43 : i32
      %sign3A_45 = arith.extui %sign3A_44 : i1 to i32
      %sign3A_46 = arith.subi %sign3A_42, %sign3A_45 : i32
      %sign3A_47 = arith.constant 0 : i32
      %sign3A_48 = arith.cmpi sgt, %jit3A_38, %sign3A_47 : i32
      %sign3A_49 = arith.extui %sign3A_48 : i1 to i32
      %sign3A_50 = arith.constant 0 : i32
      %sign3A_51 = arith.cmpi slt, %jit3A_38, %sign3A_50 : i32
      %sign3A_52 = arith.extui %sign3A_51 : i1 to i32
      %sign3A_53 = arith.subi %sign3A_49, %sign3A_52 : i32
      %ne3A_54 = arith.cmpi ne, %sign3A_46, %sign3A_53 : i32
      %rem3A_55 = arith.remsi %select_n3A, %jit3A_38 : i32
      %ne3A_56 = arith.constant 0 : i32
      %ne3A_57 = arith.cmpi ne, %rem3A_55, %ne3A_56 : i32
      %and3A_58 = arith.andi %ne3A_54, %ne3A_57 : i1
      %sub3A_59 = arith.constant 1 : i32
      %sub3A_60 = arith.subi %div3A_39, %sub3A_59 : i32
      %select_n3A_61 = arith.select %and3A_58, %sub3A_60, %div3A_39 : i32
      %mul3A_62 = arith.constant 600 : i32
      %mul3A_63 = arith.muli %mul3A_62, %select_n3A_61 : i32
      %sub3A_64 = arith.subi %add3A_37, %mul3A_63 : i32
      %mul3A_65 = arith.constant 40 : i32
      %mul3A_66 = arith.muli %mul3A_65, %select_n3A_33 : i32
      %add3A_67 = arith.addi %sub3A_64, %mul3A_66 : i32
      %multiple_of3A = tpu.assume_multiple %add3A_67, 8 : i32
      "tpu.region"() ({
        %run_scoped3A = tpu.sem_alloc : memref<!tpu.dma_semaphore, #tpu.memory_space<semaphore_mem>>
        %dma_start3A = tpu.memref_slice %arg2[%multiple_of3A] : memref<1200xi32, #tpu.memory_space<hbm>> -> memref<40xi32, #tpu.memory_space<hbm>>
        %dma_start3A_2028 = tpu.memref_slice %arg2[%multiple_of3A] : memref<1200xi32, #tpu.memory_space<hbm>> -> memref<40xi32, #tpu.memory_space<hbm>>
        tpu.enqueue_dma source(%dma_start3A_2028 : memref<40xi32, #tpu.memory_space<hbm>>) target(%arg7 : memref<40xi32, #tpu.memory_space<vmem>>) target_semaphore(%run_scoped3A : memref<!tpu.dma_semaphore, #tpu.memory_space<semaphore_mem>>)
        %dma_wait3A = tpu.memref_slice %arg2[%multiple_of3A] : memref<1200xi32, #tpu.memory_space<hbm>> -> memref<40xi32, #tpu.memory_space<hbm>>
        %dma_wait3A_2029 = tpu.memref_slice %arg2[%multiple_of3A] : memref<1200xi32, #tpu.memory_space<hbm>> -> memref<40xi32, #tpu.memory_space<hbm>>
        tpu.wait_dma2 semaphore(%run_scoped3A : memref<!tpu.dma_semaphore, #tpu.memory_space<semaphore_mem>>) src(%dma_wait3A_2029 : memref<40xi32, #tpu.memory_space<hbm>>) dst(%arg7 : memref<40xi32, #tpu.memory_space<vmem>>)
        tpu.yield
      }) : () -> ()
      %eq3A_68 = arith.constant 0 : i32
      %eq3A_69 = arith.cmpi eq, %select_n3A, %eq3A_68 : i32
      %convert_element_type3A_70 = arith.extui %eq3A_69 : i1 to i32
      %cond3A_71 = arith.constant 0 : i32
      %cond3A_72 = arith.cmpi ne, %convert_element_type3A_70, %cond3A_71 : i32
      scf.if %cond3A_72 {
        %dma_start3A = arith.constant 0 : i32
        %dma_start3A_2028 = arith.constant 0 : i32
        %dma_start3A_2029 = tpu.memref_slice %arg3[%dma_start3A, %dma_start3A_2028] : memref<100000x128xf32, #tpu.memory_space<hbm>> -> memref<100000x128xf32, #tpu.memory_space<hbm>>
        tpu.enqueue_indirect_dma source(%dma_start3A_2029 : memref<100000x128xf32, #tpu.memory_space<hbm>>) target(%arg8 : memref<40x128xf32, #tpu.memory_space<vmem>>) offsets(%arg7 : memref<40xi32, #tpu.memory_space<vmem>>) semaphore(%arg10 : memref<!tpu.dma_semaphore, #tpu.memory_space<semaphore_mem>>)
        %dma_wait3A = arith.constant 0 : i32
        %dma_wait3A_2030 = arith.constant 0 : i32
        %dma_wait3A_2031 = tpu.memref_slice %arg3[%dma_wait3A, %dma_wait3A_2030] : memref<100000x128xf32, #tpu.memory_space<hbm>> -> memref<100000x128xf32, #tpu.memory_space<hbm>>
        tpu.wait_indirect_dma semaphore(%arg10 : memref<!tpu.dma_semaphore, #tpu.memory_space<semaphore_mem>>) src(%dma_wait3A_2031 : memref<100000x128xf32, #tpu.memory_space<hbm>>) dst(%arg8 : memref<40x128xf32, #tpu.memory_space<vmem>>)
      } else {
      }
      %eq3A_73 = arith.constant 1 : i32
      %eq3A_74 = arith.cmpi eq, %select_n3A, %eq3A_73 : i32
      %convert_element_type3A_75 = arith.extui %eq3A_74 : i1 to i32
      %cond3A_76 = arith.constant 0 : i32
      %cond3A_77 = arith.cmpi ne, %convert_element_type3A_75, %cond3A_76 : i32
      scf.if %cond3A_77 {
        %dma_start3A = arith.constant 0 : i32
        %dma_start3A_2028 = arith.constant 0 : i32
        %dma_start3A_2029 = tpu.memref_slice %arg4[%dma_start3A, %dma_start3A_2028] : memref<100000x128xf32, #tpu.memory_space<hbm>> -> memref<100000x128xf32, #tpu.memory_space<hbm>>
        tpu.enqueue_indirect_dma source(%dma_start3A_2029 : memref<100000x128xf32, #tpu.memory_space<hbm>>) target(%arg8 : memref<40x128xf32, #tpu.memory_space<vmem>>) offsets(%arg7 : memref<40xi32, #tpu.memory_space<vmem>>) semaphore(%arg10 : memref<!tpu.dma_semaphore, #tpu.memory_space<semaphore_mem>>)
        %dma_wait3A = arith.constant 0 : i32
        %dma_wait3A_2030 = arith.constant 0 : i32
        %dma_wait3A_2031 = tpu.memref_slice %arg4[%dma_wait3A, %dma_wait3A_2030] : memref<100000x128xf32, #tpu.memory_space<hbm>> -> memref<100000x128xf32, #tpu.memory_space<hbm>>
        tpu.wait_indirect_dma semaphore(%arg10 : memref<!tpu.dma_semaphore, #tpu.memory_space<semaphore_mem>>) src(%dma_wait3A_2031 : memref<100000x128xf32, #tpu.memory_space<hbm>>) dst(%arg8 : memref<40x128xf32, #tpu.memory_space<vmem>>)
      } else {
      }
      %eq3A_78 = arith.constant 2 : i32
      %eq3A_79 = arith.cmpi eq, %select_n3A, %eq3A_78 : i32
      %convert_element_type3A_80 = arith.extui %eq3A_79 : i1 to i32
      %cond3A_81 = arith.constant 0 : i32
      %cond3A_82 = arith.cmpi ne, %convert_element_type3A_80, %cond3A_81 : i32
      scf.if %cond3A_82 {
        %dma_start3A = arith.constant 0 : i32
        %dma_start3A_2028 = arith.constant 0 : i32
        %dma_start3A_2029 = tpu.memref_slice %arg5[%dma_start3A, %dma_start3A_2028] : memref<1000x128xf32, #tpu.memory_space<hbm>> -> memref<1000x128xf32, #tpu.memory_space<hbm>>
        tpu.enqueue_indirect_dma source(%dma_start3A_2029 : memref<1000x128xf32, #tpu.memory_space<hbm>>) target(%arg8 : memref<40x128xf32, #tpu.memory_space<vmem>>) offsets(%arg7 : memref<40xi32, #tpu.memory_space<vmem>>) semaphore(%arg10 : memref<!tpu.dma_semaphore, #tpu.memory_space<semaphore_mem>>)
        %dma_wait3A = arith.constant 0 : i32
        %dma_wait3A_2030 = arith.constant 0 : i32
        %dma_wait3A_2031 = tpu.memref_slice %arg5[%dma_wait3A, %dma_wait3A_2030] : memref<1000x128xf32, #tpu.memory_space<hbm>> -> memref<1000x128xf32, #tpu.memory_space<hbm>>
        tpu.wait_indirect_dma semaphore(%arg10 : memref<!tpu.dma_semaphore, #tpu.memory_space<semaphore_mem>>) src(%dma_wait3A_2031 : memref<1000x128xf32, #tpu.memory_space<hbm>>) dst(%arg8 : memref<40x128xf32, #tpu.memory_space<vmem>>)
      } else {
      }
      %get3A = arith.constant 0 : i32
      %get3A_83 = arith.index_cast %get3A : i32 to index
      %get3A_84 = arith.constant 0 : index
      %get3A_85 = tpu.vector_load %arg8[%get3A_83, %get3A_84] {strides = array<i32>} : memref<40x128xf32, #tpu.memory_space<vmem>>, vector<1x16xf32>,
      %get3A_86 = vector.shape_cast %get3A_85 : vector<1x16xf32> to vector<16xf32>
      %get3A_87 = arith.constant 1 : i32
      %get3A_88 = arith.index_cast %get3A_87 : i32 to index
      %get3A_89 = arith.constant 0 : index
      %get3A_90 = tpu.vector_load %arg8[%get3A_88, %get3A_89] {strides = array<i32>} : memref<40x128xf32, #tpu.memory_space<vmem>>, vector<1x16xf32>,
      %get3A_91 = vector.shape_cast %get3A_90 : vector<1x16xf32> to vector<16xf32>
      %add3A_92 = arith.addf %get3A_86, %get3A_91 : vector<16xf32>
      %get3A_93 = arith.constant 2 : i32
      %get3A_94 = arith.index_cast %get3A_93 : i32 to index
      %get3A_95 = arith.constant 0 : index
      %get3A_96 = tpu.vector_load %arg8[%get3A_94, %get3A_95] {strides = array<i32>} : memref<40x128xf32, #tpu.memory_space<vmem>>, vector<1x16xf32>,
      %get3A_97 = vector.shape_cast %get3A_96 : vector<1x16xf32> to vector<16xf32>
      %add3A_98 = arith.addf %add3A_92, %get3A_97 : vector<16xf32>
      %get3A_99 = arith.constant 3 : i32
      %get3A_100 = arith.index_cast %get3A_99 : i32 to index
      %get3A_101 = arith.constant 0 : index
      %get3A_102 = tpu.vector_load %arg8[%get3A_100, %get3A_101] {strides = array<i32>} : memref<40x128xf32, #tpu.memory_space<vmem>>, vector<1x16xf32>,
      %get3A_103 = vector.shape_cast %get3A_102 : vector<1x16xf32> to vector<16xf32>
      %add3A_104 = arith.addf %add3A_98, %get3A_103 : vector<16xf32>
      %get3A_105 = arith.constant 4 : i32
      %get3A_106 = arith.index_cast %get3A_105 : i32 to index
      %get3A_107 = arith.constant 0 : index
      %get3A_108 = tpu.vector_load %arg8[%get3A_106, %get3A_107] {strides = array<i32>} : memref<40x128xf32, #tpu.memory_space<vmem>>, vector<1x16xf32>,
      %get3A_109 = vector.shape_cast %get3A_108 : vector<1x16xf32> to vector<16xf32>
      %add3A_110 = arith.addf %add3A_104, %get3A_109 : vector<16xf32>
      %get3A_111 = arith.constant 5 : i32
      %get3A_112 = arith.index_cast %get3A_111 : i32 to index
      %get3A_113 = arith.constant 0 : index
      %get3A_114 = tpu.vector_load %arg8[%get3A_112, %get3A_113] {strides = array<i32>} : memref<40x128xf32, #tpu.memory_space<vmem>>, vector<1x16xf32>,
      %get3A_115 = vector.shape_cast %get3A_114 : vector<1x16xf32> to vector<16xf32>
      %add3A_116 = arith.addf %add3A_110, %get3A_115 : vector<16xf32>
      %get3A_117 = arith.constant 6 : i32
      %get3A_118 = arith.index_cast %get3A_117 : i32 to index
      %get3A_119 = arith.constant 0 : index
      %get3A_120 = tpu.vector_load %arg8[%get3A_118, %get3A_119] {strides = array<i32>} : memref<40x128xf32, #tpu.memory_space<vmem>>, vector<1x16xf32>,
      %get3A_121 = vector.shape_cast %get3A_120 : vector<1x16xf32> to vector<16xf32>
      %add3A_122 = arith.addf %add3A_116, %get3A_121 : vector<16xf32>
      %get3A_123 = arith.constant 7 : i32
      %get3A_124 = arith.index_cast %get3A_123 : i32 to index
      %get3A_125 = arith.constant 0 : index
      %get3A_126 = tpu.vector_load %arg8[%get3A_124, %get3A_125] {strides = array<i32>} : memref<40x128xf32, #tpu.memory_space<vmem>>, vector<1x16xf32>,
      %get3A_127 = vector.shape_cast %get3A_126 : vector<1x16xf32> to vector<16xf32>
      %add3A_128 = arith.addf %add3A_122, %get3A_127 : vector<16xf32>
      %get3A_129 = arith.constant 8 : i32
      %get3A_130 = arith.index_cast %get3A_129 : i32 to index
      %get3A_131 = arith.constant 0 : index
      %get3A_132 = tpu.vector_load %arg8[%get3A_130, %get3A_131] {strides = array<i32>} : memref<40x128xf32, #tpu.memory_space<vmem>>, vector<1x16xf32>,
      %get3A_133 = vector.shape_cast %get3A_132 : vector<1x16xf32> to vector<16xf32>
      %add3A_134 = arith.addf %add3A_128, %get3A_133 : vector<16xf32>
      %get3A_135 = arith.constant 9 : i32
      %get3A_136 = arith.index_cast %get3A_135 : i32 to index
      %get3A_137 = arith.constant 0 : index
      %get3A_138 = tpu.vector_load %arg8[%get3A_136, %get3A_137] {strides = array<i32>} : memref<40x128xf32, #tpu.memory_space<vmem>>, vector<1x16xf32>,
      %get3A_139 = vector.shape_cast %get3A_138 : vector<1x16xf32> to vector<16xf32>
      %add3A_140 = arith.addf %add3A_134, %get3A_139 : vector<16xf32>
      %get3A_141 = arith.constant 10 : i32
      %get3A_142 = arith.index_cast %get3A_141 : i32 to index
      %get3A_143 = arith.constant 0 : index
      %get3A_144 = tpu.vector_load %arg8[%get3A_142, %get3A_143] {strides = array<i32>} : memref<40x128xf32, #tpu.memory_space<vmem>>, vector<1x16xf32>,
      %get3A_145 = vector.shape_cast %get3A_144 : vector<1x16xf32> to vector<16xf32>
      %add3A_146 = arith.addf %add3A_140, %get3A_145 : vector<16xf32>
      %get3A_147 = arith.constant 11 : i32
      %get3A_148 = arith.index_cast %get3A_147 : i32 to index
      %get3A_149 = arith.constant 0 : index
      %get3A_150 = tpu.vector_load %arg8[%get3A_148, %get3A_149] {strides = array<i32>} : memref<40x128xf32, #tpu.memory_space<vmem>>, vector<1x16xf32>,
      %get3A_151 = vector.shape_cast %get3A_150 : vector<1x16xf32> to vector<16xf32>
      %add3A_152 = arith.addf %add3A_146, %get3A_151 : vector<16xf32>
      %get3A_153 = arith.constant 12 : i32
      %get3A_154 = arith.index_cast %get3A_153 : i32 to index
      %get3A_155 = arith.constant 0 : index
      %get3A_156 = tpu.vector_load %arg8[%get3A_154, %get3A_155] {strides = array<i32>} : memref<40x128xf32, #tpu.memory_space<vmem>>, vector<1x16xf32>,
      %get3A_157 = vector.shape_cast %get3A_156 : vector<1x16xf32> to vector<16xf32>
      %add3A_158 = arith.addf %add3A_152, %get3A_157 : vector<16xf32>
      %get3A_159 = arith.constant 13 : i32
      %get3A_160 = arith.index_cast %get3A_159 : i32 to index
      %get3A_161 = arith.constant 0 : index
      %get3A_162 = tpu.vector_load %arg8[%get3A_160, %get3A_161] {strides = array<i32>} : memref<40x128xf32, #tpu.memory_space<vmem>>, vector<1x16xf32>,
      %get3A_163 = vector.shape_cast %get3A_162 : vector<1x16xf32> to vector<16xf32>
      %add3A_164 = arith.addf %add3A_158, %get3A_163 : vector<16xf32>
      %get3A_165 = arith.constant 14 : i32
      %get3A_166 = arith.index_cast %get3A_165 : i32 to index
      %get3A_167 = arith.constant 0 : index
      %get3A_168 = tpu.vector_load %arg8[%get3A_166, %get3A_167] {strides = array<i32>} : memref<40x128xf32, #tpu.memory_space<vmem>>, vector<1x16xf32>,
      %get3A_169 = vector.shape_cast %get3A_168 : vector<1x16xf32> to vector<16xf32>
      %add3A_170 = arith.addf %add3A_164, %get3A_169 : vector<16xf32>
      %get3A_171 = arith.constant 15 : i32
      %get3A_172 = arith.index_cast %get3A_171 : i32 to index
      %get3A_173 = arith.constant 0 : index
      %get3A_174 = tpu.vector_load %arg8[%get3A_172, %get3A_173] {strides = array<i32>} : memref<40x128xf32, #tpu.memory_space<vmem>>, vector<1x16xf32>,
      %get3A_175 = vector.shape_cast %get3A_174 : vector<1x16xf32> to vector<16xf32>
      %add3A_176 = arith.addf %add3A_170, %get3A_175 : vector<16xf32>
      %get3A_177 = arith.constant 16 : i32
      %get3A_178 = arith.index_cast %get3A_177 : i32 to index
      %get3A_179 = arith.constant 0 : index
      %get3A_180 = tpu.vector_load %arg8[%get3A_178, %get3A_179] {strides = array<i32>} : memref<40x128xf32, #tpu.memory_space<vmem>>, vector<1x16xf32>,
      %get3A_181 = vector.shape_cast %get3A_180 : vector<1x16xf32> to vector<16xf32>
      %add3A_182 = arith.addf %add3A_176, %get3A_181 : vector<16xf32>
      %get3A_183 = arith.constant 17 : i32
      %get3A_184 = arith.index_cast %get3A_183 : i32 to index
      %get3A_185 = arith.constant 0 : index
      %get3A_186 = tpu.vector_load %arg8[%get3A_184, %get3A_185] {strides = array<i32>} : memref<40x128xf32, #tpu.memory_space<vmem>>, vector<1x16xf32>,
      %get3A_187 = vector.shape_cast %get3A_186 : vector<1x16xf32> to vector<16xf32>
      %add3A_188 = arith.addf %add3A_182, %get3A_187 : vector<16xf32>
      %get3A_189 = arith.constant 18 : i32
      %get3A_190 = arith.index_cast %get3A_189 : i32 to index
      %get3A_191 = arith.constant 0 : index
      %get3A_192 = tpu.vector_load %arg8[%get3A_190, %get3A_191] {strides = array<i32>} : memref<40x128xf32, #tpu.memory_space<vmem>>, vector<1x16xf32>,
      %get3A_193 = vector.shape_cast %get3A_192 : vector<1x16xf32> to vector<16xf32>
      %add3A_194 = arith.addf %add3A_188, %get3A_193 : vector<16xf32>
      %get3A_195 = arith.constant 19 : i32
      %get3A_196 = arith.index_cast %get3A_195 : i32 to index
      %get3A_197 = arith.constant 0 : index
      %get3A_198 = tpu.vector_load %arg8[%get3A_196, %get3A_197] {strides = array<i32>} : memref<40x128xf32, #tpu.memory_space<vmem>>, vector<1x16xf32>,
      %get3A_199 = vector.shape_cast %get3A_198 : vector<1x16xf32> to vector<16xf32>
      %add3A_200 = arith.addf %add3A_194, %get3A_199 : vector<16xf32>
      %get3A_201 = arith.constant 20 : i32
      %get3A_202 = arith.index_cast %get3A_201 : i32 to index
      %get3A_203 = arith.constant 0 : index
      %get3A_204 = tpu.vector_load %arg8[%get3A_202, %get3A_203] {strides = array<i32>} : memref<40x128xf32, #tpu.memory_space<vmem>>, vector<1x16xf32>,
      %get3A_205 = vector.shape_cast %get3A_204 : vector<1x16xf32> to vector<16xf32>
      %add3A_206 = arith.addf %add3A_200, %get3A_205 : vector<16xf32>
      %get3A_207 = arith.constant 21 : i32
      %get3A_208 = arith.index_cast %get3A_207 : i32 to index
      %get3A_209 = arith.constant 0 : index
      %get3A_210 = tpu.vector_load %arg8[%get3A_208, %get3A_209] {strides = array<i32>} : memref<40x128xf32, #tpu.memory_space<vmem>>, vector<1x16xf32>,
      %get3A_211 = vector.shape_cast %get3A_210 : vector<1x16xf32> to vector<16xf32>
      %add3A_212 = arith.addf %add3A_206, %get3A_211 : vector<16xf32>
      %get3A_213 = arith.constant 22 : i32
      %get3A_214 = arith.index_cast %get3A_213 : i32 to index
      %get3A_215 = arith.constant 0 : index
      %get3A_216 = tpu.vector_load %arg8[%get3A_214, %get3A_215] {strides = array<i32>} : memref<40x128xf32, #tpu.memory_space<vmem>>, vector<1x16xf32>,
      %get3A_217 = vector.shape_cast %get3A_216 : vector<1x16xf32> to vector<16xf32>
      %add3A_218 = arith.addf %add3A_212, %get3A_217 : vector<16xf32>
      %get3A_219 = arith.constant 23 : i32
      %get3A_220 = arith.index_cast %get3A_219 : i32 to index
      %get3A_221 = arith.constant 0 : index
      %get3A_222 = tpu.vector_load %arg8[%get3A_220, %get3A_221] {strides = array<i32>} : memref<40x128xf32, #tpu.memory_space<vmem>>, vector<1x16xf32>,
      %get3A_223 = vector.shape_cast %get3A_222 : vector<1x16xf32> to vector<16xf32>
      %add3A_224 = arith.addf %add3A_218, %get3A_223 : vector<16xf32>
      %get3A_225 = arith.constant 24 : i32
      %get3A_226 = arith.index_cast %get3A_225 : i32 to index
      %get3A_227 = arith.constant 0 : index
      %get3A_228 = tpu.vector_load %arg8[%get3A_226, %get3A_227] {strides = array<i32>} : memref<40x128xf32, #tpu.memory_space<vmem>>, vector<1x16xf32>,
      %get3A_229 = vector.shape_cast %get3A_228 : vector<1x16xf32> to vector<16xf32>
      %add3A_230 = arith.addf %add3A_224, %get3A_229 : vector<16xf32>
      %get3A_231 = arith.constant 25 : i32
      %get3A_232 = arith.index_cast %get3A_231 : i32 to index
      %get3A_233 = arith.constant 0 : index
      %get3A_234 = tpu.vector_load %arg8[%get3A_232, %get3A_233] {strides = array<i32>} : memref<40x128xf32, #tpu.memory_space<vmem>>, vector<1x16xf32>,
      %get3A_235 = vector.shape_cast %get3A_234 : vector<1x16xf32> to vector<16xf32>
      %add3A_236 = arith.addf %add3A_230, %get3A_235 : vector<16xf32>
      %get3A_237 = arith.constant 26 : i32
      %get3A_238 = arith.index_cast %get3A_237 : i32 to index
      %get3A_239 = arith.constant 0 : index
      %get3A_240 = tpu.vector_load %arg8[%get3A_238, %get3A_239] {strides = array<i32>} : memref<40x128xf32, #tpu.memory_space<vmem>>, vector<1x16xf32>,
      %get3A_241 = vector.shape_cast %get3A_240 : vector<1x16xf32> to vector<16xf32>
      %add3A_242 = arith.addf %add3A_236, %get3A_241 : vector<16xf32>
      %get3A_243 = arith.constant 27 : i32
      %get3A_244 = arith.index_cast %get3A_243 : i32 to index
      %get3A_245 = arith.constant 0 : index
      %get3A_246 = tpu.vector_load %arg8[%get3A_244, %get3A_245] {strides = array<i32>} : memref<40x128xf32, #tpu.memory_space<vmem>>, vector<1x16xf32>,
      %get3A_247 = vector.shape_cast %get3A_246 : vector<1x16xf32> to vector<16xf32>
      %add3A_248 = arith.addf %add3A_242, %get3A_247 : vector<16xf32>
      %get3A_249 = arith.constant 28 : i32
      %get3A_250 = arith.index_cast %get3A_249 : i32 to index
      %get3A_251 = arith.constant 0 : index
      %get3A_252 = tpu.vector_load %arg8[%get3A_250, %get3A_251] {strides = array<i32>} : memref<40x128xf32, #tpu.memory_space<vmem>>, vector<1x16xf32>,
      %get3A_253 = vector.shape_cast %get3A_252 : vector<1x16xf32> to vector<16xf32>
      %add3A_254 = arith.addf %add3A_248, %get3A_253 : vector<16xf32>
      %get3A_255 = arith.constant 29 : i32
      %get3A_256 = arith.index_cast %get3A_255 : i32 to index
      %get3A_257 = arith.constant 0 : index
      %get3A_258 = tpu.vector_load %arg8[%get3A_256, %get3A_257] {strides = array<i32>} : memref<40x128xf32, #tpu.memory_space<vmem>>, vector<1x16xf32>,
      %get3A_259 = vector.shape_cast %get3A_258 : vector<1x16xf32> to vector<16xf32>
      %add3A_260 = arith.addf %add3A_254, %get3A_259 : vector<16xf32>
      %get3A_261 = arith.constant 30 : i32
      %get3A_262 = arith.index_cast %get3A_261 : i32 to index
      %get3A_263 = arith.constant 0 : index
      %get3A_264 = tpu.vector_load %arg8[%get3A_262, %get3A_263] {strides = array<i32>} : memref<40x128xf32, #tpu.memory_space<vmem>>, vector<1x16xf32>,
      %get3A_265 = vector.shape_cast %get3A_264 : vector<1x16xf32> to vector<16xf32>
      %add3A_266 = arith.addf %add3A_260, %get3A_265 : vector<16xf32>
      %get3A_267 = arith.constant 31 : i32
      %get3A_268 = arith.index_cast %get3A_267 : i32 to index
      %get3A_269 = arith.constant 0 : index
      %get3A_270 = tpu.vector_load %arg8[%get3A_268, %get3A_269] {strides = array<i32>} : memref<40x128xf32, #tpu.memory_space<vmem>>, vector<1x16xf32>,
      %get3A_271 = vector.shape_cast %get3A_270 : vector<1x16xf32> to vector<16xf32>
      %add3A_272 = arith.addf %add3A_266, %get3A_271 : vector<16xf32>
      %get3A_273 = arith.constant 32 : i32
      %get3A_274 = arith.index_cast %get3A_273 : i32 to index
      %get3A_275 = arith.constant 0 : index
      %get3A_276 = tpu.vector_load %arg8[%get3A_274, %get3A_275] {strides = array<i32>} : memref<40x128xf32, #tpu.memory_space<vmem>>, vector<1x16xf32>,
      %get3A_277 = vector.shape_cast %get3A_276 : vector<1x16xf32> to vector<16xf32>
      %add3A_278 = arith.addf %add3A_272, %get3A_277 : vector<16xf32>
      %get3A_279 = arith.constant 33 : i32
      %get3A_280 = arith.index_cast %get3A_279 : i32 to index
      %get3A_281 = arith.constant 0 : index
      %get3A_282 = tpu.vector_load %arg8[%get3A_280, %get3A_281] {strides = array<i32>} : memref<40x128xf32, #tpu.memory_space<vmem>>, vector<1x16xf32>,
      %get3A_283 = vector.shape_cast %get3A_282 : vector<1x16xf32> to vector<16xf32>
      %add3A_284 = arith.addf %add3A_278, %get3A_283 : vector<16xf32>
      %get3A_285 = arith.constant 34 : i32
      %get3A_286 = arith.index_cast %get3A_285 : i32 to index
      %get3A_287 = arith.constant 0 : index
      %get3A_288 = tpu.vector_load %arg8[%get3A_286, %get3A_287] {strides = array<i32>} : memref<40x128xf32, #tpu.memory_space<vmem>>, vector<1x16xf32>,
      %get3A_289 = vector.shape_cast %get3A_288 : vector<1x16xf32> to vector<16xf32>
      %add3A_290 = arith.addf %add3A_284, %get3A_289 : vector<16xf32>
      %get3A_291 = arith.constant 35 : i32
      %get3A_292 = arith.index_cast %get3A_291 : i32 to index
      %get3A_293 = arith.constant 0 : index
      %get3A_294 = tpu.vector_load %arg8[%get3A_292, %get3A_293] {strides = array<i32>} : memref<40x128xf32, #tpu.memory_space<vmem>>, vector<1x16xf32>,
      %get3A_295 = vector.shape_cast %get3A_294 : vector<1x16xf32> to vector<16xf32>
      %add3A_296 = arith.addf %add3A_290, %get3A_295 : vector<16xf32>
      %get3A_297 = arith.constant 36 : i32
      %get3A_298 = arith.index_cast %get3A_297 : i32 to index
      %get3A_299 = arith.constant 0 : index
      %get3A_300 = tpu.vector_load %arg8[%get3A_298, %get3A_299] {strides = array<i32>} : memref<40x128xf32, #tpu.memory_space<vmem>>, vector<1x16xf32>,
      %get3A_301 = vector.shape_cast %get3A_300 : vector<1x16xf32> to vector<16xf32>
      %add3A_302 = arith.addf %add3A_296, %get3A_301 : vector<16xf32>
      %get3A_303 = arith.constant 37 : i32
      %get3A_304 = arith.index_cast %get3A_303 : i32 to index
      %get3A_305 = arith.constant 0 : index
      %get3A_306 = tpu.vector_load %arg8[%get3A_304, %get3A_305] {strides = array<i32>} : memref<40x128xf32, #tpu.memory_space<vmem>>, vector<1x16xf32>,
      %get3A_307 = vector.shape_cast %get3A_306 : vector<1x16xf32> to vector<16xf32>
      %add3A_308 = arith.addf %add3A_302, %get3A_307 : vector<16xf32>
      %get3A_309 = arith.constant 38 : i32
      %get3A_310 = arith.index_cast %get3A_309 : i32 to index
      %get3A_311 = arith.constant 0 : index
      %get3A_312 = tpu.vector_load %arg8[%get3A_310, %get3A_311] {strides = array<i32>} : memref<40x128xf32, #tpu.memory_space<vmem>>, vector<1x16xf32>,
      %get3A_313 = vector.shape_cast %get3A_312 : vector<1x16xf32> to vector<16xf32>
      %add3A_314 = arith.addf %add3A_308, %get3A_313 : vector<16xf32>
      %get3A_315 = arith.constant 39 : i32
      %get3A_316 = arith.index_cast %get3A_315 : i32 to index
      %get3A_317 = arith.constant 0 : index
      %get3A_318 = tpu.vector_load %arg8[%get3A_316, %get3A_317] {strides = array<i32>} : memref<40x128xf32, #tpu.memory_space<vmem>>, vector<1x16xf32>,
      %get3A_319 = vector.shape_cast %get3A_318 : vector<1x16xf32> to vector<16xf32>
      %add3A_320 = arith.addf %add3A_314, %get3A_319 : vector<16xf32>
      %swap3A = arith.constant 0 : index
      %swap3A_321 = tpu.vector_load %arg9[%swap3A] {strides = array<i32>} : memref<128xf32, #tpu.memory_space<vmem>>, vector<16xf32>,
      %swap3A_322 = vector.shape_cast %swap3A_321 : vector<16xf32> to vector<16xf32>
      %swap3A_323 = vector.shape_cast %add3A_320 : vector<16xf32> to vector<16xf32>
      tpu.vector_store %arg9[%swap3A], %swap3A_323 {strides = array<i32>} : memref<128xf32, #tpu.memory_space<vmem>>, vector<16xf32>,
      %get3A_324 = arith.constant 0 : i32
      %get3A_325 = arith.index_cast %get3A_324 : i32 to index
      %get3A_326 = arith.constant 16 : index
      %get3A_327 = tpu.vector_load %arg8[%get3A_325, %get3A_326] {strides = array<i32>} : memref<40x128xf32, #tpu.memory_space<vmem>>, vector<1x16xf32>,
      %get3A_328 = vector.shape_cast %get3A_327 : vector<1x16xf32> to vector<16xf32>
      %get3A_329 = arith.constant 1 : i32
      %get3A_330 = arith.index_cast %get3A_329 : i32 to index
      %get3A_331 = arith.constant 16 : index
      %get3A_332 = tpu.vector_load %arg8[%get3A_330, %get3A_331] {strides = array<i32>} : memref<40x128xf32, #tpu.memory_space<vmem>>, vector<1x16xf32>,
      %get3A_333 = vector.shape_cast %get3A_332 : vector<1x16xf32> to vector<16xf32>
      %add3A_334 = arith.addf %get3A_328, %get3A_333 : vector<16xf32>
      %get3A_335 = arith.constant 2 : i32
      %get3A_336 = arith.index_cast %get3A_335 : i32 to index
      %get3A_337 = arith.constant 16 : index
      %get3A_338 = tpu.vector_load %arg8[%get3A_336, %get3A_337] {strides = array<i32>} : memref<40x128xf32, #tpu.memory_space<vmem>>, vector<1x16xf32>,
      %get3A_339 = vector.shape_cast %get3A_338 : vector<1x16xf32> to vector<16xf32>
      %add3A_340 = arith.addf %add3A_334, %get3A_339 : vector<16xf32>
      %get3A_341 = arith.constant 3 : i32
      %get3A_342 = arith.index_cast %get3A_341 : i32 to index
      %get3A_343 = arith.constant 16 : index
      %get3A_344 = tpu.vector_load %arg8[%get3A_342, %get3A_343] {strides = array<i32>} : memref<40x128xf32, #tpu.memory_space<vmem>>, vector<1x16xf32>,
      %get3A_345 = vector.shape_cast %get3A_344 : vector<1x16xf32> to vector<16xf32>
      %add3A_346 = arith.addf %add3A_340, %get3A_345 : vector<16xf32>
      %get3A_347 = arith.constant 4 : i32
      %get3A_348 = arith.index_cast %get3A_347 : i32 to index
      %get3A_349 = arith.constant 16 : index
      %get3A_350 = tpu.vector_load %arg8[%get3A_348, %get3A_349] {strides = array<i32>} : memref<40x128xf32, #tpu.memory_space<vmem>>, vector<1x16xf32>,
      %get3A_351 = vector.shape_cast %get3A_350 : vector<1x16xf32> to vector<16xf32>
      %add3A_352 = arith.addf %add3A_346, %get3A_351 : vector<16xf32>
      %get3A_353 = arith.constant 5 : i32
      %get3A_354 = arith.index_cast %get3A_353 : i32 to index
      %get3A_355 = arith.constant 16 : index
      %get3A_356 = tpu.vector_load %arg8[%get3A_354, %get3A_355] {strides = array<i32>} : memref<40x128xf32, #tpu.memory_space<vmem>>, vector<1x16xf32>,
      %get3A_357 = vector.shape_cast %get3A_356 : vector<1x16xf32> to vector<16xf32>
      %add3A_358 = arith.addf %add3A_352, %get3A_357 : vector<16xf32>
      %get3A_359 = arith.constant 6 : i32
      %get3A_360 = arith.index_cast %get3A_359 : i32 to index
      %get3A_361 = arith.constant 16 : index
      %get3A_362 = tpu.vector_load %arg8[%get3A_360, %get3A_361] {strides = array<i32>} : memref<40x128xf32, #tpu.memory_space<vmem>>, vector<1x16xf32>,
      %get3A_363 = vector.shape_cast %get3A_362 : vector<1x16xf32> to vector<16xf32>
      %add3A_364 = arith.addf %add3A_358, %get3A_363 : vector<16xf32>
      %get3A_365 = arith.constant 7 : i32
      %get3A_366 = arith.index_cast %get3A_365 : i32 to index
      %get3A_367 = arith.constant 16 : index
      %get3A_368 = tpu.vector_load %arg8[%get3A_366, %get3A_367] {strides = array<i32>} : memref<40x128xf32, #tpu.memory_space<vmem>>, vector<1x16xf32>,
      %get3A_369 = vector.shape_cast %get3A_368 : vector<1x16xf32> to vector<16xf32>
      %add3A_370 = arith.addf %add3A_364, %get3A_369 : vector<16xf32>
      %get3A_371 = arith.constant 8 : i32
      %get3A_372 = arith.index_cast %get3A_371 : i32 to index
      %get3A_373 = arith.constant 16 : index
      %get3A_374 = tpu.vector_load %arg8[%get3A_372, %get3A_373] {strides = array<i32>} : memref<40x128xf32, #tpu.memory_space<vmem>>, vector<1x16xf32>,
      %get3A_375 = vector.shape_cast %get3A_374 : vector<1x16xf32> to vector<16xf32>
      %add3A_376 = arith.addf %add3A_370, %get3A_375 : vector<16xf32>
      %get3A_377 = arith.constant 9 : i32
      %get3A_378 = arith.index_cast %get3A_377 : i32 to index
      %get3A_379 = arith.constant 16 : index
      %get3A_380 = tpu.vector_load %arg8[%get3A_378, %get3A_379] {strides = array<i32>} : memref<40x128xf32, #tpu.memory_space<vmem>>, vector<1x16xf32>,
      %get3A_381 = vector.shape_cast %get3A_380 : vector<1x16xf32> to vector<16xf32>
      %add3A_382 = arith.addf %add3A_376, %get3A_381 : vector<16xf32>
      %get3A_383 = arith.constant 10 : i32
      %get3A_384 = arith.index_cast %get3A_383 : i32 to index
      %get3A_385 = arith.constant 16 : index
      %get3A_386 = tpu.vector_load %arg8[%get3A_384, %get3A_385] {strides = array<i32>} : memref<40x128xf32, #tpu.memory_space<vmem>>, vector<1x16xf32>,
      %get3A_387 = vector.shape_cast %get3A_386 : vector<1x16xf32> to vector<16xf32>
      %add3A_388 = arith.addf %add3A_382, %get3A_387 : vector<16xf32>
      %get3A_389 = arith.constant 11 : i32
      %get3A_390 = arith.index_cast %get3A_389 : i32 to index
      %get3A_391 = arith.constant 16 : index
      %get3A_392 = tpu.vector_load %arg8[%get3A_390, %get3A_391] {strides = array<i32>} : memref<40x128xf32, #tpu.memory_space<vmem>>, vector<1x16xf32>,
      %get3A_393 = vector.shape_cast %get3A_392 : vector<1x16xf32> to vector<16xf32>
      %add3A_394 = arith.addf %add3A_388, %get3A_393 : vector<16xf32>
      %get3A_395 = arith.constant 12 : i32
      %get3A_396 = arith.index_cast %get3A_395 : i32 to index
      %get3A_397 = arith.constant 16 : index
      %get3A_398 = tpu.vector_load %arg8[%get3A_396, %get3A_397] {strides = array<i32>} : memref<40x128xf32, #tpu.memory_space<vmem>>, vector<1x16xf32>,
      %get3A_399 = vector.shape_cast %get3A_398 : vector<1x16xf32> to vector<16xf32>
      %add3A_400 = arith.addf %add3A_394, %get3A_399 : vector<16xf32>
      %get3A_401 = arith.constant 13 : i32
      %get3A_402 = arith.index_cast %get3A_401 : i32 to index
      %get3A_403 = arith.constant 16 : index
      %get3A_404 = tpu.vector_load %arg8[%get3A_402, %get3A_403] {strides = array<i32>} : memref<40x128xf32, #tpu.memory_space<vmem>>, vector<1x16xf32>,
      %get3A_405 = vector.shape_cast %get3A_404 : vector<1x16xf32> to vector<16xf32>
      %add3A_406 = arith.addf %add3A_400, %get3A_405 : vector<16xf32>
      %get3A_407 = arith.constant 14 : i32
      %get3A_408 = arith.index_cast %get3A_407 : i32 to index
      %get3A_409 = arith.constant 16 : index
      %get3A_410 = tpu.vector_load %arg8[%get3A_408, %get3A_409] {strides = array<i32>} : memref<40x128xf32, #tpu.memory_space<vmem>>, vector<1x16xf32>,
      %get3A_411 = vector.shape_cast %get3A_410 : vector<1x16xf32> to vector<16xf32>
      %add3A_412 = arith.addf %add3A_406, %get3A_411 : vector<16xf32>
      %get3A_413 = arith.constant 15 : i32
      %get3A_414 = arith.index_cast %get3A_413 : i32 to index
      %get3A_415 = arith.constant 16 : index
      %get3A_416 = tpu.vector_load %arg8[%get3A_414, %get3A_415] {strides = array<i32>} : memref<40x128xf32, #tpu.memory_space<vmem>>, vector<1x16xf32>,
      %get3A_417 = vector.shape_cast %get3A_416 : vector<1x16xf32> to vector<16xf32>
      %add3A_418 = arith.addf %add3A_412, %get3A_417 : vector<16xf32>
      %get3A_419 = arith.constant 16 : i32
      %get3A_420 = arith.index_cast %get3A_419 : i32 to index
      %get3A_421 = arith.constant 16 : index
      %get3A_422 = tpu.vector_load %arg8[%get3A_420, %get3A_421] {strides = array<i32>} : memref<40x128xf32, #tpu.memory_space<vmem>>, vector<1x16xf32>,
      %get3A_423 = vector.shape_cast %get3A_422 : vector<1x16xf32> to vector<16xf32>
      %add3A_424 = arith.addf %add3A_418, %get3A_423 : vector<16xf32>
      %get3A_425 = arith.constant 17 : i32
      %get3A_426 = arith.index_cast %get3A_425 : i32 to index
      %get3A_427 = arith.constant 16 : index
      %get3A_428 = tpu.vector_load %arg8[%get3A_426, %get3A_427] {strides = array<i32>} : memref<40x128xf32, #tpu.memory_space<vmem>>, vector<1x16xf32>,
      %get3A_429 = vector.shape_cast %get3A_428 : vector<1x16xf32> to vector<16xf32>
      %add3A_430 = arith.addf %add3A_424, %get3A_429 : vector<16xf32>
      %get3A_431 = arith.constant 18 : i32
      %get3A_432 = arith.index_cast %get3A_431 : i32 to index
      %get3A_433 = arith.constant 16 : index
      %get3A_434 = tpu.vector_load %arg8[%get3A_432, %get3A_433] {strides = array<i32>} : memref<40x128xf32, #tpu.memory_space<vmem>>, vector<1x16xf32>,
      %get3A_435 = vector.shape_cast %get3A_434 : vector<1x16xf32> to vector<16xf32>
      %add3A_436 = arith.addf %add3A_430, %get3A_435 : vector<16xf32>
      %get3A_437 = arith.constant 19 : i32
      %get3A_438 = arith.index_cast %get3A_437 : i32 to index
      %get3A_439 = arith.constant 16 : index
      %get3A_440 = tpu.vector_load %arg8[%get3A_438, %get3A_439] {strides = array<i32>} : memref<40x128xf32, #tpu.memory_space<vmem>>, vector<1x16xf32>,
      %get3A_441 = vector.shape_cast %get3A_440 : vector<1x16xf32> to vector<16xf32>
      %add3A_442 = arith.addf %add3A_436, %get3A_441 : vector<16xf32>
      %get3A_443 = arith.constant 20 : i32
      %get3A_444 = arith.index_cast %get3A_443 : i32 to index
      %get3A_445 = arith.constant 16 : index
      %get3A_446 = tpu.vector_load %arg8[%get3A_444, %get3A_445] {strides = array<i32>} : memref<40x128xf32, #tpu.memory_space<vmem>>, vector<1x16xf32>,
      %get3A_447 = vector.shape_cast %get3A_446 : vector<1x16xf32> to vector<16xf32>
      %add3A_448 = arith.addf %add3A_442, %get3A_447 : vector<16xf32>
      %get3A_449 = arith.constant 21 : i32
      %get3A_450 = arith.index_cast %get3A_449 : i32 to index
      %get3A_451 = arith.constant 16 : index
      %get3A_452 = tpu.vector_load %arg8[%get3A_450, %get3A_451] {strides = array<i32>} : memref<40x128xf32, #tpu.memory_space<vmem>>, vector<1x16xf32>,
      %get3A_453 = vector.shape_cast %get3A_452 : vector<1x16xf32> to vector<16xf32>
      %add3A_454 = arith.addf %add3A_448, %get3A_453 : vector<16xf32>
      %get3A_455 = arith.constant 22 : i32
      %get3A_456 = arith.index_cast %get3A_455 : i32 to index
      %get3A_457 = arith.constant 16 : index
      %get3A_458 = tpu.vector_load %arg8[%get3A_456, %get3A_457] {strides = array<i32>} : memref<40x128xf32, #tpu.memory_space<vmem>>, vector<1x16xf32>,
      %get3A_459 = vector.shape_cast %get3A_458 : vector<1x16xf32> to vector<16xf32>
      %add3A_460 = arith.addf %add3A_454, %get3A_459 : vector<16xf32>
      %get3A_461 = arith.constant 23 : i32
      %get3A_462 = arith.index_cast %get3A_461 : i32 to index
      %get3A_463 = arith.constant 16 : index
      %get3A_464 = tpu.vector_load %arg8[%get3A_462, %get3A_463] {strides = array<i32>} : memref<40x128xf32, #tpu.memory_space<vmem>>, vector<1x16xf32>,
      %get3A_465 = vector.shape_cast %get3A_464 : vector<1x16xf32> to vector<16xf32>
      %add3A_466 = arith.addf %add3A_460, %get3A_465 : vector<16xf32>
      %get3A_467 = arith.constant 24 : i32
      %get3A_468 = arith.index_cast %get3A_467 : i32 to index
      %get3A_469 = arith.constant 16 : index
      %get3A_470 = tpu.vector_load %arg8[%get3A_468, %get3A_469] {strides = array<i32>} : memref<40x128xf32, #tpu.memory_space<vmem>>, vector<1x16xf32>,
      %get3A_471 = vector.shape_cast %get3A_470 : vector<1x16xf32> to vector<16xf32>
      %add3A_472 = arith.addf %add3A_466, %get3A_471 : vector<16xf32>
      %get3A_473 = arith.constant 25 : i32
      %get3A_474 = arith.index_cast %get3A_473 : i32 to index
      %get3A_475 = arith.constant 16 : index
      %get3A_476 = tpu.vector_load %arg8[%get3A_474, %get3A_475] {strides = array<i32>} : memref<40x128xf32, #tpu.memory_space<vmem>>, vector<1x16xf32>,
      %get3A_477 = vector.shape_cast %get3A_476 : vector<1x16xf32> to vector<16xf32>
      %add3A_478 = arith.addf %add3A_472, %get3A_477 : vector<16xf32>
      %get3A_479 = arith.constant 26 : i32
      %get3A_480 = arith.index_cast %get3A_479 : i32 to index
      %get3A_481 = arith.constant 16 : index
      %get3A_482 = tpu.vector_load %arg8[%get3A_480, %get3A_481] {strides = array<i32>} : memref<40x128xf32, #tpu.memory_space<vmem>>, vector<1x16xf32>,
      %get3A_483 = vector.shape_cast %get3A_482 : vector<1x16xf32> to vector<16xf32>
      %add3A_484 = arith.addf %add3A_478, %get3A_483 : vector<16xf32>
      %get3A_485 = arith.constant 27 : i32
      %get3A_486 = arith.index_cast %get3A_485 : i32 to index
      %get3A_487 = arith.constant 16 : index
      %get3A_488 = tpu.vector_load %arg8[%get3A_486, %get3A_487] {strides = array<i32>} : memref<40x128xf32, #tpu.memory_space<vmem>>, vector<1x16xf32>,
      %get3A_489 = vector.shape_cast %get3A_488 : vector<1x16xf32> to vector<16xf32>
      %add3A_490 = arith.addf %add3A_484, %get3A_489 : vector<16xf32>
      %get3A_491 = arith.constant 28 : i32
      %get3A_492 = arith.index_cast %get3A_491 : i32 to index
      %get3A_493 = arith.constant 16 : index
      %get3A_494 = tpu.vector_load %arg8[%get3A_492, %get3A_493] {strides = array<i32>} : memref<40x128xf32, #tpu.memory_space<vmem>>, vector<1x16xf32>,
      %get3A_495 = vector.shape_cast %get3A_494 : vector<1x16xf32> to vector<16xf32>
      %add3A_496 = arith.addf %add3A_490, %get3A_495 : vector<16xf32>
      %get3A_497 = arith.constant 29 : i32
      %get3A_498 = arith.index_cast %get3A_497 : i32 to index
      %get3A_499 = arith.constant 16 : index
      %get3A_500 = tpu.vector_load %arg8[%get3A_498, %get3A_499] {strides = array<i32>} : memref<40x128xf32, #tpu.memory_space<vmem>>, vector<1x16xf32>,
      %get3A_501 = vector.shape_cast %get3A_500 : vector<1x16xf32> to vector<16xf32>
      %add3A_502 = arith.addf %add3A_496, %get3A_501 : vector<16xf32>
      %get3A_503 = arith.constant 30 : i32
      %get3A_504 = arith.index_cast %get3A_503 : i32 to index
      %get3A_505 = arith.constant 16 : index
      %get3A_506 = tpu.vector_load %arg8[%get3A_504, %get3A_505] {strides = array<i32>} : memref<40x128xf32, #tpu.memory_space<vmem>>, vector<1x16xf32>,
      %get3A_507 = vector.shape_cast %get3A_506 : vector<1x16xf32> to vector<16xf32>
      %add3A_508 = arith.addf %add3A_502, %get3A_507 : vector<16xf32>
      %get3A_509 = arith.constant 31 : i32
      %get3A_510 = arith.index_cast %get3A_509 : i32 to index
      %get3A_511 = arith.constant 16 : index
      %get3A_512 = tpu.vector_load %arg8[%get3A_510, %get3A_511] {strides = array<i32>} : memref<40x128xf32, #tpu.memory_space<vmem>>, vector<1x16xf32>,
      %get3A_513 = vector.shape_cast %get3A_512 : vector<1x16xf32> to vector<16xf32>
      %add3A_514 = arith.addf %add3A_508, %get3A_513 : vector<16xf32>
      %get3A_515 = arith.constant 32 : i32
      %get3A_516 = arith.index_cast %get3A_515 : i32 to index
      %get3A_517 = arith.constant 16 : index
      %get3A_518 = tpu.vector_load %arg8[%get3A_516, %get3A_517] {strides = array<i32>} : memref<40x128xf32, #tpu.memory_space<vmem>>, vector<1x16xf32>,
      %get3A_519 = vector.shape_cast %get3A_518 : vector<1x16xf32> to vector<16xf32>
      %add3A_520 = arith.addf %add3A_514, %get3A_519 : vector<16xf32>
      %get3A_521 = arith.constant 33 : i32
      %get3A_522 = arith.index_cast %get3A_521 : i32 to index
      %get3A_523 = arith.constant 16 : index
      %get3A_524 = tpu.vector_load %arg8[%get3A_522, %get3A_523] {strides = array<i32>} : memref<40x128xf32, #tpu.memory_space<vmem>>, vector<1x16xf32>,
      %get3A_525 = vector.shape_cast %get3A_524 : vector<1x16xf32> to vector<16xf32>
      %add3A_526 = arith.addf %add3A_520, %get3A_525 : vector<16xf32>
      %get3A_527 = arith.constant 34 : i32
      %get3A_528 = arith.index_cast %get3A_527 : i32 to index
      %get3A_529 = arith.constant 16 : index
      %get3A_530 = tpu.vector_load %arg8[%get3A_528, %get3A_529] {strides = array<i32>} : memref<40x128xf32, #tpu.memory_space<vmem>>, vector<1x16xf32>,
      %get3A_531 = vector.shape_cast %get3A_530 : vector<1x16xf32> to vector<16xf32>
      %add3A_532 = arith.addf %add3A_526, %get3A_531 : vector<16xf32>
      %get3A_533 = arith.constant 35 : i32
      %get3A_534 = arith.index_cast %get3A_533 : i32 to index
      %get3A_535 = arith.constant 16 : index
      %get3A_536 = tpu.vector_load %arg8[%get3A_534, %get3A_535] {strides = array<i32>} : memref<40x128xf32, #tpu.memory_space<vmem>>, vector<1x16xf32>,
      %get3A_537 = vector.shape_cast %get3A_536 : vector<1x16xf32> to vector<16xf32>
      %add3A_538 = arith.addf %add3A_532, %get3A_537 : vector<16xf32>
      %get3A_539 = arith.constant 36 : i32
      %get3A_540 = arith.index_cast %get3A_539 : i32 to index
      %get3A_541 = arith.constant 16 : index
      %get3A_542 = tpu.vector_load %arg8[%get3A_540, %get3A_541] {strides = array<i32>} : memref<40x128xf32, #tpu.memory_space<vmem>>, vector<1x16xf32>,
      %get3A_543 = vector.shape_cast %get3A_542 : vector<1x16xf32> to vector<16xf32>
      %add3A_544 = arith.addf %add3A_538, %get3A_543 : vector<16xf32>
      %get3A_545 = arith.constant 37 : i32
      %get3A_546 = arith.index_cast %get3A_545 : i32 to index
      %get3A_547 = arith.constant 16 : index
      %get3A_548 = tpu.vector_load %arg8[%get3A_546, %get3A_547] {strides = array<i32>} : memref<40x128xf32, #tpu.memory_space<vmem>>, vector<1x16xf32>,
      %get3A_549 = vector.shape_cast %get3A_548 : vector<1x16xf32> to vector<16xf32>
      %add3A_550 = arith.addf %add3A_544, %get3A_549 : vector<16xf32>
      %get3A_551 = arith.constant 38 : i32
      %get3A_552 = arith.index_cast %get3A_551 : i32 to index
      %get3A_553 = arith.constant 16 : index
      %get3A_554 = tpu.vector_load %arg8[%get3A_552, %get3A_553] {strides = array<i32>} : memref<40x128xf32, #tpu.memory_space<vmem>>, vector<1x16xf32>,
      %get3A_555 = vector.shape_cast %get3A_554 : vector<1x16xf32> to vector<16xf32>
      %add3A_556 = arith.addf %add3A_550, %get3A_555 : vector<16xf32>
      %get3A_557 = arith.constant 39 : i32
      %get3A_558 = arith.index_cast %get3A_557 : i32 to index
      %get3A_559 = arith.constant 16 : index
      %get3A_560 = tpu.vector_load %arg8[%get3A_558, %get3A_559] {strides = array<i32>} : memref<40x128xf32, #tpu.memory_space<vmem>>, vector<1x16xf32>,
      %get3A_561 = vector.shape_cast %get3A_560 : vector<1x16xf32> to vector<16xf32>
      %add3A_562 = arith.addf %add3A_556, %get3A_561 : vector<16xf32>
      %swap3A_563 = arith.constant 16 : index
      %swap3A_564 = tpu.vector_load %arg9[%swap3A_563] {strides = array<i32>} : memref<128xf32, #tpu.memory_space<vmem>>, vector<16xf32>,
      %swap3A_565 = vector.shape_cast %swap3A_564 : vector<16xf32> to vector<16xf32>
      %swap3A_566 = vector.shape_cast %add3A_562 : vector<16xf32> to vector<16xf32>
      tpu.vector_store %arg9[%swap3A_563], %swap3A_566 {strides = array<i32>} : memref<128xf32, #tpu.memory_space<vmem>>, vector<16xf32>,
      %get3A_567 = arith.constant 0 : i32
      %get3A_568 = arith.index_cast %get3A_567 : i32 to index
      %get3A_569 = arith.constant 32 : index
      %get3A_570 = tpu.vector_load %arg8[%get3A_568, %get3A_569] {strides = array<i32>} : memref<40x128xf32, #tpu.memory_space<vmem>>, vector<1x16xf32>,
      %get3A_571 = vector.shape_cast %get3A_570 : vector<1x16xf32> to vector<16xf32>
      %get3A_572 = arith.constant 1 : i32
      %get3A_573 = arith.index_cast %get3A_572 : i32 to index
      %get3A_574 = arith.constant 32 : index
      %get3A_575 = tpu.vector_load %arg8[%get3A_573, %get3A_574] {strides = array<i32>} : memref<40x128xf32, #tpu.memory_space<vmem>>, vector<1x16xf32>,
      %get3A_576 = vector.shape_cast %get3A_575 : vector<1x16xf32> to vector<16xf32>
      %add3A_577 = arith.addf %get3A_571, %get3A_576 : vector<16xf32>
      %get3A_578 = arith.constant 2 : i32
      %get3A_579 = arith.index_cast %get3A_578 : i32 to index
      %get3A_580 = arith.constant 32 : index
      %get3A_581 = tpu.vector_load %arg8[%get3A_579, %get3A_580] {strides = array<i32>} : memref<40x128xf32, #tpu.memory_space<vmem>>, vector<1x16xf32>,
      %get3A_582 = vector.shape_cast %get3A_581 : vector<1x16xf32> to vector<16xf32>
      %add3A_583 = arith.addf %add3A_577, %get3A_582 : vector<16xf32>
      %get3A_584 = arith.constant 3 : i32
      %get3A_585 = arith.index_cast %get3A_584 : i32 to index
      %get3A_586 = arith.constant 32 : index
      %get3A_587 = tpu.vector_load %arg8[%get3A_585, %get3A_586] {strides = array<i32>} : memref<40x128xf32, #tpu.memory_space<vmem>>, vector<1x16xf32>,
      %get3A_588 = vector.shape_cast %get3A_587 : vector<1x16xf32> to vector<16xf32>
      %add3A_589 = arith.addf %add3A_583, %get3A_588 : vector<16xf32>
      %get3A_590 = arith.constant 4 : i32
      %get3A_591 = arith.index_cast %get3A_590 : i32 to index
      %get3A_592 = arith.constant 32 : index
      %get3A_593 = tpu.vector_load %arg8[%get3A_591, %get3A_592] {strides = array<i32>} : memref<40x128xf32, #tpu.memory_space<vmem>>, vector<1x16xf32>,
      %get3A_594 = vector.shape_cast %get3A_593 : vector<1x16xf32> to vector<16xf32>
      %add3A_595 = arith.addf %add3A_589, %get3A_594 : vector<16xf32>
      %get3A_596 = arith.constant 5 : i32
      %get3A_597 = arith.index_cast %get3A_596 : i32 to index
      %get3A_598 = arith.constant 32 : index
      %get3A_599 = tpu.vector_load %arg8[%get3A_597, %get3A_598] {strides = array<i32>} : memref<40x128xf32, #tpu.memory_space<vmem>>, vector<1x16xf32>,
      %get3A_600 = vector.shape_cast %get3A_599 : vector<1x16xf32> to vector<16xf32>
      %add3A_601 = arith.addf %add3A_595, %get3A_600 : vector<16xf32>
      %get3A_602 = arith.constant 6 : i32
      %get3A_603 = arith.index_cast %get3A_602 : i32 to index
      %get3A_604 = arith.constant 32 : index
      %get3A_605 = tpu.vector_load %arg8[%get3A_603, %get3A_604] {strides = array<i32>} : memref<40x128xf32, #tpu.memory_space<vmem>>, vector<1x16xf32>,
      %get3A_606 = vector.shape_cast %get3A_605 : vector<1x16xf32> to vector<16xf32>
      %add3A_607 = arith.addf %add3A_601, %get3A_606 : vector<16xf32>
      %get3A_608 = arith.constant 7 : i32
      %get3A_609 = arith.index_cast %get3A_608 : i32 to index
      %get3A_610 = arith.constant 32 : index
      %get3A_611 = tpu.vector_load %arg8[%get3A_609, %get3A_610] {strides = array<i32>} : memref<40x128xf32, #tpu.memory_space<vmem>>, vector<1x16xf32>,
      %get3A_612 = vector.shape_cast %get3A_611 : vector<1x16xf32> to vector<16xf32>
      %add3A_613 = arith.addf %add3A_607, %get3A_612 : vector<16xf32>
      %get3A_614 = arith.constant 8 : i32
      %get3A_615 = arith.index_cast %get3A_614 : i32 to index
      %get3A_616 = arith.constant 32 : index
      %get3A_617 = tpu.vector_load %arg8[%get3A_615, %get3A_616] {strides = array<i32>} : memref<40x128xf32, #tpu.memory_space<vmem>>, vector<1x16xf32>,
      %get3A_618 = vector.shape_cast %get3A_617 : vector<1x16xf32> to vector<16xf32>
      %add3A_619 = arith.addf %add3A_613, %get3A_618 : vector<16xf32>
      %get3A_620 = arith.constant 9 : i32
      %get3A_621 = arith.index_cast %get3A_620 : i32 to index
      %get3A_622 = arith.constant 32 : index
      %get3A_623 = tpu.vector_load %arg8[%get3A_621, %get3A_622] {strides = array<i32>} : memref<40x128xf32, #tpu.memory_space<vmem>>, vector<1x16xf32>,
      %get3A_624 = vector.shape_cast %get3A_623 : vector<1x16xf32> to vector<16xf32>
      %add3A_625 = arith.addf %add3A_619, %get3A_624 : vector<16xf32>
      %get3A_626 = arith.constant 10 : i32
      %get3A_627 = arith.index_cast %get3A_626 : i32 to index
      %get3A_628 = arith.constant 32 : index
      %get3A_629 = tpu.vector_load %arg8[%get3A_627, %get3A_628] {strides = array<i32>} : memref<40x128xf32, #tpu.memory_space<vmem>>, vector<1x16xf32>,
      %get3A_630 = vector.shape_cast %get3A_629 : vector<1x16xf32> to vector<16xf32>
      %add3A_631 = arith.addf %add3A_625, %get3A_630 : vector<16xf32>
      %get3A_632 = arith.constant 11 : i32
      %get3A_633 = arith.index_cast %get3A_632 : i32 to index
      %get3A_634 = arith.constant 32 : index
      %get3A_635 = tpu.vector_load %arg8[%get3A_633, %get3A_634] {strides = array<i32>} : memref<40x128xf32, #tpu.memory_space<vmem>>, vector<1x16xf32>,
      %get3A_636 = vector.shape_cast %get3A_635 : vector<1x16xf32> to vector<16xf32>
      %add3A_637 = arith.addf %add3A_631, %get3A_636 : vector<16xf32>
      %get3A_638 = arith.constant 12 : i32
      %get3A_639 = arith.index_cast %get3A_638 : i32 to index
      %get3A_640 = arith.constant 32 : index
      %get3A_641 = tpu.vector_load %arg8[%get3A_639, %get3A_640] {strides = array<i32>} : memref<40x128xf32, #tpu.memory_space<vmem>>, vector<1x16xf32>,
      %get3A_642 = vector.shape_cast %get3A_641 : vector<1x16xf32> to vector<16xf32>
      %add3A_643 = arith.addf %add3A_637, %get3A_642 : vector<16xf32>
      %get3A_644 = arith.constant 13 : i32
      %get3A_645 = arith.index_cast %get3A_644 : i32 to index
      %get3A_646 = arith.constant 32 : index
      %get3A_647 = tpu.vector_load %arg8[%get3A_645, %get3A_646] {strides = array<i32>} : memref<40x128xf32, #tpu.memory_space<vmem>>, vector<1x16xf32>,
      %get3A_648 = vector.shape_cast %get3A_647 : vector<1x16xf32> to vector<16xf32>
      %add3A_649 = arith.addf %add3A_643, %get3A_648 : vector<16xf32>
      %get3A_650 = arith.constant 14 : i32
      %get3A_651 = arith.index_cast %get3A_650 : i32 to index
      %get3A_652 = arith.constant 32 : index
      %get3A_653 = tpu.vector_load %arg8[%get3A_651, %get3A_652] {strides = array<i32>} : memref<40x128xf32, #tpu.memory_space<vmem>>, vector<1x16xf32>,
      %get3A_654 = vector.shape_cast %get3A_653 : vector<1x16xf32> to vector<16xf32>
      %add3A_655 = arith.addf %add3A_649, %get3A_654 : vector<16xf32>
      %get3A_656 = arith.constant 15 : i32
      %get3A_657 = arith.index_cast %get3A_656 : i32 to index
      %get3A_658 = arith.constant 32 : index
      %get3A_659 = tpu.vector_load %arg8[%get3A_657, %get3A_658] {strides = array<i32>} : memref<40x128xf32, #tpu.memory_space<vmem>>, vector<1x16xf32>,
      %get3A_660 = vector.shape_cast %get3A_659 : vector<1x16xf32> to vector<16xf32>
      %add3A_661 = arith.addf %add3A_655, %get3A_660 : vector<16xf32>
      %get3A_662 = arith.constant 16 : i32
      %get3A_663 = arith.index_cast %get3A_662 : i32 to index
      %get3A_664 = arith.constant 32 : index
      %get3A_665 = tpu.vector_load %arg8[%get3A_663, %get3A_664] {strides = array<i32>} : memref<40x128xf32, #tpu.memory_space<vmem>>, vector<1x16xf32>,
      %get3A_666 = vector.shape_cast %get3A_665 : vector<1x16xf32> to vector<16xf32>
      %add3A_667 = arith.addf %add3A_661, %get3A_666 : vector<16xf32>
      %get3A_668 = arith.constant 17 : i32
      %get3A_669 = arith.index_cast %get3A_668 : i32 to index
      %get3A_670 = arith.constant 32 : index
      %get3A_671 = tpu.vector_load %arg8[%get3A_669, %get3A_670] {strides = array<i32>} : memref<40x128xf32, #tpu.memory_space<vmem>>, vector<1x16xf32>,
      %get3A_672 = vector.shape_cast %get3A_671 : vector<1x16xf32> to vector<16xf32>
      %add3A_673 = arith.addf %add3A_667, %get3A_672 : vector<16xf32>
      %get3A_674 = arith.constant 18 : i32
      %get3A_675 = arith.index_cast %get3A_674 : i32 to index
      %get3A_676 = arith.constant 32 : index
      %get3A_677 = tpu.vector_load %arg8[%get3A_675, %get3A_676] {strides = array<i32>} : memref<40x128xf32, #tpu.memory_space<vmem>>, vector<1x16xf32>,
      %get3A_678 = vector.shape_cast %get3A_677 : vector<1x16xf32> to vector<16xf32>
      %add3A_679 = arith.addf %add3A_673, %get3A_678 : vector<16xf32>
      %get3A_680 = arith.constant 19 : i32
      %get3A_681 = arith.index_cast %get3A_680 : i32 to index
      %get3A_682 = arith.constant 32 : index
      %get3A_683 = tpu.vector_load %arg8[%get3A_681, %get3A_682] {strides = array<i32>} : memref<40x128xf32, #tpu.memory_space<vmem>>, vector<1x16xf32>,
      %get3A_684 = vector.shape_cast %get3A_683 : vector<1x16xf32> to vector<16xf32>
      %add3A_685 = arith.addf %add3A_679, %get3A_684 : vector<16xf32>
      %get3A_686 = arith.constant 20 : i32
      %get3A_687 = arith.index_cast %get3A_686 : i32 to index
      %get3A_688 = arith.constant 32 : index
      %get3A_689 = tpu.vector_load %arg8[%get3A_687, %get3A_688] {strides = array<i32>} : memref<40x128xf32, #tpu.memory_space<vmem>>, vector<1x16xf32>,
      %get3A_690 = vector.shape_cast %get3A_689 : vector<1x16xf32> to vector<16xf32>
      %add3A_691 = arith.addf %add3A_685, %get3A_690 : vector<16xf32>
      %get3A_692 = arith.constant 21 : i32
      %get3A_693 = arith.index_cast %get3A_692 : i32 to index
      %get3A_694 = arith.constant 32 : index
      %get3A_695 = tpu.vector_load %arg8[%get3A_693, %get3A_694] {strides = array<i32>} : memref<40x128xf32, #tpu.memory_space<vmem>>, vector<1x16xf32>,
      %get3A_696 = vector.shape_cast %get3A_695 : vector<1x16xf32> to vector<16xf32>
      %add3A_697 = arith.addf %add3A_691, %get3A_696 : vector<16xf32>
      %get3A_698 = arith.constant 22 : i32
      %get3A_699 = arith.index_cast %get3A_698 : i32 to index
      %get3A_700 = arith.constant 32 : index
      %get3A_701 = tpu.vector_load %arg8[%get3A_699, %get3A_700] {strides = array<i32>} : memref<40x128xf32, #tpu.memory_space<vmem>>, vector<1x16xf32>,
      %get3A_702 = vector.shape_cast %get3A_701 : vector<1x16xf32> to vector<16xf32>
      %add3A_703 = arith.addf %add3A_697, %get3A_702 : vector<16xf32>
      %get3A_704 = arith.constant 23 : i32
      %get3A_705 = arith.index_cast %get3A_704 : i32 to index
      %get3A_706 = arith.constant 32 : index
      %get3A_707 = tpu.vector_load %arg8[%get3A_705, %get3A_706] {strides = array<i32>} : memref<40x128xf32, #tpu.memory_space<vmem>>, vector<1x16xf32>,
      %get3A_708 = vector.shape_cast %get3A_707 : vector<1x16xf32> to vector<16xf32>
      %add3A_709 = arith.addf %add3A_703, %get3A_708 : vector<16xf32>
      %get3A_710 = arith.constant 24 : i32
      %get3A_711 = arith.index_cast %get3A_710 : i32 to index
      %get3A_712 = arith.constant 32 : index
      %get3A_713 = tpu.vector_load %arg8[%get3A_711, %get3A_712] {strides = array<i32>} : memref<40x128xf32, #tpu.memory_space<vmem>>, vector<1x16xf32>,
      %get3A_714 = vector.shape_cast %get3A_713 : vector<1x16xf32> to vector<16xf32>
      %add3A_715 = arith.addf %add3A_709, %get3A_714 : vector<16xf32>
      %get3A_716 = arith.constant 25 : i32
      %get3A_717 = arith.index_cast %get3A_716 : i32 to index
      %get3A_718 = arith.constant 32 : index
      %get3A_719 = tpu.vector_load %arg8[%get3A_717, %get3A_718] {strides = array<i32>} : memref<40x128xf32, #tpu.memory_space<vmem>>, vector<1x16xf32>,
      %get3A_720 = vector.shape_cast %get3A_719 : vector<1x16xf32> to vector<16xf32>
      %add3A_721 = arith.addf %add3A_715, %get3A_720 : vector<16xf32>
      %get3A_722 = arith.constant 26 : i32
      %get3A_723 = arith.index_cast %get3A_722 : i32 to index
      %get3A_724 = arith.constant 32 : index
      %get3A_725 = tpu.vector_load %arg8[%get3A_723, %get3A_724] {strides = array<i32>} : memref<40x128xf32, #tpu.memory_space<vmem>>, vector<1x16xf32>,
      %get3A_726 = vector.shape_cast %get3A_725 : vector<1x16xf32> to vector<16xf32>
      %add3A_727 = arith.addf %add3A_721, %get3A_726 : vector<16xf32>
      %get3A_728 = arith.constant 27 : i32
      %get3A_729 = arith.index_cast %get3A_728 : i32 to index
      %get3A_730 = arith.constant 32 : index
      %get3A_731 = tpu.vector_load %arg8[%get3A_729, %get3A_730] {strides = array<i32>} : memref<40x128xf32, #tpu.memory_space<vmem>>, vector<1x16xf32>,
      %get3A_732 = vector.shape_cast %get3A_731 : vector<1x16xf32> to vector<16xf32>
      %add3A_733 = arith.addf %add3A_727, %get3A_732 : vector<16xf32>
      %get3A_734 = arith.constant 28 : i32
      %get3A_735 = arith.index_cast %get3A_734 : i32 to index
      %get3A_736 = arith.constant 32 : index
      %get3A_737 = tpu.vector_load %arg8[%get3A_735, %get3A_736] {strides = array<i32>} : memref<40x128xf32, #tpu.memory_space<vmem>>, vector<1x16xf32>,
      %get3A_738 = vector.shape_cast %get3A_737 : vector<1x16xf32> to vector<16xf32>
      %add3A_739 = arith.addf %add3A_733, %get3A_738 : vector<16xf32>
      %get3A_740 = arith.constant 29 : i32
      %get3A_741 = arith.index_cast %get3A_740 : i32 to index
      %get3A_742 = arith.constant 32 : index
      %get3A_743 = tpu.vector_load %arg8[%get3A_741, %get3A_742] {strides = array<i32>} : memref<40x128xf32, #tpu.memory_space<vmem>>, vector<1x16xf32>,
      %get3A_744 = vector.shape_cast %get3A_743 : vector<1x16xf32> to vector<16xf32>
      %add3A_745 = arith.addf %add3A_739, %get3A_744 : vector<16xf32>
      %get3A_746 = arith.constant 30 : i32
      %get3A_747 = arith.index_cast %get3A_746 : i32 to index
      %get3A_748 = arith.constant 32 : index
      %get3A_749 = tpu.vector_load %arg8[%get3A_747, %get3A_748] {strides = array<i32>} : memref<40x128xf32, #tpu.memory_space<vmem>>, vector<1x16xf32>,
      %get3A_750 = vector.shape_cast %get3A_749 : vector<1x16xf32> to vector<16xf32>
      %add3A_751 = arith.addf %add3A_745, %get3A_750 : vector<16xf32>
      %get3A_752 = arith.constant 31 : i32
      %get3A_753 = arith.index_cast %get3A_752 : i32 to index
      %get3A_754 = arith.constant 32 : index
      %get3A_755 = tpu.vector_load %arg8[%get3A_753, %get3A_754] {strides = array<i32>} : memref<40x128xf32, #tpu.memory_space<vmem>>, vector<1x16xf32>,
      %get3A_756 = vector.shape_cast %get3A_755 : vector<1x16xf32> to vector<16xf32>
      %add3A_757 = arith.addf %add3A_751, %get3A_756 : vector<16xf32>
      %get3A_758 = arith.constant 32 : i32
      %get3A_759 = arith.index_cast %get3A_758 : i32 to index
      %get3A_760 = arith.constant 32 : index
      %get3A_761 = tpu.vector_load %arg8[%get3A_759, %get3A_760] {strides = array<i32>} : memref<40x128xf32, #tpu.memory_space<vmem>>, vector<1x16xf32>,
      %get3A_762 = vector.shape_cast %get3A_761 : vector<1x16xf32> to vector<16xf32>
      %add3A_763 = arith.addf %add3A_757, %get3A_762 : vector<16xf32>
      %get3A_764 = arith.constant 33 : i32
      %get3A_765 = arith.index_cast %get3A_764 : i32 to index
      %get3A_766 = arith.constant 32 : index
      %get3A_767 = tpu.vector_load %arg8[%get3A_765, %get3A_766] {strides = array<i32>} : memref<40x128xf32, #tpu.memory_space<vmem>>, vector<1x16xf32>,
      %get3A_768 = vector.shape_cast %get3A_767 : vector<1x16xf32> to vector<16xf32>
      %add3A_769 = arith.addf %add3A_763, %get3A_768 : vector<16xf32>
      %get3A_770 = arith.constant 34 : i32
      %get3A_771 = arith.index_cast %get3A_770 : i32 to index
      %get3A_772 = arith.constant 32 : index
      %get3A_773 = tpu.vector_load %arg8[%get3A_771, %get3A_772] {strides = array<i32>} : memref<40x128xf32, #tpu.memory_space<vmem>>, vector<1x16xf32>,
      %get3A_774 = vector.shape_cast %get3A_773 : vector<1x16xf32> to vector<16xf32>
      %add3A_775 = arith.addf %add3A_769, %get3A_774 : vector<16xf32>
      %get3A_776 = arith.constant 35 : i32
      %get3A_777 = arith.index_cast %get3A_776 : i32 to index
      %get3A_778 = arith.constant 32 : index
      %get3A_779 = tpu.vector_load %arg8[%get3A_777, %get3A_778] {strides = array<i32>} : memref<40x128xf32, #tpu.memory_space<vmem>>, vector<1x16xf32>,
      %get3A_780 = vector.shape_cast %get3A_779 : vector<1x16xf32> to vector<16xf32>
      %add3A_781 = arith.addf %add3A_775, %get3A_780 : vector<16xf32>
      %get3A_782 = arith.constant 36 : i32
      %get3A_783 = arith.index_cast %get3A_782 : i32 to index
      %get3A_784 = arith.constant 32 : index
      %get3A_785 = tpu.vector_load %arg8[%get3A_783, %get3A_784] {strides = array<i32>} : memref<40x128xf32, #tpu.memory_space<vmem>>, vector<1x16xf32>,
      %get3A_786 = vector.shape_cast %get3A_785 : vector<1x16xf32> to vector<16xf32>
      %add3A_787 = arith.addf %add3A_781, %get3A_786 : vector<16xf32>
      %get3A_788 = arith.constant 37 : i32
      %get3A_789 = arith.index_cast %get3A_788 : i32 to index
      %get3A_790 = arith.constant 32 : index
      %get3A_791 = tpu.vector_load %arg8[%get3A_789, %get3A_790] {strides = array<i32>} : memref<40x128xf32, #tpu.memory_space<vmem>>, vector<1x16xf32>,
      %get3A_792 = vector.shape_cast %get3A_791 : vector<1x16xf32> to vector<16xf32>
      %add3A_793 = arith.addf %add3A_787, %get3A_792 : vector<16xf32>
      %get3A_794 = arith.constant 38 : i32
      %get3A_795 = arith.index_cast %get3A_794 : i32 to index
      %get3A_796 = arith.constant 32 : index
      %get3A_797 = tpu.vector_load %arg8[%get3A_795, %get3A_796] {strides = array<i32>} : memref<40x128xf32, #tpu.memory_space<vmem>>, vector<1x16xf32>,
      %get3A_798 = vector.shape_cast %get3A_797 : vector<1x16xf32> to vector<16xf32>
      %add3A_799 = arith.addf %add3A_793, %get3A_798 : vector<16xf32>
      %get3A_800 = arith.constant 39 : i32
      %get3A_801 = arith.index_cast %get3A_800 : i32 to index
      %get3A_802 = arith.constant 32 : index
      %get3A_803 = tpu.vector_load %arg8[%get3A_801, %get3A_802] {strides = array<i32>} : memref<40x128xf32, #tpu.memory_space<vmem>>, vector<1x16xf32>,
      %get3A_804 = vector.shape_cast %get3A_803 : vector<1x16xf32> to vector<16xf32>
      %add3A_805 = arith.addf %add3A_799, %get3A_804 : vector<16xf32>
      %swap3A_806 = arith.constant 32 : index
      %swap3A_807 = tpu.vector_load %arg9[%swap3A_806] {strides = array<i32>} : memref<128xf32, #tpu.memory_space<vmem>>, vector<16xf32>,
      %swap3A_808 = vector.shape_cast %swap3A_807 : vector<16xf32> to vector<16xf32>
      %swap3A_809 = vector.shape_cast %add3A_805 : vector<16xf32> to vector<16xf32>
      tpu.vector_store %arg9[%swap3A_806], %swap3A_809 {strides = array<i32>} : memref<128xf32, #tpu.memory_space<vmem>>, vector<16xf32>,
      %get3A_810 = arith.constant 0 : i32
      %get3A_811 = arith.index_cast %get3A_810 : i32 to index
      %get3A_812 = arith.constant 48 : index
      %get3A_813 = tpu.vector_load %arg8[%get3A_811, %get3A_812] {strides = array<i32>} : memref<40x128xf32, #tpu.memory_space<vmem>>, vector<1x16xf32>,
      %get3A_814 = vector.shape_cast %get3A_813 : vector<1x16xf32> to vector<16xf32>
      %get3A_815 = arith.constant 1 : i32
      %get3A_816 = arith.index_cast %get3A_815 : i32 to index
      %get3A_817 = arith.constant 48 : index
      %get3A_818 = tpu.vector_load %arg8[%get3A_816, %get3A_817] {strides = array<i32>} : memref<40x128xf32, #tpu.memory_space<vmem>>, vector<1x16xf32>,
      %get3A_819 = vector.shape_cast %get3A_818 : vector<1x16xf32> to vector<16xf32>
      %add3A_820 = arith.addf %get3A_814, %get3A_819 : vector<16xf32>
      %get3A_821 = arith.constant 2 : i32
      %get3A_822 = arith.index_cast %get3A_821 : i32 to index
      %get3A_823 = arith.constant 48 : index
      %get3A_824 = tpu.vector_load %arg8[%get3A_822, %get3A_823] {strides = array<i32>} : memref<40x128xf32, #tpu.memory_space<vmem>>, vector<1x16xf32>,
      %get3A_825 = vector.shape_cast %get3A_824 : vector<1x16xf32> to vector<16xf32>
      %add3A_826 = arith.addf %add3A_820, %get3A_825 : vector<16xf32>
      %get3A_827 = arith.constant 3 : i32
      %get3A_828 = arith.index_cast %get3A_827 : i32 to index
      %get3A_829 = arith.constant 48 : index
      %get3A_830 = tpu.vector_load %arg8[%get3A_828, %get3A_829] {strides = array<i32>} : memref<40x128xf32, #tpu.memory_space<vmem>>, vector<1x16xf32>,
      %get3A_831 = vector.shape_cast %get3A_830 : vector<1x16xf32> to vector<16xf32>
      %add3A_832 = arith.addf %add3A_826, %get3A_831 : vector<16xf32>
      %get3A_833 = arith.constant 4 : i32
      %get3A_834 = arith.index_cast %get3A_833 : i32 to index
      %get3A_835 = arith.constant 48 : index
      %get3A_836 = tpu.vector_load %arg8[%get3A_834, %get3A_835] {strides = array<i32>} : memref<40x128xf32, #tpu.memory_space<vmem>>, vector<1x16xf32>,
      %get3A_837 = vector.shape_cast %get3A_836 : vector<1x16xf32> to vector<16xf32>
      %add3A_838 = arith.addf %add3A_832, %get3A_837 : vector<16xf32>
      %get3A_839 = arith.constant 5 : i32
      %get3A_840 = arith.index_cast %get3A_839 : i32 to index
      %get3A_841 = arith.constant 48 : index
      %get3A_842 = tpu.vector_load %arg8[%get3A_840, %get3A_841] {strides = array<i32>} : memref<40x128xf32, #tpu.memory_space<vmem>>, vector<1x16xf32>,
      %get3A_843 = vector.shape_cast %get3A_842 : vector<1x16xf32> to vector<16xf32>
      %add3A_844 = arith.addf %add3A_838, %get3A_843 : vector<16xf32>
      %get3A_845 = arith.constant 6 : i32
      %get3A_846 = arith.index_cast %get3A_845 : i32 to index
      %get3A_847 = arith.constant 48 : index
      %get3A_848 = tpu.vector_load %arg8[%get3A_846, %get3A_847] {strides = array<i32>} : memref<40x128xf32, #tpu.memory_space<vmem>>, vector<1x16xf32>,
      %get3A_849 = vector.shape_cast %get3A_848 : vector<1x16xf32> to vector<16xf32>
      %add3A_850 = arith.addf %add3A_844, %get3A_849 : vector<16xf32>
      %get3A_851 = arith.constant 7 : i32
      %get3A_852 = arith.index_cast %get3A_851 : i32 to index
      %get3A_853 = arith.constant 48 : index
      %get3A_854 = tpu.vector_load %arg8[%get3A_852, %get3A_853] {strides = array<i32>} : memref<40x128xf32, #tpu.memory_space<vmem>>, vector<1x16xf32>,
      %get3A_855 = vector.shape_cast %get3A_854 : vector<1x16xf32> to vector<16xf32>
      %add3A_856 = arith.addf %add3A_850, %get3A_855 : vector<16xf32>
      %get3A_857 = arith.constant 8 : i32
      %get3A_858 = arith.index_cast %get3A_857 : i32 to index
      %get3A_859 = arith.constant 48 : index
      %get3A_860 = tpu.vector_load %arg8[%get3A_858, %get3A_859] {strides = array<i32>} : memref<40x128xf32, #tpu.memory_space<vmem>>, vector<1x16xf32>,
      %get3A_861 = vector.shape_cast %get3A_860 : vector<1x16xf32> to vector<16xf32>
      %add3A_862 = arith.addf %add3A_856, %get3A_861 : vector<16xf32>
      %get3A_863 = arith.constant 9 : i32
      %get3A_864 = arith.index_cast %get3A_863 : i32 to index
      %get3A_865 = arith.constant 48 : index
      %get3A_866 = tpu.vector_load %arg8[%get3A_864, %get3A_865] {strides = array<i32>} : memref<40x128xf32, #tpu.memory_space<vmem>>, vector<1x16xf32>,
      %get3A_867 = vector.shape_cast %get3A_866 : vector<1x16xf32> to vector<16xf32>
      %add3A_868 = arith.addf %add3A_862, %get3A_867 : vector<16xf32>
      %get3A_869 = arith.constant 10 : i32
      %get3A_870 = arith.index_cast %get3A_869 : i32 to index
      %get3A_871 = arith.constant 48 : index
      %get3A_872 = tpu.vector_load %arg8[%get3A_870, %get3A_871] {strides = array<i32>} : memref<40x128xf32, #tpu.memory_space<vmem>>, vector<1x16xf32>,
      %get3A_873 = vector.shape_cast %get3A_872 : vector<1x16xf32> to vector<16xf32>
      %add3A_874 = arith.addf %add3A_868, %get3A_873 : vector<16xf32>
      %get3A_875 = arith.constant 11 : i32
      %get3A_876 = arith.index_cast %get3A_875 : i32 to index
      %get3A_877 = arith.constant 48 : index
      %get3A_878 = tpu.vector_load %arg8[%get3A_876, %get3A_877] {strides = array<i32>} : memref<40x128xf32, #tpu.memory_space<vmem>>, vector<1x16xf32>,
      %get3A_879 = vector.shape_cast %get3A_878 : vector<1x16xf32> to vector<16xf32>
      %add3A_880 = arith.addf %add3A_874, %get3A_879 : vector<16xf32>
      %get3A_881 = arith.constant 12 : i32
      %get3A_882 = arith.index_cast %get3A_881 : i32 to index
      %get3A_883 = arith.constant 48 : index
      %get3A_884 = tpu.vector_load %arg8[%get3A_882, %get3A_883] {strides = array<i32>} : memref<40x128xf32, #tpu.memory_space<vmem>>, vector<1x16xf32>,
      %get3A_885 = vector.shape_cast %get3A_884 : vector<1x16xf32> to vector<16xf32>
      %add3A_886 = arith.addf %add3A_880, %get3A_885 : vector<16xf32>
      %get3A_887 = arith.constant 13 : i32
      %get3A_888 = arith.index_cast %get3A_887 : i32 to index
      %get3A_889 = arith.constant 48 : index
      %get3A_890 = tpu.vector_load %arg8[%get3A_888, %get3A_889] {strides = array<i32>} : memref<40x128xf32, #tpu.memory_space<vmem>>, vector<1x16xf32>,
      %get3A_891 = vector.shape_cast %get3A_890 : vector<1x16xf32> to vector<16xf32>
      %add3A_892 = arith.addf %add3A_886, %get3A_891 : vector<16xf32>
      %get3A_893 = arith.constant 14 : i32
      %get3A_894 = arith.index_cast %get3A_893 : i32 to index
      %get3A_895 = arith.constant 48 : index
      %get3A_896 = tpu.vector_load %arg8[%get3A_894, %get3A_895] {strides = array<i32>} : memref<40x128xf32, #tpu.memory_space<vmem>>, vector<1x16xf32>,
      %get3A_897 = vector.shape_cast %get3A_896 : vector<1x16xf32> to vector<16xf32>
      %add3A_898 = arith.addf %add3A_892, %get3A_897 : vector<16xf32>
      %get3A_899 = arith.constant 15 : i32
      %get3A_900 = arith.index_cast %get3A_899 : i32 to index
      %get3A_901 = arith.constant 48 : index
      %get3A_902 = tpu.vector_load %arg8[%get3A_900, %get3A_901] {strides = array<i32>} : memref<40x128xf32, #tpu.memory_space<vmem>>, vector<1x16xf32>,
      %get3A_903 = vector.shape_cast %get3A_902 : vector<1x16xf32> to vector<16xf32>
      %add3A_904 = arith.addf %add3A_898, %get3A_903 : vector<16xf32>
      %get3A_905 = arith.constant 16 : i32
      %get3A_906 = arith.index_cast %get3A_905 : i32 to index
      %get3A_907 = arith.constant 48 : index
      %get3A_908 = tpu.vector_load %arg8[%get3A_906, %get3A_907] {strides = array<i32>} : memref<40x128xf32, #tpu.memory_space<vmem>>, vector<1x16xf32>,
      %get3A_909 = vector.shape_cast %get3A_908 : vector<1x16xf32> to vector<16xf32>
      %add3A_910 = arith.addf %add3A_904, %get3A_909 : vector<16xf32>
      %get3A_911 = arith.constant 17 : i32
      %get3A_912 = arith.index_cast %get3A_911 : i32 to index
      %get3A_913 = arith.constant 48 : index
      %get3A_914 = tpu.vector_load %arg8[%get3A_912, %get3A_913] {strides = array<i32>} : memref<40x128xf32, #tpu.memory_space<vmem>>, vector<1x16xf32>,
      %get3A_915 = vector.shape_cast %get3A_914 : vector<1x16xf32> to vector<16xf32>
      %add3A_916 = arith.addf %add3A_910, %get3A_915 : vector<16xf32>
      %get3A_917 = arith.constant 18 : i32
      %get3A_918 = arith.index_cast %get3A_917 : i32 to index
      %get3A_919 = arith.constant 48 : index
      %get3A_920 = tpu.vector_load %arg8[%get3A_918, %get3A_919] {strides = array<i32>} : memref<40x128xf32, #tpu.memory_space<vmem>>, vector<1x16xf32>,
      %get3A_921 = vector.shape_cast %get3A_920 : vector<1x16xf32> to vector<16xf32>
      %add3A_922 = arith.addf %add3A_916, %get3A_921 : vector<16xf32>
      %get3A_923 = arith.constant 19 : i32
      %get3A_924 = arith.index_cast %get3A_923 : i32 to index
      %get3A_925 = arith.constant 48 : index
      %get3A_926 = tpu.vector_load %arg8[%get3A_924, %get3A_925] {strides = array<i32>} : memref<40x128xf32, #tpu.memory_space<vmem>>, vector<1x16xf32>,
      %get3A_927 = vector.shape_cast %get3A_926 : vector<1x16xf32> to vector<16xf32>
      %add3A_928 = arith.addf %add3A_922, %get3A_927 : vector<16xf32>
      %get3A_929 = arith.constant 20 : i32
      %get3A_930 = arith.index_cast %get3A_929 : i32 to index
      %get3A_931 = arith.constant 48 : index
      %get3A_932 = tpu.vector_load %arg8[%get3A_930, %get3A_931] {strides = array<i32>} : memref<40x128xf32, #tpu.memory_space<vmem>>, vector<1x16xf32>,
      %get3A_933 = vector.shape_cast %get3A_932 : vector<1x16xf32> to vector<16xf32>
      %add3A_934 = arith.addf %add3A_928, %get3A_933 : vector<16xf32>
      %get3A_935 = arith.constant 21 : i32
      %get3A_936 = arith.index_cast %get3A_935 : i32 to index
      %get3A_937 = arith.constant 48 : index
      %get3A_938 = tpu.vector_load %arg8[%get3A_936, %get3A_937] {strides = array<i32>} : memref<40x128xf32, #tpu.memory_space<vmem>>, vector<1x16xf32>,
      %get3A_939 = vector.shape_cast %get3A_938 : vector<1x16xf32> to vector<16xf32>
      %add3A_940 = arith.addf %add3A_934, %get3A_939 : vector<16xf32>
      %get3A_941 = arith.constant 22 : i32
      %get3A_942 = arith.index_cast %get3A_941 : i32 to index
      %get3A_943 = arith.constant 48 : index
      %get3A_944 = tpu.vector_load %arg8[%get3A_942, %get3A_943] {strides = array<i32>} : memref<40x128xf32, #tpu.memory_space<vmem>>, vector<1x16xf32>,
      %get3A_945 = vector.shape_cast %get3A_944 : vector<1x16xf32> to vector<16xf32>
      %add3A_946 = arith.addf %add3A_940, %get3A_945 : vector<16xf32>
      %get3A_947 = arith.constant 23 : i32
      %get3A_948 = arith.index_cast %get3A_947 : i32 to index
      %get3A_949 = arith.constant 48 : index
      %get3A_950 = tpu.vector_load %arg8[%get3A_948, %get3A_949] {strides = array<i32>} : memref<40x128xf32, #tpu.memory_space<vmem>>, vector<1x16xf32>,
      %get3A_951 = vector.shape_cast %get3A_950 : vector<1x16xf32> to vector<16xf32>
      %add3A_952 = arith.addf %add3A_946, %get3A_951 : vector<16xf32>
      %get3A_953 = arith.constant 24 : i32
      %get3A_954 = arith.index_cast %get3A_953 : i32 to index
      %get3A_955 = arith.constant 48 : index
      %get3A_956 = tpu.vector_load %arg8[%get3A_954, %get3A_955] {strides = array<i32>} : memref<40x128xf32, #tpu.memory_space<vmem>>, vector<1x16xf32>,
      %get3A_957 = vector.shape_cast %get3A_956 : vector<1x16xf32> to vector<16xf32>
      %add3A_958 = arith.addf %add3A_952, %get3A_957 : vector<16xf32>
      %get3A_959 = arith.constant 25 : i32
      %get3A_960 = arith.index_cast %get3A_959 : i32 to index
      %get3A_961 = arith.constant 48 : index
      %get3A_962 = tpu.vector_load %arg8[%get3A_960, %get3A_961] {strides = array<i32>} : memref<40x128xf32, #tpu.memory_space<vmem>>, vector<1x16xf32>,
      %get3A_963 = vector.shape_cast %get3A_962 : vector<1x16xf32> to vector<16xf32>
      %add3A_964 = arith.addf %add3A_958, %get3A_963 : vector<16xf32>
      %get3A_965 = arith.constant 26 : i32
      %get3A_966 = arith.index_cast %get3A_965 : i32 to index
      %get3A_967 = arith.constant 48 : index
      %get3A_968 = tpu.vector_load %arg8[%get3A_966, %get3A_967] {strides = array<i32>} : memref<40x128xf32, #tpu.memory_space<vmem>>, vector<1x16xf32>,
      %get3A_969 = vector.shape_cast %get3A_968 : vector<1x16xf32> to vector<16xf32>
      %add3A_970 = arith.addf %add3A_964, %get3A_969 : vector<16xf32>
      %get3A_971 = arith.constant 27 : i32
      %get3A_972 = arith.index_cast %get3A_971 : i32 to index
      %get3A_973 = arith.constant 48 : index
      %get3A_974 = tpu.vector_load %arg8[%get3A_972, %get3A_973] {strides = array<i32>} : memref<40x128xf32, #tpu.memory_space<vmem>>, vector<1x16xf32>,
      %get3A_975 = vector.shape_cast %get3A_974 : vector<1x16xf32> to vector<16xf32>
      %add3A_976 = arith.addf %add3A_970, %get3A_975 : vector<16xf32>
      %get3A_977 = arith.constant 28 : i32
      %get3A_978 = arith.index_cast %get3A_977 : i32 to index
      %get3A_979 = arith.constant 48 : index
      %get3A_980 = tpu.vector_load %arg8[%get3A_978, %get3A_979] {strides = array<i32>} : memref<40x128xf32, #tpu.memory_space<vmem>>, vector<1x16xf32>,
      %get3A_981 = vector.shape_cast %get3A_980 : vector<1x16xf32> to vector<16xf32>
      %add3A_982 = arith.addf %add3A_976, %get3A_981 : vector<16xf32>
      %get3A_983 = arith.constant 29 : i32
      %get3A_984 = arith.index_cast %get3A_983 : i32 to index
      %get3A_985 = arith.constant 48 : index
      %get3A_986 = tpu.vector_load %arg8[%get3A_984, %get3A_985] {strides = array<i32>} : memref<40x128xf32, #tpu.memory_space<vmem>>, vector<1x16xf32>,
      %get3A_987 = vector.shape_cast %get3A_986 : vector<1x16xf32> to vector<16xf32>
      %add3A_988 = arith.addf %add3A_982, %get3A_987 : vector<16xf32>
      %get3A_989 = arith.constant 30 : i32
      %get3A_990 = arith.index_cast %get3A_989 : i32 to index
      %get3A_991 = arith.constant 48 : index
      %get3A_992 = tpu.vector_load %arg8[%get3A_990, %get3A_991] {strides = array<i32>} : memref<40x128xf32, #tpu.memory_space<vmem>>, vector<1x16xf32>,
      %get3A_993 = vector.shape_cast %get3A_992 : vector<1x16xf32> to vector<16xf32>
      %add3A_994 = arith.addf %add3A_988, %get3A_993 : vector<16xf32>
      %get3A_995 = arith.constant 31 : i32
      %get3A_996 = arith.index_cast %get3A_995 : i32 to index
      %get3A_997 = arith.constant 48 : index
      %get3A_998 = tpu.vector_load %arg8[%get3A_996, %get3A_997] {strides = array<i32>} : memref<40x128xf32, #tpu.memory_space<vmem>>, vector<1x16xf32>,
      %get3A_999 = vector.shape_cast %get3A_998 : vector<1x16xf32> to vector<16xf32>
      %add3A_1000 = arith.addf %add3A_994, %get3A_999 : vector<16xf32>
      %get3A_1001 = arith.constant 32 : i32
      %get3A_1002 = arith.index_cast %get3A_1001 : i32 to index
      %get3A_1003 = arith.constant 48 : index
      %get3A_1004 = tpu.vector_load %arg8[%get3A_1002, %get3A_1003] {strides = array<i32>} : memref<40x128xf32, #tpu.memory_space<vmem>>, vector<1x16xf32>,
      %get3A_1005 = vector.shape_cast %get3A_1004 : vector<1x16xf32> to vector<16xf32>
      %add3A_1006 = arith.addf %add3A_1000, %get3A_1005 : vector<16xf32>
      %get3A_1007 = arith.constant 33 : i32
      %get3A_1008 = arith.index_cast %get3A_1007 : i32 to index
      %get3A_1009 = arith.constant 48 : index
      %get3A_1010 = tpu.vector_load %arg8[%get3A_1008, %get3A_1009] {strides = array<i32>} : memref<40x128xf32, #tpu.memory_space<vmem>>, vector<1x16xf32>,
      %get3A_1011 = vector.shape_cast %get3A_1010 : vector<1x16xf32> to vector<16xf32>
      %add3A_1012 = arith.addf %add3A_1006, %get3A_1011 : vector<16xf32>
      %get3A_1013 = arith.constant 34 : i32
      %get3A_1014 = arith.index_cast %get3A_1013 : i32 to index
      %get3A_1015 = arith.constant 48 : index
      %get3A_1016 = tpu.vector_load %arg8[%get3A_1014, %get3A_1015] {strides = array<i32>} : memref<40x128xf32, #tpu.memory_space<vmem>>, vector<1x16xf32>,
      %get3A_1017 = vector.shape_cast %get3A_1016 : vector<1x16xf32> to vector<16xf32>
      %add3A_1018 = arith.addf %add3A_1012, %get3A_1017 : vector<16xf32>
      %get3A_1019 = arith.constant 35 : i32
      %get3A_1020 = arith.index_cast %get3A_1019 : i32 to index
      %get3A_1021 = arith.constant 48 : index
      %get3A_1022 = tpu.vector_load %arg8[%get3A_1020, %get3A_1021] {strides = array<i32>} : memref<40x128xf32, #tpu.memory_space<vmem>>, vector<1x16xf32>,
      %get3A_1023 = vector.shape_cast %get3A_1022 : vector<1x16xf32> to vector<16xf32>
      %add3A_1024 = arith.addf %add3A_1018, %get3A_1023 : vector<16xf32>
      %get3A_1025 = arith.constant 36 : i32
      %get3A_1026 = arith.index_cast %get3A_1025 : i32 to index
      %get3A_1027 = arith.constant 48 : index
      %get3A_1028 = tpu.vector_load %arg8[%get3A_1026, %get3A_1027] {strides = array<i32>} : memref<40x128xf32, #tpu.memory_space<vmem>>, vector<1x16xf32>,
      %get3A_1029 = vector.shape_cast %get3A_1028 : vector<1x16xf32> to vector<16xf32>
      %add3A_1030 = arith.addf %add3A_1024, %get3A_1029 : vector<16xf32>
      %get3A_1031 = arith.constant 37 : i32
      %get3A_1032 = arith.index_cast %get3A_1031 : i32 to index
      %get3A_1033 = arith.constant 48 : index
      %get3A_1034 = tpu.vector_load %arg8[%get3A_1032, %get3A_1033] {strides = array<i32>} : memref<40x128xf32, #tpu.memory_space<vmem>>, vector<1x16xf32>,
      %get3A_1035 = vector.shape_cast %get3A_1034 : vector<1x16xf32> to vector<16xf32>
      %add3A_1036 = arith.addf %add3A_1030, %get3A_1035 : vector<16xf32>
      %get3A_1037 = arith.constant 38 : i32
      %get3A_1038 = arith.index_cast %get3A_1037 : i32 to index
      %get3A_1039 = arith.constant 48 : index
      %get3A_1040 = tpu.vector_load %arg8[%get3A_1038, %get3A_1039] {strides = array<i32>} : memref<40x128xf32, #tpu.memory_space<vmem>>, vector<1x16xf32>,
      %get3A_1041 = vector.shape_cast %get3A_1040 : vector<1x16xf32> to vector<16xf32>
      %add3A_1042 = arith.addf %add3A_1036, %get3A_1041 : vector<16xf32>
      %get3A_1043 = arith.constant 39 : i32
      %get3A_1044 = arith.index_cast %get3A_1043 : i32 to index
      %get3A_1045 = arith.constant 48 : index
      %get3A_1046 = tpu.vector_load %arg8[%get3A_1044, %get3A_1045] {strides = array<i32>} : memref<40x128xf32, #tpu.memory_space<vmem>>, vector<1x16xf32>,
      %get3A_1047 = vector.shape_cast %get3A_1046 : vector<1x16xf32> to vector<16xf32>
      %add3A_1048 = arith.addf %add3A_1042, %get3A_1047 : vector<16xf32>
      %swap3A_1049 = arith.constant 48 : index
      %swap3A_1050 = tpu.vector_load %arg9[%swap3A_1049] {strides = array<i32>} : memref<128xf32, #tpu.memory_space<vmem>>, vector<16xf32>,
      %swap3A_1051 = vector.shape_cast %swap3A_1050 : vector<16xf32> to vector<16xf32>
      %swap3A_1052 = vector.shape_cast %add3A_1048 : vector<16xf32> to vector<16xf32>
      tpu.vector_store %arg9[%swap3A_1049], %swap3A_1052 {strides = array<i32>} : memref<128xf32, #tpu.memory_space<vmem>>, vector<16xf32>,
      %get3A_1053 = arith.constant 0 : i32
      %get3A_1054 = arith.index_cast %get3A_1053 : i32 to index
      %get3A_1055 = arith.constant 64 : index
      %get3A_1056 = tpu.vector_load %arg8[%get3A_1054, %get3A_1055] {strides = array<i32>} : memref<40x128xf32, #tpu.memory_space<vmem>>, vector<1x16xf32>,
      %get3A_1057 = vector.shape_cast %get3A_1056 : vector<1x16xf32> to vector<16xf32>
      %get3A_1058 = arith.constant 1 : i32
      %get3A_1059 = arith.index_cast %get3A_1058 : i32 to index
      %get3A_1060 = arith.constant 64 : index
      %get3A_1061 = tpu.vector_load %arg8[%get3A_1059, %get3A_1060] {strides = array<i32>} : memref<40x128xf32, #tpu.memory_space<vmem>>, vector<1x16xf32>,
      %get3A_1062 = vector.shape_cast %get3A_1061 : vector<1x16xf32> to vector<16xf32>
      %add3A_1063 = arith.addf %get3A_1057, %get3A_1062 : vector<16xf32>
      %get3A_1064 = arith.constant 2 : i32
      %get3A_1065 = arith.index_cast %get3A_1064 : i32 to index
      %get3A_1066 = arith.constant 64 : index
      %get3A_1067 = tpu.vector_load %arg8[%get3A_1065, %get3A_1066] {strides = array<i32>} : memref<40x128xf32, #tpu.memory_space<vmem>>, vector<1x16xf32>,
      %get3A_1068 = vector.shape_cast %get3A_1067 : vector<1x16xf32> to vector<16xf32>
      %add3A_1069 = arith.addf %add3A_1063, %get3A_1068 : vector<16xf32>
      %get3A_1070 = arith.constant 3 : i32
      %get3A_1071 = arith.index_cast %get3A_1070 : i32 to index
      %get3A_1072 = arith.constant 64 : index
      %get3A_1073 = tpu.vector_load %arg8[%get3A_1071, %get3A_1072] {strides = array<i32>} : memref<40x128xf32, #tpu.memory_space<vmem>>, vector<1x16xf32>,
      %get3A_1074 = vector.shape_cast %get3A_1073 : vector<1x16xf32> to vector<16xf32>
      %add3A_1075 = arith.addf %add3A_1069, %get3A_1074 : vector<16xf32>
      %get3A_1076 = arith.constant 4 : i32
      %get3A_1077 = arith.index_cast %get3A_1076 : i32 to index
      %get3A_1078 = arith.constant 64 : index
      %get3A_1079 = tpu.vector_load %arg8[%get3A_1077, %get3A_1078] {strides = array<i32>} : memref<40x128xf32, #tpu.memory_space<vmem>>, vector<1x16xf32>,
      %get3A_1080 = vector.shape_cast %get3A_1079 : vector<1x16xf32> to vector<16xf32>
      %add3A_1081 = arith.addf %add3A_1075, %get3A_1080 : vector<16xf32>
      %get3A_1082 = arith.constant 5 : i32
      %get3A_1083 = arith.index_cast %get3A_1082 : i32 to index
      %get3A_1084 = arith.constant 64 : index
      %get3A_1085 = tpu.vector_load %arg8[%get3A_1083, %get3A_1084] {strides = array<i32>} : memref<40x128xf32, #tpu.memory_space<vmem>>, vector<1x16xf32>,
      %get3A_1086 = vector.shape_cast %get3A_1085 : vector<1x16xf32> to vector<16xf32>
      %add3A_1087 = arith.addf %add3A_1081, %get3A_1086 : vector<16xf32>
      %get3A_1088 = arith.constant 6 : i32
      %get3A_1089 = arith.index_cast %get3A_1088 : i32 to index
      %get3A_1090 = arith.constant 64 : index
      %get3A_1091 = tpu.vector_load %arg8[%get3A_1089, %get3A_1090] {strides = array<i32>} : memref<40x128xf32, #tpu.memory_space<vmem>>, vector<1x16xf32>,
      %get3A_1092 = vector.shape_cast %get3A_1091 : vector<1x16xf32> to vector<16xf32>
      %add3A_1093 = arith.addf %add3A_1087, %get3A_1092 : vector<16xf32>
      %get3A_1094 = arith.constant 7 : i32
      %get3A_1095 = arith.index_cast %get3A_1094 : i32 to index
      %get3A_1096 = arith.constant 64 : index
      %get3A_1097 = tpu.vector_load %arg8[%get3A_1095, %get3A_1096] {strides = array<i32>} : memref<40x128xf32, #tpu.memory_space<vmem>>, vector<1x16xf32>,
      %get3A_1098 = vector.shape_cast %get3A_1097 : vector<1x16xf32> to vector<16xf32>
      %add3A_1099 = arith.addf %add3A_1093, %get3A_1098 : vector<16xf32>
      %get3A_1100 = arith.constant 8 : i32
      %get3A_1101 = arith.index_cast %get3A_1100 : i32 to index
      %get3A_1102 = arith.constant 64 : index
      %get3A_1103 = tpu.vector_load %arg8[%get3A_1101, %get3A_1102] {strides = array<i32>} : memref<40x128xf32, #tpu.memory_space<vmem>>, vector<1x16xf32>,
      %get3A_1104 = vector.shape_cast %get3A_1103 : vector<1x16xf32> to vector<16xf32>
      %add3A_1105 = arith.addf %add3A_1099, %get3A_1104 : vector<16xf32>
      %get3A_1106 = arith.constant 9 : i32
      %get3A_1107 = arith.index_cast %get3A_1106 : i32 to index
      %get3A_1108 = arith.constant 64 : index
      %get3A_1109 = tpu.vector_load %arg8[%get3A_1107, %get3A_1108] {strides = array<i32>} : memref<40x128xf32, #tpu.memory_space<vmem>>, vector<1x16xf32>,
      %get3A_1110 = vector.shape_cast %get3A_1109 : vector<1x16xf32> to vector<16xf32>
      %add3A_1111 = arith.addf %add3A_1105, %get3A_1110 : vector<16xf32>
      %get3A_1112 = arith.constant 10 : i32
      %get3A_1113 = arith.index_cast %get3A_1112 : i32 to index
      %get3A_1114 = arith.constant 64 : index
      %get3A_1115 = tpu.vector_load %arg8[%get3A_1113, %get3A_1114] {strides = array<i32>} : memref<40x128xf32, #tpu.memory_space<vmem>>, vector<1x16xf32>,
      %get3A_1116 = vector.shape_cast %get3A_1115 : vector<1x16xf32> to vector<16xf32>
      %add3A_1117 = arith.addf %add3A_1111, %get3A_1116 : vector<16xf32>
      %get3A_1118 = arith.constant 11 : i32
      %get3A_1119 = arith.index_cast %get3A_1118 : i32 to index
      %get3A_1120 = arith.constant 64 : index
      %get3A_1121 = tpu.vector_load %arg8[%get3A_1119, %get3A_1120] {strides = array<i32>} : memref<40x128xf32, #tpu.memory_space<vmem>>, vector<1x16xf32>,
      %get3A_1122 = vector.shape_cast %get3A_1121 : vector<1x16xf32> to vector<16xf32>
      %add3A_1123 = arith.addf %add3A_1117, %get3A_1122 : vector<16xf32>
      %get3A_1124 = arith.constant 12 : i32
      %get3A_1125 = arith.index_cast %get3A_1124 : i32 to index
      %get3A_1126 = arith.constant 64 : index
      %get3A_1127 = tpu.vector_load %arg8[%get3A_1125, %get3A_1126] {strides = array<i32>} : memref<40x128xf32, #tpu.memory_space<vmem>>, vector<1x16xf32>,
      %get3A_1128 = vector.shape_cast %get3A_1127 : vector<1x16xf32> to vector<16xf32>
      %add3A_1129 = arith.addf %add3A_1123, %get3A_1128 : vector<16xf32>
      %get3A_1130 = arith.constant 13 : i32
      %get3A_1131 = arith.index_cast %get3A_1130 : i32 to index
      %get3A_1132 = arith.constant 64 : index
      %get3A_1133 = tpu.vector_load %arg8[%get3A_1131, %get3A_1132] {strides = array<i32>} : memref<40x128xf32, #tpu.memory_space<vmem>>, vector<1x16xf32>,
      %get3A_1134 = vector.shape_cast %get3A_1133 : vector<1x16xf32> to vector<16xf32>
      %add3A_1135 = arith.addf %add3A_1129, %get3A_1134 : vector<16xf32>
      %get3A_1136 = arith.constant 14 : i32
      %get3A_1137 = arith.index_cast %get3A_1136 : i32 to index
      %get3A_1138 = arith.constant 64 : index
      %get3A_1139 = tpu.vector_load %arg8[%get3A_1137, %get3A_1138] {strides = array<i32>} : memref<40x128xf32, #tpu.memory_space<vmem>>, vector<1x16xf32>,
      %get3A_1140 = vector.shape_cast %get3A_1139 : vector<1x16xf32> to vector<16xf32>
      %add3A_1141 = arith.addf %add3A_1135, %get3A_1140 : vector<16xf32>
      %get3A_1142 = arith.constant 15 : i32
      %get3A_1143 = arith.index_cast %get3A_1142 : i32 to index
      %get3A_1144 = arith.constant 64 : index
      %get3A_1145 = tpu.vector_load %arg8[%get3A_1143, %get3A_1144] {strides = array<i32>} : memref<40x128xf32, #tpu.memory_space<vmem>>, vector<1x16xf32>,
      %get3A_1146 = vector.shape_cast %get3A_1145 : vector<1x16xf32> to vector<16xf32>
      %add3A_1147 = arith.addf %add3A_1141, %get3A_1146 : vector<16xf32>
      %get3A_1148 = arith.constant 16 : i32
      %get3A_1149 = arith.index_cast %get3A_1148 : i32 to index
      %get3A_1150 = arith.constant 64 : index
      %get3A_1151 = tpu.vector_load %arg8[%get3A_1149, %get3A_1150] {strides = array<i32>} : memref<40x128xf32, #tpu.memory_space<vmem>>, vector<1x16xf32>,
      %get3A_1152 = vector.shape_cast %get3A_1151 : vector<1x16xf32> to vector<16xf32>
      %add3A_1153 = arith.addf %add3A_1147, %get3A_1152 : vector<16xf32>
      %get3A_1154 = arith.constant 17 : i32
      %get3A_1155 = arith.index_cast %get3A_1154 : i32 to index
      %get3A_1156 = arith.constant 64 : index
      %get3A_1157 = tpu.vector_load %arg8[%get3A_1155, %get3A_1156] {strides = array<i32>} : memref<40x128xf32, #tpu.memory_space<vmem>>, vector<1x16xf32>,
      %get3A_1158 = vector.shape_cast %get3A_1157 : vector<1x16xf32> to vector<16xf32>
      %add3A_1159 = arith.addf %add3A_1153, %get3A_1158 : vector<16xf32>
      %get3A_1160 = arith.constant 18 : i32
      %get3A_1161 = arith.index_cast %get3A_1160 : i32 to index
      %get3A_1162 = arith.constant 64 : index
      %get3A_1163 = tpu.vector_load %arg8[%get3A_1161, %get3A_1162] {strides = array<i32>} : memref<40x128xf32, #tpu.memory_space<vmem>>, vector<1x16xf32>,
      %get3A_1164 = vector.shape_cast %get3A_1163 : vector<1x16xf32> to vector<16xf32>
      %add3A_1165 = arith.addf %add3A_1159, %get3A_1164 : vector<16xf32>
      %get3A_1166 = arith.constant 19 : i32
      %get3A_1167 = arith.index_cast %get3A_1166 : i32 to index
      %get3A_1168 = arith.constant 64 : index
      %get3A_1169 = tpu.vector_load %arg8[%get3A_1167, %get3A_1168] {strides = array<i32>} : memref<40x128xf32, #tpu.memory_space<vmem>>, vector<1x16xf32>,
      %get3A_1170 = vector.shape_cast %get3A_1169 : vector<1x16xf32> to vector<16xf32>
      %add3A_1171 = arith.addf %add3A_1165, %get3A_1170 : vector<16xf32>
      %get3A_1172 = arith.constant 20 : i32
      %get3A_1173 = arith.index_cast %get3A_1172 : i32 to index
      %get3A_1174 = arith.constant 64 : index
      %get3A_1175 = tpu.vector_load %arg8[%get3A_1173, %get3A_1174] {strides = array<i32>} : memref<40x128xf32, #tpu.memory_space<vmem>>, vector<1x16xf32>,
      %get3A_1176 = vector.shape_cast %get3A_1175 : vector<1x16xf32> to vector<16xf32>
      %add3A_1177 = arith.addf %add3A_1171, %get3A_1176 : vector<16xf32>
      %get3A_1178 = arith.constant 21 : i32
      %get3A_1179 = arith.index_cast %get3A_1178 : i32 to index
      %get3A_1180 = arith.constant 64 : index
      %get3A_1181 = tpu.vector_load %arg8[%get3A_1179, %get3A_1180] {strides = array<i32>} : memref<40x128xf32, #tpu.memory_space<vmem>>, vector<1x16xf32>,
      %get3A_1182 = vector.shape_cast %get3A_1181 : vector<1x16xf32> to vector<16xf32>
      %add3A_1183 = arith.addf %add3A_1177, %get3A_1182 : vector<16xf32>
      %get3A_1184 = arith.constant 22 : i32
      %get3A_1185 = arith.index_cast %get3A_1184 : i32 to index
      %get3A_1186 = arith.constant 64 : index
      %get3A_1187 = tpu.vector_load %arg8[%get3A_1185, %get3A_1186] {strides = array<i32>} : memref<40x128xf32, #tpu.memory_space<vmem>>, vector<1x16xf32>,
      %get3A_1188 = vector.shape_cast %get3A_1187 : vector<1x16xf32> to vector<16xf32>
      %add3A_1189 = arith.addf %add3A_1183, %get3A_1188 : vector<16xf32>
      %get3A_1190 = arith.constant 23 : i32
      %get3A_1191 = arith.index_cast %get3A_1190 : i32 to index
      %get3A_1192 = arith.constant 64 : index
      %get3A_1193 = tpu.vector_load %arg8[%get3A_1191, %get3A_1192] {strides = array<i32>} : memref<40x128xf32, #tpu.memory_space<vmem>>, vector<1x16xf32>,
      %get3A_1194 = vector.shape_cast %get3A_1193 : vector<1x16xf32> to vector<16xf32>
      %add3A_1195 = arith.addf %add3A_1189, %get3A_1194 : vector<16xf32>
      %get3A_1196 = arith.constant 24 : i32
      %get3A_1197 = arith.index_cast %get3A_1196 : i32 to index
      %get3A_1198 = arith.constant 64 : index
      %get3A_1199 = tpu.vector_load %arg8[%get3A_1197, %get3A_1198] {strides = array<i32>} : memref<40x128xf32, #tpu.memory_space<vmem>>, vector<1x16xf32>,
      %get3A_1200 = vector.shape_cast %get3A_1199 : vector<1x16xf32> to vector<16xf32>
      %add3A_1201 = arith.addf %add3A_1195, %get3A_1200 : vector<16xf32>
      %get3A_1202 = arith.constant 25 : i32
      %get3A_1203 = arith.index_cast %get3A_1202 : i32 to index
      %get3A_1204 = arith.constant 64 : index
      %get3A_1205 = tpu.vector_load %arg8[%get3A_1203, %get3A_1204] {strides = array<i32>} : memref<40x128xf32, #tpu.memory_space<vmem>>, vector<1x16xf32>,
      %get3A_1206 = vector.shape_cast %get3A_1205 : vector<1x16xf32> to vector<16xf32>
      %add3A_1207 = arith.addf %add3A_1201, %get3A_1206 : vector<16xf32>
      %get3A_1208 = arith.constant 26 : i32
      %get3A_1209 = arith.index_cast %get3A_1208 : i32 to index
      %get3A_1210 = arith.constant 64 : index
      %get3A_1211 = tpu.vector_load %arg8[%get3A_1209, %get3A_1210] {strides = array<i32>} : memref<40x128xf32, #tpu.memory_space<vmem>>, vector<1x16xf32>,
      %get3A_1212 = vector.shape_cast %get3A_1211 : vector<1x16xf32> to vector<16xf32>
      %add3A_1213 = arith.addf %add3A_1207, %get3A_1212 : vector<16xf32>
      %get3A_1214 = arith.constant 27 : i32
      %get3A_1215 = arith.index_cast %get3A_1214 : i32 to index
      %get3A_1216 = arith.constant 64 : index
      %get3A_1217 = tpu.vector_load %arg8[%get3A_1215, %get3A_1216] {strides = array<i32>} : memref<40x128xf32, #tpu.memory_space<vmem>>, vector<1x16xf32>,
      %get3A_1218 = vector.shape_cast %get3A_1217 : vector<1x16xf32> to vector<16xf32>
      %add3A_1219 = arith.addf %add3A_1213, %get3A_1218 : vector<16xf32>
      %get3A_1220 = arith.constant 28 : i32
      %get3A_1221 = arith.index_cast %get3A_1220 : i32 to index
      %get3A_1222 = arith.constant 64 : index
      %get3A_1223 = tpu.vector_load %arg8[%get3A_1221, %get3A_1222] {strides = array<i32>} : memref<40x128xf32, #tpu.memory_space<vmem>>, vector<1x16xf32>,
      %get3A_1224 = vector.shape_cast %get3A_1223 : vector<1x16xf32> to vector<16xf32>
      %add3A_1225 = arith.addf %add3A_1219, %get3A_1224 : vector<16xf32>
      %get3A_1226 = arith.constant 29 : i32
      %get3A_1227 = arith.index_cast %get3A_1226 : i32 to index
      %get3A_1228 = arith.constant 64 : index
      %get3A_1229 = tpu.vector_load %arg8[%get3A_1227, %get3A_1228] {strides = array<i32>} : memref<40x128xf32, #tpu.memory_space<vmem>>, vector<1x16xf32>,
      %get3A_1230 = vector.shape_cast %get3A_1229 : vector<1x16xf32> to vector<16xf32>
      %add3A_1231 = arith.addf %add3A_1225, %get3A_1230 : vector<16xf32>
      %get3A_1232 = arith.constant 30 : i32
      %get3A_1233 = arith.index_cast %get3A_1232 : i32 to index
      %get3A_1234 = arith.constant 64 : index
      %get3A_1235 = tpu.vector_load %arg8[%get3A_1233, %get3A_1234] {strides = array<i32>} : memref<40x128xf32, #tpu.memory_space<vmem>>, vector<1x16xf32>,
      %get3A_1236 = vector.shape_cast %get3A_1235 : vector<1x16xf32> to vector<16xf32>
      %add3A_1237 = arith.addf %add3A_1231, %get3A_1236 : vector<16xf32>
      %get3A_1238 = arith.constant 31 : i32
      %get3A_1239 = arith.index_cast %get3A_1238 : i32 to index
      %get3A_1240 = arith.constant 64 : index
      %get3A_1241 = tpu.vector_load %arg8[%get3A_1239, %get3A_1240] {strides = array<i32>} : memref<40x128xf32, #tpu.memory_space<vmem>>, vector<1x16xf32>,
      %get3A_1242 = vector.shape_cast %get3A_1241 : vector<1x16xf32> to vector<16xf32>
      %add3A_1243 = arith.addf %add3A_1237, %get3A_1242 : vector<16xf32>
      %get3A_1244 = arith.constant 32 : i32
      %get3A_1245 = arith.index_cast %get3A_1244 : i32 to index
      %get3A_1246 = arith.constant 64 : index
      %get3A_1247 = tpu.vector_load %arg8[%get3A_1245, %get3A_1246] {strides = array<i32>} : memref<40x128xf32, #tpu.memory_space<vmem>>, vector<1x16xf32>,
      %get3A_1248 = vector.shape_cast %get3A_1247 : vector<1x16xf32> to vector<16xf32>
      %add3A_1249 = arith.addf %add3A_1243, %get3A_1248 : vector<16xf32>
      %get3A_1250 = arith.constant 33 : i32
      %get3A_1251 = arith.index_cast %get3A_1250 : i32 to index
      %get3A_1252 = arith.constant 64 : index
      %get3A_1253 = tpu.vector_load %arg8[%get3A_1251, %get3A_1252] {strides = array<i32>} : memref<40x128xf32, #tpu.memory_space<vmem>>, vector<1x16xf32>,
      %get3A_1254 = vector.shape_cast %get3A_1253 : vector<1x16xf32> to vector<16xf32>
      %add3A_1255 = arith.addf %add3A_1249, %get3A_1254 : vector<16xf32>
      %get3A_1256 = arith.constant 34 : i32
      %get3A_1257 = arith.index_cast %get3A_1256 : i32 to index
      %get3A_1258 = arith.constant 64 : index
      %get3A_1259 = tpu.vector_load %arg8[%get3A_1257, %get3A_1258] {strides = array<i32>} : memref<40x128xf32, #tpu.memory_space<vmem>>, vector<1x16xf32>,
      %get3A_1260 = vector.shape_cast %get3A_1259 : vector<1x16xf32> to vector<16xf32>
      %add3A_1261 = arith.addf %add3A_1255, %get3A_1260 : vector<16xf32>
      %get3A_1262 = arith.constant 35 : i32
      %get3A_1263 = arith.index_cast %get3A_1262 : i32 to index
      %get3A_1264 = arith.constant 64 : index
      %get3A_1265 = tpu.vector_load %arg8[%get3A_1263, %get3A_1264] {strides = array<i32>} : memref<40x128xf32, #tpu.memory_space<vmem>>, vector<1x16xf32>,
      %get3A_1266 = vector.shape_cast %get3A_1265 : vector<1x16xf32> to vector<16xf32>
      %add3A_1267 = arith.addf %add3A_1261, %get3A_1266 : vector<16xf32>
      %get3A_1268 = arith.constant 36 : i32
      %get3A_1269 = arith.index_cast %get3A_1268 : i32 to index
      %get3A_1270 = arith.constant 64 : index
      %get3A_1271 = tpu.vector_load %arg8[%get3A_1269, %get3A_1270] {strides = array<i32>} : memref<40x128xf32, #tpu.memory_space<vmem>>, vector<1x16xf32>,
      %get3A_1272 = vector.shape_cast %get3A_1271 : vector<1x16xf32> to vector<16xf32>
      %add3A_1273 = arith.addf %add3A_1267, %get3A_1272 : vector<16xf32>
      %get3A_1274 = arith.constant 37 : i32
      %get3A_1275 = arith.index_cast %get3A_1274 : i32 to index
      %get3A_1276 = arith.constant 64 : index
      %get3A_1277 = tpu.vector_load %arg8[%get3A_1275, %get3A_1276] {strides = array<i32>} : memref<40x128xf32, #tpu.memory_space<vmem>>, vector<1x16xf32>,
      %get3A_1278 = vector.shape_cast %get3A_1277 : vector<1x16xf32> to vector<16xf32>
      %add3A_1279 = arith.addf %add3A_1273, %get3A_1278 : vector<16xf32>
      %get3A_1280 = arith.constant 38 : i32
      %get3A_1281 = arith.index_cast %get3A_1280 : i32 to index
      %get3A_1282 = arith.constant 64 : index
      %get3A_1283 = tpu.vector_load %arg8[%get3A_1281, %get3A_1282] {strides = array<i32>} : memref<40x128xf32, #tpu.memory_space<vmem>>, vector<1x16xf32>,
      %get3A_1284 = vector.shape_cast %get3A_1283 : vector<1x16xf32> to vector<16xf32>
      %add3A_1285 = arith.addf %add3A_1279, %get3A_1284 : vector<16xf32>
      %get3A_1286 = arith.constant 39 : i32
      %get3A_1287 = arith.index_cast %get3A_1286 : i32 to index
      %get3A_1288 = arith.constant 64 : index
      %get3A_1289 = tpu.vector_load %arg8[%get3A_1287, %get3A_1288] {strides = array<i32>} : memref<40x128xf32, #tpu.memory_space<vmem>>, vector<1x16xf32>,
      %get3A_1290 = vector.shape_cast %get3A_1289 : vector<1x16xf32> to vector<16xf32>
      %add3A_1291 = arith.addf %add3A_1285, %get3A_1290 : vector<16xf32>
      %swap3A_1292 = arith.constant 64 : index
      %swap3A_1293 = tpu.vector_load %arg9[%swap3A_1292] {strides = array<i32>} : memref<128xf32, #tpu.memory_space<vmem>>, vector<16xf32>,
      %swap3A_1294 = vector.shape_cast %swap3A_1293 : vector<16xf32> to vector<16xf32>
      %swap3A_1295 = vector.shape_cast %add3A_1291 : vector<16xf32> to vector<16xf32>
      tpu.vector_store %arg9[%swap3A_1292], %swap3A_1295 {strides = array<i32>} : memref<128xf32, #tpu.memory_space<vmem>>, vector<16xf32>,
      %get3A_1296 = arith.constant 0 : i32
      %get3A_1297 = arith.index_cast %get3A_1296 : i32 to index
      %get3A_1298 = arith.constant 80 : index
      %get3A_1299 = tpu.vector_load %arg8[%get3A_1297, %get3A_1298] {strides = array<i32>} : memref<40x128xf32, #tpu.memory_space<vmem>>, vector<1x16xf32>,
      %get3A_1300 = vector.shape_cast %get3A_1299 : vector<1x16xf32> to vector<16xf32>
      %get3A_1301 = arith.constant 1 : i32
      %get3A_1302 = arith.index_cast %get3A_1301 : i32 to index
      %get3A_1303 = arith.constant 80 : index
      %get3A_1304 = tpu.vector_load %arg8[%get3A_1302, %get3A_1303] {strides = array<i32>} : memref<40x128xf32, #tpu.memory_space<vmem>>, vector<1x16xf32>,
      %get3A_1305 = vector.shape_cast %get3A_1304 : vector<1x16xf32> to vector<16xf32>
      %add3A_1306 = arith.addf %get3A_1300, %get3A_1305 : vector<16xf32>
      %get3A_1307 = arith.constant 2 : i32
      %get3A_1308 = arith.index_cast %get3A_1307 : i32 to index
      %get3A_1309 = arith.constant 80 : index
      %get3A_1310 = tpu.vector_load %arg8[%get3A_1308, %get3A_1309] {strides = array<i32>} : memref<40x128xf32, #tpu.memory_space<vmem>>, vector<1x16xf32>,
      %get3A_1311 = vector.shape_cast %get3A_1310 : vector<1x16xf32> to vector<16xf32>
      %add3A_1312 = arith.addf %add3A_1306, %get3A_1311 : vector<16xf32>
      %get3A_1313 = arith.constant 3 : i32
      %get3A_1314 = arith.index_cast %get3A_1313 : i32 to index
      %get3A_1315 = arith.constant 80 : index
      %get3A_1316 = tpu.vector_load %arg8[%get3A_1314, %get3A_1315] {strides = array<i32>} : memref<40x128xf32, #tpu.memory_space<vmem>>, vector<1x16xf32>,
      %get3A_1317 = vector.shape_cast %get3A_1316 : vector<1x16xf32> to vector<16xf32>
      %add3A_1318 = arith.addf %add3A_1312, %get3A_1317 : vector<16xf32>
      %get3A_1319 = arith.constant 4 : i32
      %get3A_1320 = arith.index_cast %get3A_1319 : i32 to index
      %get3A_1321 = arith.constant 80 : index
      %get3A_1322 = tpu.vector_load %arg8[%get3A_1320, %get3A_1321] {strides = array<i32>} : memref<40x128xf32, #tpu.memory_space<vmem>>, vector<1x16xf32>,
      %get3A_1323 = vector.shape_cast %get3A_1322 : vector<1x16xf32> to vector<16xf32>
      %add3A_1324 = arith.addf %add3A_1318, %get3A_1323 : vector<16xf32>
      %get3A_1325 = arith.constant 5 : i32
      %get3A_1326 = arith.index_cast %get3A_1325 : i32 to index
      %get3A_1327 = arith.constant 80 : index
      %get3A_1328 = tpu.vector_load %arg8[%get3A_1326, %get3A_1327] {strides = array<i32>} : memref<40x128xf32, #tpu.memory_space<vmem>>, vector<1x16xf32>,
      %get3A_1329 = vector.shape_cast %get3A_1328 : vector<1x16xf32> to vector<16xf32>
      %add3A_1330 = arith.addf %add3A_1324, %get3A_1329 : vector<16xf32>
      %get3A_1331 = arith.constant 6 : i32
      %get3A_1332 = arith.index_cast %get3A_1331 : i32 to index
      %get3A_1333 = arith.constant 80 : index
      %get3A_1334 = tpu.vector_load %arg8[%get3A_1332, %get3A_1333] {strides = array<i32>} : memref<40x128xf32, #tpu.memory_space<vmem>>, vector<1x16xf32>,
      %get3A_1335 = vector.shape_cast %get3A_1334 : vector<1x16xf32> to vector<16xf32>
      %add3A_1336 = arith.addf %add3A_1330, %get3A_1335 : vector<16xf32>
      %get3A_1337 = arith.constant 7 : i32
      %get3A_1338 = arith.index_cast %get3A_1337 : i32 to index
      %get3A_1339 = arith.constant 80 : index
      %get3A_1340 = tpu.vector_load %arg8[%get3A_1338, %get3A_1339] {strides = array<i32>} : memref<40x128xf32, #tpu.memory_space<vmem>>, vector<1x16xf32>,
      %get3A_1341 = vector.shape_cast %get3A_1340 : vector<1x16xf32> to vector<16xf32>
      %add3A_1342 = arith.addf %add3A_1336, %get3A_1341 : vector<16xf32>
      %get3A_1343 = arith.constant 8 : i32
      %get3A_1344 = arith.index_cast %get3A_1343 : i32 to index
      %get3A_1345 = arith.constant 80 : index
      %get3A_1346 = tpu.vector_load %arg8[%get3A_1344, %get3A_1345] {strides = array<i32>} : memref<40x128xf32, #tpu.memory_space<vmem>>, vector<1x16xf32>,
      %get3A_1347 = vector.shape_cast %get3A_1346 : vector<1x16xf32> to vector<16xf32>
      %add3A_1348 = arith.addf %add3A_1342, %get3A_1347 : vector<16xf32>
      %get3A_1349 = arith.constant 9 : i32
      %get3A_1350 = arith.index_cast %get3A_1349 : i32 to index
      %get3A_1351 = arith.constant 80 : index
      %get3A_1352 = tpu.vector_load %arg8[%get3A_1350, %get3A_1351] {strides = array<i32>} : memref<40x128xf32, #tpu.memory_space<vmem>>, vector<1x16xf32>,
      %get3A_1353 = vector.shape_cast %get3A_1352 : vector<1x16xf32> to vector<16xf32>
      %add3A_1354 = arith.addf %add3A_1348, %get3A_1353 : vector<16xf32>
      %get3A_1355 = arith.constant 10 : i32
      %get3A_1356 = arith.index_cast %get3A_1355 : i32 to index
      %get3A_1357 = arith.constant 80 : index
      %get3A_1358 = tpu.vector_load %arg8[%get3A_1356, %get3A_1357] {strides = array<i32>} : memref<40x128xf32, #tpu.memory_space<vmem>>, vector<1x16xf32>,
      %get3A_1359 = vector.shape_cast %get3A_1358 : vector<1x16xf32> to vector<16xf32>
      %add3A_1360 = arith.addf %add3A_1354, %get3A_1359 : vector<16xf32>
      %get3A_1361 = arith.constant 11 : i32
      %get3A_1362 = arith.index_cast %get3A_1361 : i32 to index
      %get3A_1363 = arith.constant 80 : index
      %get3A_1364 = tpu.vector_load %arg8[%get3A_1362, %get3A_1363] {strides = array<i32>} : memref<40x128xf32, #tpu.memory_space<vmem>>, vector<1x16xf32>,
      %get3A_1365 = vector.shape_cast %get3A_1364 : vector<1x16xf32> to vector<16xf32>
      %add3A_1366 = arith.addf %add3A_1360, %get3A_1365 : vector<16xf32>
      %get3A_1367 = arith.constant 12 : i32
      %get3A_1368 = arith.index_cast %get3A_1367 : i32 to index
      %get3A_1369 = arith.constant 80 : index
      %get3A_1370 = tpu.vector_load %arg8[%get3A_1368, %get3A_1369] {strides = array<i32>} : memref<40x128xf32, #tpu.memory_space<vmem>>, vector<1x16xf32>,
      %get3A_1371 = vector.shape_cast %get3A_1370 : vector<1x16xf32> to vector<16xf32>
      %add3A_1372 = arith.addf %add3A_1366, %get3A_1371 : vector<16xf32>
      %get3A_1373 = arith.constant 13 : i32
      %get3A_1374 = arith.index_cast %get3A_1373 : i32 to index
      %get3A_1375 = arith.constant 80 : index
      %get3A_1376 = tpu.vector_load %arg8[%get3A_1374, %get3A_1375] {strides = array<i32>} : memref<40x128xf32, #tpu.memory_space<vmem>>, vector<1x16xf32>,
      %get3A_1377 = vector.shape_cast %get3A_1376 : vector<1x16xf32> to vector<16xf32>
      %add3A_1378 = arith.addf %add3A_1372, %get3A_1377 : vector<16xf32>
      %get3A_1379 = arith.constant 14 : i32
      %get3A_1380 = arith.index_cast %get3A_1379 : i32 to index
      %get3A_1381 = arith.constant 80 : index
      %get3A_1382 = tpu.vector_load %arg8[%get3A_1380, %get3A_1381] {strides = array<i32>} : memref<40x128xf32, #tpu.memory_space<vmem>>, vector<1x16xf32>,
      %get3A_1383 = vector.shape_cast %get3A_1382 : vector<1x16xf32> to vector<16xf32>
      %add3A_1384 = arith.addf %add3A_1378, %get3A_1383 : vector<16xf32>
      %get3A_1385 = arith.constant 15 : i32
      %get3A_1386 = arith.index_cast %get3A_1385 : i32 to index
      %get3A_1387 = arith.constant 80 : index
      %get3A_1388 = tpu.vector_load %arg8[%get3A_1386, %get3A_1387] {strides = array<i32>} : memref<40x128xf32, #tpu.memory_space<vmem>>, vector<1x16xf32>,
      %get3A_1389 = vector.shape_cast %get3A_1388 : vector<1x16xf32> to vector<16xf32>
      %add3A_1390 = arith.addf %add3A_1384, %get3A_1389 : vector<16xf32>
      %get3A_1391 = arith.constant 16 : i32
      %get3A_1392 = arith.index_cast %get3A_1391 : i32 to index
      %get3A_1393 = arith.constant 80 : index
      %get3A_1394 = tpu.vector_load %arg8[%get3A_1392, %get3A_1393] {strides = array<i32>} : memref<40x128xf32, #tpu.memory_space<vmem>>, vector<1x16xf32>,
      %get3A_1395 = vector.shape_cast %get3A_1394 : vector<1x16xf32> to vector<16xf32>
      %add3A_1396 = arith.addf %add3A_1390, %get3A_1395 : vector<16xf32>
      %get3A_1397 = arith.constant 17 : i32
      %get3A_1398 = arith.index_cast %get3A_1397 : i32 to index
      %get3A_1399 = arith.constant 80 : index
      %get3A_1400 = tpu.vector_load %arg8[%get3A_1398, %get3A_1399] {strides = array<i32>} : memref<40x128xf32, #tpu.memory_space<vmem>>, vector<1x16xf32>,
      %get3A_1401 = vector.shape_cast %get3A_1400 : vector<1x16xf32> to vector<16xf32>
      %add3A_1402 = arith.addf %add3A_1396, %get3A_1401 : vector<16xf32>
      %get3A_1403 = arith.constant 18 : i32
      %get3A_1404 = arith.index_cast %get3A_1403 : i32 to index
      %get3A_1405 = arith.constant 80 : index
      %get3A_1406 = tpu.vector_load %arg8[%get3A_1404, %get3A_1405] {strides = array<i32>} : memref<40x128xf32, #tpu.memory_space<vmem>>, vector<1x16xf32>,
      %get3A_1407 = vector.shape_cast %get3A_1406 : vector<1x16xf32> to vector<16xf32>
      %add3A_1408 = arith.addf %add3A_1402, %get3A_1407 : vector<16xf32>
      %get3A_1409 = arith.constant 19 : i32
      %get3A_1410 = arith.index_cast %get3A_1409 : i32 to index
      %get3A_1411 = arith.constant 80 : index
      %get3A_1412 = tpu.vector_load %arg8[%get3A_1410, %get3A_1411] {strides = array<i32>} : memref<40x128xf32, #tpu.memory_space<vmem>>, vector<1x16xf32>,
      %get3A_1413 = vector.shape_cast %get3A_1412 : vector<1x16xf32> to vector<16xf32>
      %add3A_1414 = arith.addf %add3A_1408, %get3A_1413 : vector<16xf32>
      %get3A_1415 = arith.constant 20 : i32
      %get3A_1416 = arith.index_cast %get3A_1415 : i32 to index
      %get3A_1417 = arith.constant 80 : index
      %get3A_1418 = tpu.vector_load %arg8[%get3A_1416, %get3A_1417] {strides = array<i32>} : memref<40x128xf32, #tpu.memory_space<vmem>>, vector<1x16xf32>,
      %get3A_1419 = vector.shape_cast %get3A_1418 : vector<1x16xf32> to vector<16xf32>
      %add3A_1420 = arith.addf %add3A_1414, %get3A_1419 : vector<16xf32>
      %get3A_1421 = arith.constant 21 : i32
      %get3A_1422 = arith.index_cast %get3A_1421 : i32 to index
      %get3A_1423 = arith.constant 80 : index
      %get3A_1424 = tpu.vector_load %arg8[%get3A_1422, %get3A_1423] {strides = array<i32>} : memref<40x128xf32, #tpu.memory_space<vmem>>, vector<1x16xf32>,
      %get3A_1425 = vector.shape_cast %get3A_1424 : vector<1x16xf32> to vector<16xf32>
      %add3A_1426 = arith.addf %add3A_1420, %get3A_1425 : vector<16xf32>
      %get3A_1427 = arith.constant 22 : i32
      %get3A_1428 = arith.index_cast %get3A_1427 : i32 to index
      %get3A_1429 = arith.constant 80 : index
      %get3A_1430 = tpu.vector_load %arg8[%get3A_1428, %get3A_1429] {strides = array<i32>} : memref<40x128xf32, #tpu.memory_space<vmem>>, vector<1x16xf32>,
      %get3A_1431 = vector.shape_cast %get3A_1430 : vector<1x16xf32> to vector<16xf32>
      %add3A_1432 = arith.addf %add3A_1426, %get3A_1431 : vector<16xf32>
      %get3A_1433 = arith.constant 23 : i32
      %get3A_1434 = arith.index_cast %get3A_1433 : i32 to index
      %get3A_1435 = arith.constant 80 : index
      %get3A_1436 = tpu.vector_load %arg8[%get3A_1434, %get3A_1435] {strides = array<i32>} : memref<40x128xf32, #tpu.memory_space<vmem>>, vector<1x16xf32>,
      %get3A_1437 = vector.shape_cast %get3A_1436 : vector<1x16xf32> to vector<16xf32>
      %add3A_1438 = arith.addf %add3A_1432, %get3A_1437 : vector<16xf32>
      %get3A_1439 = arith.constant 24 : i32
      %get3A_1440 = arith.index_cast %get3A_1439 : i32 to index
      %get3A_1441 = arith.constant 80 : index
      %get3A_1442 = tpu.vector_load %arg8[%get3A_1440, %get3A_1441] {strides = array<i32>} : memref<40x128xf32, #tpu.memory_space<vmem>>, vector<1x16xf32>,
      %get3A_1443 = vector.shape_cast %get3A_1442 : vector<1x16xf32> to vector<16xf32>
      %add3A_1444 = arith.addf %add3A_1438, %get3A_1443 : vector<16xf32>
      %get3A_1445 = arith.constant 25 : i32
      %get3A_1446 = arith.index_cast %get3A_1445 : i32 to index
      %get3A_1447 = arith.constant 80 : index
      %get3A_1448 = tpu.vector_load %arg8[%get3A_1446, %get3A_1447] {strides = array<i32>} : memref<40x128xf32, #tpu.memory_space<vmem>>, vector<1x16xf32>,
      %get3A_1449 = vector.shape_cast %get3A_1448 : vector<1x16xf32> to vector<16xf32>
      %add3A_1450 = arith.addf %add3A_1444, %get3A_1449 : vector<16xf32>
      %get3A_1451 = arith.constant 26 : i32
      %get3A_1452 = arith.index_cast %get3A_1451 : i32 to index
      %get3A_1453 = arith.constant 80 : index
      %get3A_1454 = tpu.vector_load %arg8[%get3A_1452, %get3A_1453] {strides = array<i32>} : memref<40x128xf32, #tpu.memory_space<vmem>>, vector<1x16xf32>,
      %get3A_1455 = vector.shape_cast %get3A_1454 : vector<1x16xf32> to vector<16xf32>
      %add3A_1456 = arith.addf %add3A_1450, %get3A_1455 : vector<16xf32>
      %get3A_1457 = arith.constant 27 : i32
      %get3A_1458 = arith.index_cast %get3A_1457 : i32 to index
      %get3A_1459 = arith.constant 80 : index
      %get3A_1460 = tpu.vector_load %arg8[%get3A_1458, %get3A_1459] {strides = array<i32>} : memref<40x128xf32, #tpu.memory_space<vmem>>, vector<1x16xf32>,
      %get3A_1461 = vector.shape_cast %get3A_1460 : vector<1x16xf32> to vector<16xf32>
      %add3A_1462 = arith.addf %add3A_1456, %get3A_1461 : vector<16xf32>
      %get3A_1463 = arith.constant 28 : i32
      %get3A_1464 = arith.index_cast %get3A_1463 : i32 to index
      %get3A_1465 = arith.constant 80 : index
      %get3A_1466 = tpu.vector_load %arg8[%get3A_1464, %get3A_1465] {strides = array<i32>} : memref<40x128xf32, #tpu.memory_space<vmem>>, vector<1x16xf32>,
      %get3A_1467 = vector.shape_cast %get3A_1466 : vector<1x16xf32> to vector<16xf32>
      %add3A_1468 = arith.addf %add3A_1462, %get3A_1467 : vector<16xf32>
      %get3A_1469 = arith.constant 29 : i32
      %get3A_1470 = arith.index_cast %get3A_1469 : i32 to index
      %get3A_1471 = arith.constant 80 : index
      %get3A_1472 = tpu.vector_load %arg8[%get3A_1470, %get3A_1471] {strides = array<i32>} : memref<40x128xf32, #tpu.memory_space<vmem>>, vector<1x16xf32>,
      %get3A_1473 = vector.shape_cast %get3A_1472 : vector<1x16xf32> to vector<16xf32>
      %add3A_1474 = arith.addf %add3A_1468, %get3A_1473 : vector<16xf32>
      %get3A_1475 = arith.constant 30 : i32
      %get3A_1476 = arith.index_cast %get3A_1475 : i32 to index
      %get3A_1477 = arith.constant 80 : index
      %get3A_1478 = tpu.vector_load %arg8[%get3A_1476, %get3A_1477] {strides = array<i32>} : memref<40x128xf32, #tpu.memory_space<vmem>>, vector<1x16xf32>,
      %get3A_1479 = vector.shape_cast %get3A_1478 : vector<1x16xf32> to vector<16xf32>
      %add3A_1480 = arith.addf %add3A_1474, %get3A_1479 : vector<16xf32>
      %get3A_1481 = arith.constant 31 : i32
      %get3A_1482 = arith.index_cast %get3A_1481 : i32 to index
      %get3A_1483 = arith.constant 80 : index
      %get3A_1484 = tpu.vector_load %arg8[%get3A_1482, %get3A_1483] {strides = array<i32>} : memref<40x128xf32, #tpu.memory_space<vmem>>, vector<1x16xf32>,
      %get3A_1485 = vector.shape_cast %get3A_1484 : vector<1x16xf32> to vector<16xf32>
      %add3A_1486 = arith.addf %add3A_1480, %get3A_1485 : vector<16xf32>
      %get3A_1487 = arith.constant 32 : i32
      %get3A_1488 = arith.index_cast %get3A_1487 : i32 to index
      %get3A_1489 = arith.constant 80 : index
      %get3A_1490 = tpu.vector_load %arg8[%get3A_1488, %get3A_1489] {strides = array<i32>} : memref<40x128xf32, #tpu.memory_space<vmem>>, vector<1x16xf32>,
      %get3A_1491 = vector.shape_cast %get3A_1490 : vector<1x16xf32> to vector<16xf32>
      %add3A_1492 = arith.addf %add3A_1486, %get3A_1491 : vector<16xf32>
      %get3A_1493 = arith.constant 33 : i32
      %get3A_1494 = arith.index_cast %get3A_1493 : i32 to index
      %get3A_1495 = arith.constant 80 : index
      %get3A_1496 = tpu.vector_load %arg8[%get3A_1494, %get3A_1495] {strides = array<i32>} : memref<40x128xf32, #tpu.memory_space<vmem>>, vector<1x16xf32>,
      %get3A_1497 = vector.shape_cast %get3A_1496 : vector<1x16xf32> to vector<16xf32>
      %add3A_1498 = arith.addf %add3A_1492, %get3A_1497 : vector<16xf32>
      %get3A_1499 = arith.constant 34 : i32
      %get3A_1500 = arith.index_cast %get3A_1499 : i32 to index
      %get3A_1501 = arith.constant 80 : index
      %get3A_1502 = tpu.vector_load %arg8[%get3A_1500, %get3A_1501] {strides = array<i32>} : memref<40x128xf32, #tpu.memory_space<vmem>>, vector<1x16xf32>,
      %get3A_1503 = vector.shape_cast %get3A_1502 : vector<1x16xf32> to vector<16xf32>
      %add3A_1504 = arith.addf %add3A_1498, %get3A_1503 : vector<16xf32>
      %get3A_1505 = arith.constant 35 : i32
      %get3A_1506 = arith.index_cast %get3A_1505 : i32 to index
      %get3A_1507 = arith.constant 80 : index
      %get3A_1508 = tpu.vector_load %arg8[%get3A_1506, %get3A_1507] {strides = array<i32>} : memref<40x128xf32, #tpu.memory_space<vmem>>, vector<1x16xf32>,
      %get3A_1509 = vector.shape_cast %get3A_1508 : vector<1x16xf32> to vector<16xf32>
      %add3A_1510 = arith.addf %add3A_1504, %get3A_1509 : vector<16xf32>
      %get3A_1511 = arith.constant 36 : i32
      %get3A_1512 = arith.index_cast %get3A_1511 : i32 to index
      %get3A_1513 = arith.constant 80 : index
      %get3A_1514 = tpu.vector_load %arg8[%get3A_1512, %get3A_1513] {strides = array<i32>} : memref<40x128xf32, #tpu.memory_space<vmem>>, vector<1x16xf32>,
      %get3A_1515 = vector.shape_cast %get3A_1514 : vector<1x16xf32> to vector<16xf32>
      %add3A_1516 = arith.addf %add3A_1510, %get3A_1515 : vector<16xf32>
      %get3A_1517 = arith.constant 37 : i32
      %get3A_1518 = arith.index_cast %get3A_1517 : i32 to index
      %get3A_1519 = arith.constant 80 : index
      %get3A_1520 = tpu.vector_load %arg8[%get3A_1518, %get3A_1519] {strides = array<i32>} : memref<40x128xf32, #tpu.memory_space<vmem>>, vector<1x16xf32>,
      %get3A_1521 = vector.shape_cast %get3A_1520 : vector<1x16xf32> to vector<16xf32>
      %add3A_1522 = arith.addf %add3A_1516, %get3A_1521 : vector<16xf32>
      %get3A_1523 = arith.constant 38 : i32
      %get3A_1524 = arith.index_cast %get3A_1523 : i32 to index
      %get3A_1525 = arith.constant 80 : index
      %get3A_1526 = tpu.vector_load %arg8[%get3A_1524, %get3A_1525] {strides = array<i32>} : memref<40x128xf32, #tpu.memory_space<vmem>>, vector<1x16xf32>,
      %get3A_1527 = vector.shape_cast %get3A_1526 : vector<1x16xf32> to vector<16xf32>
      %add3A_1528 = arith.addf %add3A_1522, %get3A_1527 : vector<16xf32>
      %get3A_1529 = arith.constant 39 : i32
      %get3A_1530 = arith.index_cast %get3A_1529 : i32 to index
      %get3A_1531 = arith.constant 80 : index
      %get3A_1532 = tpu.vector_load %arg8[%get3A_1530, %get3A_1531] {strides = array<i32>} : memref<40x128xf32, #tpu.memory_space<vmem>>, vector<1x16xf32>,
      %get3A_1533 = vector.shape_cast %get3A_1532 : vector<1x16xf32> to vector<16xf32>
      %add3A_1534 = arith.addf %add3A_1528, %get3A_1533 : vector<16xf32>
      %swap3A_1535 = arith.constant 80 : index
      %swap3A_1536 = tpu.vector_load %arg9[%swap3A_1535] {strides = array<i32>} : memref<128xf32, #tpu.memory_space<vmem>>, vector<16xf32>,
      %swap3A_1537 = vector.shape_cast %swap3A_1536 : vector<16xf32> to vector<16xf32>
      %swap3A_1538 = vector.shape_cast %add3A_1534 : vector<16xf32> to vector<16xf32>
      tpu.vector_store %arg9[%swap3A_1535], %swap3A_1538 {strides = array<i32>} : memref<128xf32, #tpu.memory_space<vmem>>, vector<16xf32>,
      %get3A_1539 = arith.constant 0 : i32
      %get3A_1540 = arith.index_cast %get3A_1539 : i32 to index
      %get3A_1541 = arith.constant 96 : index
      %get3A_1542 = tpu.vector_load %arg8[%get3A_1540, %get3A_1541] {strides = array<i32>} : memref<40x128xf32, #tpu.memory_space<vmem>>, vector<1x16xf32>,
      %get3A_1543 = vector.shape_cast %get3A_1542 : vector<1x16xf32> to vector<16xf32>
      %get3A_1544 = arith.constant 1 : i32
      %get3A_1545 = arith.index_cast %get3A_1544 : i32 to index
      %get3A_1546 = arith.constant 96 : index
      %get3A_1547 = tpu.vector_load %arg8[%get3A_1545, %get3A_1546] {strides = array<i32>} : memref<40x128xf32, #tpu.memory_space<vmem>>, vector<1x16xf32>,
      %get3A_1548 = vector.shape_cast %get3A_1547 : vector<1x16xf32> to vector<16xf32>
      %add3A_1549 = arith.addf %get3A_1543, %get3A_1548 : vector<16xf32>
      %get3A_1550 = arith.constant 2 : i32
      %get3A_1551 = arith.index_cast %get3A_1550 : i32 to index
      %get3A_1552 = arith.constant 96 : index
      %get3A_1553 = tpu.vector_load %arg8[%get3A_1551, %get3A_1552] {strides = array<i32>} : memref<40x128xf32, #tpu.memory_space<vmem>>, vector<1x16xf32>,
      %get3A_1554 = vector.shape_cast %get3A_1553 : vector<1x16xf32> to vector<16xf32>
      %add3A_1555 = arith.addf %add3A_1549, %get3A_1554 : vector<16xf32>
      %get3A_1556 = arith.constant 3 : i32
      %get3A_1557 = arith.index_cast %get3A_1556 : i32 to index
      %get3A_1558 = arith.constant 96 : index
      %get3A_1559 = tpu.vector_load %arg8[%get3A_1557, %get3A_1558] {strides = array<i32>} : memref<40x128xf32, #tpu.memory_space<vmem>>, vector<1x16xf32>,
      %get3A_1560 = vector.shape_cast %get3A_1559 : vector<1x16xf32> to vector<16xf32>
      %add3A_1561 = arith.addf %add3A_1555, %get3A_1560 : vector<16xf32>
      %get3A_1562 = arith.constant 4 : i32
      %get3A_1563 = arith.index_cast %get3A_1562 : i32 to index
      %get3A_1564 = arith.constant 96 : index
      %get3A_1565 = tpu.vector_load %arg8[%get3A_1563, %get3A_1564] {strides = array<i32>} : memref<40x128xf32, #tpu.memory_space<vmem>>, vector<1x16xf32>,
      %get3A_1566 = vector.shape_cast %get3A_1565 : vector<1x16xf32> to vector<16xf32>
      %add3A_1567 = arith.addf %add3A_1561, %get3A_1566 : vector<16xf32>
      %get3A_1568 = arith.constant 5 : i32
      %get3A_1569 = arith.index_cast %get3A_1568 : i32 to index
      %get3A_1570 = arith.constant 96 : index
      %get3A_1571 = tpu.vector_load %arg8[%get3A_1569, %get3A_1570] {strides = array<i32>} : memref<40x128xf32, #tpu.memory_space<vmem>>, vector<1x16xf32>,
      %get3A_1572 = vector.shape_cast %get3A_1571 : vector<1x16xf32> to vector<16xf32>
      %add3A_1573 = arith.addf %add3A_1567, %get3A_1572 : vector<16xf32>
      %get3A_1574 = arith.constant 6 : i32
      %get3A_1575 = arith.index_cast %get3A_1574 : i32 to index
      %get3A_1576 = arith.constant 96 : index
      %get3A_1577 = tpu.vector_load %arg8[%get3A_1575, %get3A_1576] {strides = array<i32>} : memref<40x128xf32, #tpu.memory_space<vmem>>, vector<1x16xf32>,
      %get3A_1578 = vector.shape_cast %get3A_1577 : vector<1x16xf32> to vector<16xf32>
      %add3A_1579 = arith.addf %add3A_1573, %get3A_1578 : vector<16xf32>
      %get3A_1580 = arith.constant 7 : i32
      %get3A_1581 = arith.index_cast %get3A_1580 : i32 to index
      %get3A_1582 = arith.constant 96 : index
      %get3A_1583 = tpu.vector_load %arg8[%get3A_1581, %get3A_1582] {strides = array<i32>} : memref<40x128xf32, #tpu.memory_space<vmem>>, vector<1x16xf32>,
      %get3A_1584 = vector.shape_cast %get3A_1583 : vector<1x16xf32> to vector<16xf32>
      %add3A_1585 = arith.addf %add3A_1579, %get3A_1584 : vector<16xf32>
      %get3A_1586 = arith.constant 8 : i32
      %get3A_1587 = arith.index_cast %get3A_1586 : i32 to index
      %get3A_1588 = arith.constant 96 : index
      %get3A_1589 = tpu.vector_load %arg8[%get3A_1587, %get3A_1588] {strides = array<i32>} : memref<40x128xf32, #tpu.memory_space<vmem>>, vector<1x16xf32>,
      %get3A_1590 = vector.shape_cast %get3A_1589 : vector<1x16xf32> to vector<16xf32>
      %add3A_1591 = arith.addf %add3A_1585, %get3A_1590 : vector<16xf32>
      %get3A_1592 = arith.constant 9 : i32
      %get3A_1593 = arith.index_cast %get3A_1592 : i32 to index
      %get3A_1594 = arith.constant 96 : index
      %get3A_1595 = tpu.vector_load %arg8[%get3A_1593, %get3A_1594] {strides = array<i32>} : memref<40x128xf32, #tpu.memory_space<vmem>>, vector<1x16xf32>,
      %get3A_1596 = vector.shape_cast %get3A_1595 : vector<1x16xf32> to vector<16xf32>
      %add3A_1597 = arith.addf %add3A_1591, %get3A_1596 : vector<16xf32>
      %get3A_1598 = arith.constant 10 : i32
      %get3A_1599 = arith.index_cast %get3A_1598 : i32 to index
      %get3A_1600 = arith.constant 96 : index
      %get3A_1601 = tpu.vector_load %arg8[%get3A_1599, %get3A_1600] {strides = array<i32>} : memref<40x128xf32, #tpu.memory_space<vmem>>, vector<1x16xf32>,
      %get3A_1602 = vector.shape_cast %get3A_1601 : vector<1x16xf32> to vector<16xf32>
      %add3A_1603 = arith.addf %add3A_1597, %get3A_1602 : vector<16xf32>
      %get3A_1604 = arith.constant 11 : i32
      %get3A_1605 = arith.index_cast %get3A_1604 : i32 to index
      %get3A_1606 = arith.constant 96 : index
      %get3A_1607 = tpu.vector_load %arg8[%get3A_1605, %get3A_1606] {strides = array<i32>} : memref<40x128xf32, #tpu.memory_space<vmem>>, vector<1x16xf32>,
      %get3A_1608 = vector.shape_cast %get3A_1607 : vector<1x16xf32> to vector<16xf32>
      %add3A_1609 = arith.addf %add3A_1603, %get3A_1608 : vector<16xf32>
      %get3A_1610 = arith.constant 12 : i32
      %get3A_1611 = arith.index_cast %get3A_1610 : i32 to index
      %get3A_1612 = arith.constant 96 : index
      %get3A_1613 = tpu.vector_load %arg8[%get3A_1611, %get3A_1612] {strides = array<i32>} : memref<40x128xf32, #tpu.memory_space<vmem>>, vector<1x16xf32>,
      %get3A_1614 = vector.shape_cast %get3A_1613 : vector<1x16xf32> to vector<16xf32>
      %add3A_1615 = arith.addf %add3A_1609, %get3A_1614 : vector<16xf32>
      %get3A_1616 = arith.constant 13 : i32
      %get3A_1617 = arith.index_cast %get3A_1616 : i32 to index
      %get3A_1618 = arith.constant 96 : index
      %get3A_1619 = tpu.vector_load %arg8[%get3A_1617, %get3A_1618] {strides = array<i32>} : memref<40x128xf32, #tpu.memory_space<vmem>>, vector<1x16xf32>,
      %get3A_1620 = vector.shape_cast %get3A_1619 : vector<1x16xf32> to vector<16xf32>
      %add3A_1621 = arith.addf %add3A_1615, %get3A_1620 : vector<16xf32>
      %get3A_1622 = arith.constant 14 : i32
      %get3A_1623 = arith.index_cast %get3A_1622 : i32 to index
      %get3A_1624 = arith.constant 96 : index
      %get3A_1625 = tpu.vector_load %arg8[%get3A_1623, %get3A_1624] {strides = array<i32>} : memref<40x128xf32, #tpu.memory_space<vmem>>, vector<1x16xf32>,
      %get3A_1626 = vector.shape_cast %get3A_1625 : vector<1x16xf32> to vector<16xf32>
      %add3A_1627 = arith.addf %add3A_1621, %get3A_1626 : vector<16xf32>
      %get3A_1628 = arith.constant 15 : i32
      %get3A_1629 = arith.index_cast %get3A_1628 : i32 to index
      %get3A_1630 = arith.constant 96 : index
      %get3A_1631 = tpu.vector_load %arg8[%get3A_1629, %get3A_1630] {strides = array<i32>} : memref<40x128xf32, #tpu.memory_space<vmem>>, vector<1x16xf32>,
      %get3A_1632 = vector.shape_cast %get3A_1631 : vector<1x16xf32> to vector<16xf32>
      %add3A_1633 = arith.addf %add3A_1627, %get3A_1632 : vector<16xf32>
      %get3A_1634 = arith.constant 16 : i32
      %get3A_1635 = arith.index_cast %get3A_1634 : i32 to index
      %get3A_1636 = arith.constant 96 : index
      %get3A_1637 = tpu.vector_load %arg8[%get3A_1635, %get3A_1636] {strides = array<i32>} : memref<40x128xf32, #tpu.memory_space<vmem>>, vector<1x16xf32>,
      %get3A_1638 = vector.shape_cast %get3A_1637 : vector<1x16xf32> to vector<16xf32>
      %add3A_1639 = arith.addf %add3A_1633, %get3A_1638 : vector<16xf32>
      %get3A_1640 = arith.constant 17 : i32
      %get3A_1641 = arith.index_cast %get3A_1640 : i32 to index
      %get3A_1642 = arith.constant 96 : index
      %get3A_1643 = tpu.vector_load %arg8[%get3A_1641, %get3A_1642] {strides = array<i32>} : memref<40x128xf32, #tpu.memory_space<vmem>>, vector<1x16xf32>,
      %get3A_1644 = vector.shape_cast %get3A_1643 : vector<1x16xf32> to vector<16xf32>
      %add3A_1645 = arith.addf %add3A_1639, %get3A_1644 : vector<16xf32>
      %get3A_1646 = arith.constant 18 : i32
      %get3A_1647 = arith.index_cast %get3A_1646 : i32 to index
      %get3A_1648 = arith.constant 96 : index
      %get3A_1649 = tpu.vector_load %arg8[%get3A_1647, %get3A_1648] {strides = array<i32>} : memref<40x128xf32, #tpu.memory_space<vmem>>, vector<1x16xf32>,
      %get3A_1650 = vector.shape_cast %get3A_1649 : vector<1x16xf32> to vector<16xf32>
      %add3A_1651 = arith.addf %add3A_1645, %get3A_1650 : vector<16xf32>
      %get3A_1652 = arith.constant 19 : i32
      %get3A_1653 = arith.index_cast %get3A_1652 : i32 to index
      %get3A_1654 = arith.constant 96 : index
      %get3A_1655 = tpu.vector_load %arg8[%get3A_1653, %get3A_1654] {strides = array<i32>} : memref<40x128xf32, #tpu.memory_space<vmem>>, vector<1x16xf32>,
      %get3A_1656 = vector.shape_cast %get3A_1655 : vector<1x16xf32> to vector<16xf32>
      %add3A_1657 = arith.addf %add3A_1651, %get3A_1656 : vector<16xf32>
      %get3A_1658 = arith.constant 20 : i32
      %get3A_1659 = arith.index_cast %get3A_1658 : i32 to index
      %get3A_1660 = arith.constant 96 : index
      %get3A_1661 = tpu.vector_load %arg8[%get3A_1659, %get3A_1660] {strides = array<i32>} : memref<40x128xf32, #tpu.memory_space<vmem>>, vector<1x16xf32>,
      %get3A_1662 = vector.shape_cast %get3A_1661 : vector<1x16xf32> to vector<16xf32>
      %add3A_1663 = arith.addf %add3A_1657, %get3A_1662 : vector<16xf32>
      %get3A_1664 = arith.constant 21 : i32
      %get3A_1665 = arith.index_cast %get3A_1664 : i32 to index
      %get3A_1666 = arith.constant 96 : index
      %get3A_1667 = tpu.vector_load %arg8[%get3A_1665, %get3A_1666] {strides = array<i32>} : memref<40x128xf32, #tpu.memory_space<vmem>>, vector<1x16xf32>,
      %get3A_1668 = vector.shape_cast %get3A_1667 : vector<1x16xf32> to vector<16xf32>
      %add3A_1669 = arith.addf %add3A_1663, %get3A_1668 : vector<16xf32>
      %get3A_1670 = arith.constant 22 : i32
      %get3A_1671 = arith.index_cast %get3A_1670 : i32 to index
      %get3A_1672 = arith.constant 96 : index
      %get3A_1673 = tpu.vector_load %arg8[%get3A_1671, %get3A_1672] {strides = array<i32>} : memref<40x128xf32, #tpu.memory_space<vmem>>, vector<1x16xf32>,
      %get3A_1674 = vector.shape_cast %get3A_1673 : vector<1x16xf32> to vector<16xf32>
      %add3A_1675 = arith.addf %add3A_1669, %get3A_1674 : vector<16xf32>
      %get3A_1676 = arith.constant 23 : i32
      %get3A_1677 = arith.index_cast %get3A_1676 : i32 to index
      %get3A_1678 = arith.constant 96 : index
      %get3A_1679 = tpu.vector_load %arg8[%get3A_1677, %get3A_1678] {strides = array<i32>} : memref<40x128xf32, #tpu.memory_space<vmem>>, vector<1x16xf32>,
      %get3A_1680 = vector.shape_cast %get3A_1679 : vector<1x16xf32> to vector<16xf32>
      %add3A_1681 = arith.addf %add3A_1675, %get3A_1680 : vector<16xf32>
      %get3A_1682 = arith.constant 24 : i32
      %get3A_1683 = arith.index_cast %get3A_1682 : i32 to index
      %get3A_1684 = arith.constant 96 : index
      %get3A_1685 = tpu.vector_load %arg8[%get3A_1683, %get3A_1684] {strides = array<i32>} : memref<40x128xf32, #tpu.memory_space<vmem>>, vector<1x16xf32>,
      %get3A_1686 = vector.shape_cast %get3A_1685 : vector<1x16xf32> to vector<16xf32>
      %add3A_1687 = arith.addf %add3A_1681, %get3A_1686 : vector<16xf32>
      %get3A_1688 = arith.constant 25 : i32
      %get3A_1689 = arith.index_cast %get3A_1688 : i32 to index
      %get3A_1690 = arith.constant 96 : index
      %get3A_1691 = tpu.vector_load %arg8[%get3A_1689, %get3A_1690] {strides = array<i32>} : memref<40x128xf32, #tpu.memory_space<vmem>>, vector<1x16xf32>,
      %get3A_1692 = vector.shape_cast %get3A_1691 : vector<1x16xf32> to vector<16xf32>
      %add3A_1693 = arith.addf %add3A_1687, %get3A_1692 : vector<16xf32>
      %get3A_1694 = arith.constant 26 : i32
      %get3A_1695 = arith.index_cast %get3A_1694 : i32 to index
      %get3A_1696 = arith.constant 96 : index
      %get3A_1697 = tpu.vector_load %arg8[%get3A_1695, %get3A_1696] {strides = array<i32>} : memref<40x128xf32, #tpu.memory_space<vmem>>, vector<1x16xf32>,
      %get3A_1698 = vector.shape_cast %get3A_1697 : vector<1x16xf32> to vector<16xf32>
      %add3A_1699 = arith.addf %add3A_1693, %get3A_1698 : vector<16xf32>
      %get3A_1700 = arith.constant 27 : i32
      %get3A_1701 = arith.index_cast %get3A_1700 : i32 to index
      %get3A_1702 = arith.constant 96 : index
      %get3A_1703 = tpu.vector_load %arg8[%get3A_1701, %get3A_1702] {strides = array<i32>} : memref<40x128xf32, #tpu.memory_space<vmem>>, vector<1x16xf32>,
      %get3A_1704 = vector.shape_cast %get3A_1703 : vector<1x16xf32> to vector<16xf32>
      %add3A_1705 = arith.addf %add3A_1699, %get3A_1704 : vector<16xf32>
      %get3A_1706 = arith.constant 28 : i32
      %get3A_1707 = arith.index_cast %get3A_1706 : i32 to index
      %get3A_1708 = arith.constant 96 : index
      %get3A_1709 = tpu.vector_load %arg8[%get3A_1707, %get3A_1708] {strides = array<i32>} : memref<40x128xf32, #tpu.memory_space<vmem>>, vector<1x16xf32>,
      %get3A_1710 = vector.shape_cast %get3A_1709 : vector<1x16xf32> to vector<16xf32>
      %add3A_1711 = arith.addf %add3A_1705, %get3A_1710 : vector<16xf32>
      %get3A_1712 = arith.constant 29 : i32
      %get3A_1713 = arith.index_cast %get3A_1712 : i32 to index
      %get3A_1714 = arith.constant 96 : index
      %get3A_1715 = tpu.vector_load %arg8[%get3A_1713, %get3A_1714] {strides = array<i32>} : memref<40x128xf32, #tpu.memory_space<vmem>>, vector<1x16xf32>,
      %get3A_1716 = vector.shape_cast %get3A_1715 : vector<1x16xf32> to vector<16xf32>
      %add3A_1717 = arith.addf %add3A_1711, %get3A_1716 : vector<16xf32>
      %get3A_1718 = arith.constant 30 : i32
      %get3A_1719 = arith.index_cast %get3A_1718 : i32 to index
      %get3A_1720 = arith.constant 96 : index
      %get3A_1721 = tpu.vector_load %arg8[%get3A_1719, %get3A_1720] {strides = array<i32>} : memref<40x128xf32, #tpu.memory_space<vmem>>, vector<1x16xf32>,
      %get3A_1722 = vector.shape_cast %get3A_1721 : vector<1x16xf32> to vector<16xf32>
      %add3A_1723 = arith.addf %add3A_1717, %get3A_1722 : vector<16xf32>
      %get3A_1724 = arith.constant 31 : i32
      %get3A_1725 = arith.index_cast %get3A_1724 : i32 to index
      %get3A_1726 = arith.constant 96 : index
      %get3A_1727 = tpu.vector_load %arg8[%get3A_1725, %get3A_1726] {strides = array<i32>} : memref<40x128xf32, #tpu.memory_space<vmem>>, vector<1x16xf32>,
      %get3A_1728 = vector.shape_cast %get3A_1727 : vector<1x16xf32> to vector<16xf32>
      %add3A_1729 = arith.addf %add3A_1723, %get3A_1728 : vector<16xf32>
      %get3A_1730 = arith.constant 32 : i32
      %get3A_1731 = arith.index_cast %get3A_1730 : i32 to index
      %get3A_1732 = arith.constant 96 : index
      %get3A_1733 = tpu.vector_load %arg8[%get3A_1731, %get3A_1732] {strides = array<i32>} : memref<40x128xf32, #tpu.memory_space<vmem>>, vector<1x16xf32>,
      %get3A_1734 = vector.shape_cast %get3A_1733 : vector<1x16xf32> to vector<16xf32>
      %add3A_1735 = arith.addf %add3A_1729, %get3A_1734 : vector<16xf32>
      %get3A_1736 = arith.constant 33 : i32
      %get3A_1737 = arith.index_cast %get3A_1736 : i32 to index
      %get3A_1738 = arith.constant 96 : index
      %get3A_1739 = tpu.vector_load %arg8[%get3A_1737, %get3A_1738] {strides = array<i32>} : memref<40x128xf32, #tpu.memory_space<vmem>>, vector<1x16xf32>,
      %get3A_1740 = vector.shape_cast %get3A_1739 : vector<1x16xf32> to vector<16xf32>
      %add3A_1741 = arith.addf %add3A_1735, %get3A_1740 : vector<16xf32>
      %get3A_1742 = arith.constant 34 : i32
      %get3A_1743 = arith.index_cast %get3A_1742 : i32 to index
      %get3A_1744 = arith.constant 96 : index
      %get3A_1745 = tpu.vector_load %arg8[%get3A_1743, %get3A_1744] {strides = array<i32>} : memref<40x128xf32, #tpu.memory_space<vmem>>, vector<1x16xf32>,
      %get3A_1746 = vector.shape_cast %get3A_1745 : vector<1x16xf32> to vector<16xf32>
      %add3A_1747 = arith.addf %add3A_1741, %get3A_1746 : vector<16xf32>
      %get3A_1748 = arith.constant 35 : i32
      %get3A_1749 = arith.index_cast %get3A_1748 : i32 to index
      %get3A_1750 = arith.constant 96 : index
      %get3A_1751 = tpu.vector_load %arg8[%get3A_1749, %get3A_1750] {strides = array<i32>} : memref<40x128xf32, #tpu.memory_space<vmem>>, vector<1x16xf32>,
      %get3A_1752 = vector.shape_cast %get3A_1751 : vector<1x16xf32> to vector<16xf32>
      %add3A_1753 = arith.addf %add3A_1747, %get3A_1752 : vector<16xf32>
      %get3A_1754 = arith.constant 36 : i32
      %get3A_1755 = arith.index_cast %get3A_1754 : i32 to index
      %get3A_1756 = arith.constant 96 : index
      %get3A_1757 = tpu.vector_load %arg8[%get3A_1755, %get3A_1756] {strides = array<i32>} : memref<40x128xf32, #tpu.memory_space<vmem>>, vector<1x16xf32>,
      %get3A_1758 = vector.shape_cast %get3A_1757 : vector<1x16xf32> to vector<16xf32>
      %add3A_1759 = arith.addf %add3A_1753, %get3A_1758 : vector<16xf32>
      %get3A_1760 = arith.constant 37 : i32
      %get3A_1761 = arith.index_cast %get3A_1760 : i32 to index
      %get3A_1762 = arith.constant 96 : index
      %get3A_1763 = tpu.vector_load %arg8[%get3A_1761, %get3A_1762] {strides = array<i32>} : memref<40x128xf32, #tpu.memory_space<vmem>>, vector<1x16xf32>,
      %get3A_1764 = vector.shape_cast %get3A_1763 : vector<1x16xf32> to vector<16xf32>
      %add3A_1765 = arith.addf %add3A_1759, %get3A_1764 : vector<16xf32>
      %get3A_1766 = arith.constant 38 : i32
      %get3A_1767 = arith.index_cast %get3A_1766 : i32 to index
      %get3A_1768 = arith.constant 96 : index
      %get3A_1769 = tpu.vector_load %arg8[%get3A_1767, %get3A_1768] {strides = array<i32>} : memref<40x128xf32, #tpu.memory_space<vmem>>, vector<1x16xf32>,
      %get3A_1770 = vector.shape_cast %get3A_1769 : vector<1x16xf32> to vector<16xf32>
      %add3A_1771 = arith.addf %add3A_1765, %get3A_1770 : vector<16xf32>
      %get3A_1772 = arith.constant 39 : i32
      %get3A_1773 = arith.index_cast %get3A_1772 : i32 to index
      %get3A_1774 = arith.constant 96 : index
      %get3A_1775 = tpu.vector_load %arg8[%get3A_1773, %get3A_1774] {strides = array<i32>} : memref<40x128xf32, #tpu.memory_space<vmem>>, vector<1x16xf32>,
      %get3A_1776 = vector.shape_cast %get3A_1775 : vector<1x16xf32> to vector<16xf32>
      %add3A_1777 = arith.addf %add3A_1771, %get3A_1776 : vector<16xf32>
      %swap3A_1778 = arith.constant 96 : index
      %swap3A_1779 = tpu.vector_load %arg9[%swap3A_1778] {strides = array<i32>} : memref<128xf32, #tpu.memory_space<vmem>>, vector<16xf32>,
      %swap3A_1780 = vector.shape_cast %swap3A_1779 : vector<16xf32> to vector<16xf32>
      %swap3A_1781 = vector.shape_cast %add3A_1777 : vector<16xf32> to vector<16xf32>
      tpu.vector_store %arg9[%swap3A_1778], %swap3A_1781 {strides = array<i32>} : memref<128xf32, #tpu.memory_space<vmem>>, vector<16xf32>,
      %get3A_1782 = arith.constant 0 : i32
      %get3A_1783 = arith.index_cast %get3A_1782 : i32 to index
      %get3A_1784 = arith.constant 112 : index
      %get3A_1785 = tpu.vector_load %arg8[%get3A_1783, %get3A_1784] {strides = array<i32>} : memref<40x128xf32, #tpu.memory_space<vmem>>, vector<1x16xf32>,
      %get3A_1786 = vector.shape_cast %get3A_1785 : vector<1x16xf32> to vector<16xf32>
      %get3A_1787 = arith.constant 1 : i32
      %get3A_1788 = arith.index_cast %get3A_1787 : i32 to index
      %get3A_1789 = arith.constant 112 : index
      %get3A_1790 = tpu.vector_load %arg8[%get3A_1788, %get3A_1789] {strides = array<i32>} : memref<40x128xf32, #tpu.memory_space<vmem>>, vector<1x16xf32>,
      %get3A_1791 = vector.shape_cast %get3A_1790 : vector<1x16xf32> to vector<16xf32>
      %add3A_1792 = arith.addf %get3A_1786, %get3A_1791 : vector<16xf32>
      %get3A_1793 = arith.constant 2 : i32
      %get3A_1794 = arith.index_cast %get3A_1793 : i32 to index
      %get3A_1795 = arith.constant 112 : index
      %get3A_1796 = tpu.vector_load %arg8[%get3A_1794, %get3A_1795] {strides = array<i32>} : memref<40x128xf32, #tpu.memory_space<vmem>>, vector<1x16xf32>,
      %get3A_1797 = vector.shape_cast %get3A_1796 : vector<1x16xf32> to vector<16xf32>
      %add3A_1798 = arith.addf %add3A_1792, %get3A_1797 : vector<16xf32>
      %get3A_1799 = arith.constant 3 : i32
      %get3A_1800 = arith.index_cast %get3A_1799 : i32 to index
      %get3A_1801 = arith.constant 112 : index
      %get3A_1802 = tpu.vector_load %arg8[%get3A_1800, %get3A_1801] {strides = array<i32>} : memref<40x128xf32, #tpu.memory_space<vmem>>, vector<1x16xf32>,
      %get3A_1803 = vector.shape_cast %get3A_1802 : vector<1x16xf32> to vector<16xf32>
      %add3A_1804 = arith.addf %add3A_1798, %get3A_1803 : vector<16xf32>
      %get3A_1805 = arith.constant 4 : i32
      %get3A_1806 = arith.index_cast %get3A_1805 : i32 to index
      %get3A_1807 = arith.constant 112 : index
      %get3A_1808 = tpu.vector_load %arg8[%get3A_1806, %get3A_1807] {strides = array<i32>} : memref<40x128xf32, #tpu.memory_space<vmem>>, vector<1x16xf32>,
      %get3A_1809 = vector.shape_cast %get3A_1808 : vector<1x16xf32> to vector<16xf32>
      %add3A_1810 = arith.addf %add3A_1804, %get3A_1809 : vector<16xf32>
      %get3A_1811 = arith.constant 5 : i32
      %get3A_1812 = arith.index_cast %get3A_1811 : i32 to index
      %get3A_1813 = arith.constant 112 : index
      %get3A_1814 = tpu.vector_load %arg8[%get3A_1812, %get3A_1813] {strides = array<i32>} : memref<40x128xf32, #tpu.memory_space<vmem>>, vector<1x16xf32>,
      %get3A_1815 = vector.shape_cast %get3A_1814 : vector<1x16xf32> to vector<16xf32>
      %add3A_1816 = arith.addf %add3A_1810, %get3A_1815 : vector<16xf32>
      %get3A_1817 = arith.constant 6 : i32
      %get3A_1818 = arith.index_cast %get3A_1817 : i32 to index
      %get3A_1819 = arith.constant 112 : index
      %get3A_1820 = tpu.vector_load %arg8[%get3A_1818, %get3A_1819] {strides = array<i32>} : memref<40x128xf32, #tpu.memory_space<vmem>>, vector<1x16xf32>,
      %get3A_1821 = vector.shape_cast %get3A_1820 : vector<1x16xf32> to vector<16xf32>
      %add3A_1822 = arith.addf %add3A_1816, %get3A_1821 : vector<16xf32>
      %get3A_1823 = arith.constant 7 : i32
      %get3A_1824 = arith.index_cast %get3A_1823 : i32 to index
      %get3A_1825 = arith.constant 112 : index
      %get3A_1826 = tpu.vector_load %arg8[%get3A_1824, %get3A_1825] {strides = array<i32>} : memref<40x128xf32, #tpu.memory_space<vmem>>, vector<1x16xf32>,
      %get3A_1827 = vector.shape_cast %get3A_1826 : vector<1x16xf32> to vector<16xf32>
      %add3A_1828 = arith.addf %add3A_1822, %get3A_1827 : vector<16xf32>
      %get3A_1829 = arith.constant 8 : i32
      %get3A_1830 = arith.index_cast %get3A_1829 : i32 to index
      %get3A_1831 = arith.constant 112 : index
      %get3A_1832 = tpu.vector_load %arg8[%get3A_1830, %get3A_1831] {strides = array<i32>} : memref<40x128xf32, #tpu.memory_space<vmem>>, vector<1x16xf32>,
      %get3A_1833 = vector.shape_cast %get3A_1832 : vector<1x16xf32> to vector<16xf32>
      %add3A_1834 = arith.addf %add3A_1828, %get3A_1833 : vector<16xf32>
      %get3A_1835 = arith.constant 9 : i32
      %get3A_1836 = arith.index_cast %get3A_1835 : i32 to index
      %get3A_1837 = arith.constant 112 : index
      %get3A_1838 = tpu.vector_load %arg8[%get3A_1836, %get3A_1837] {strides = array<i32>} : memref<40x128xf32, #tpu.memory_space<vmem>>, vector<1x16xf32>,
      %get3A_1839 = vector.shape_cast %get3A_1838 : vector<1x16xf32> to vector<16xf32>
      %add3A_1840 = arith.addf %add3A_1834, %get3A_1839 : vector<16xf32>
      %get3A_1841 = arith.constant 10 : i32
      %get3A_1842 = arith.index_cast %get3A_1841 : i32 to index
      %get3A_1843 = arith.constant 112 : index
      %get3A_1844 = tpu.vector_load %arg8[%get3A_1842, %get3A_1843] {strides = array<i32>} : memref<40x128xf32, #tpu.memory_space<vmem>>, vector<1x16xf32>,
      %get3A_1845 = vector.shape_cast %get3A_1844 : vector<1x16xf32> to vector<16xf32>
      %add3A_1846 = arith.addf %add3A_1840, %get3A_1845 : vector<16xf32>
      %get3A_1847 = arith.constant 11 : i32
      %get3A_1848 = arith.index_cast %get3A_1847 : i32 to index
      %get3A_1849 = arith.constant 112 : index
      %get3A_1850 = tpu.vector_load %arg8[%get3A_1848, %get3A_1849] {strides = array<i32>} : memref<40x128xf32, #tpu.memory_space<vmem>>, vector<1x16xf32>,
      %get3A_1851 = vector.shape_cast %get3A_1850 : vector<1x16xf32> to vector<16xf32>
      %add3A_1852 = arith.addf %add3A_1846, %get3A_1851 : vector<16xf32>
      %get3A_1853 = arith.constant 12 : i32
      %get3A_1854 = arith.index_cast %get3A_1853 : i32 to index
      %get3A_1855 = arith.constant 112 : index
      %get3A_1856 = tpu.vector_load %arg8[%get3A_1854, %get3A_1855] {strides = array<i32>} : memref<40x128xf32, #tpu.memory_space<vmem>>, vector<1x16xf32>,
      %get3A_1857 = vector.shape_cast %get3A_1856 : vector<1x16xf32> to vector<16xf32>
      %add3A_1858 = arith.addf %add3A_1852, %get3A_1857 : vector<16xf32>
      %get3A_1859 = arith.constant 13 : i32
      %get3A_1860 = arith.index_cast %get3A_1859 : i32 to index
      %get3A_1861 = arith.constant 112 : index
      %get3A_1862 = tpu.vector_load %arg8[%get3A_1860, %get3A_1861] {strides = array<i32>} : memref<40x128xf32, #tpu.memory_space<vmem>>, vector<1x16xf32>,
      %get3A_1863 = vector.shape_cast %get3A_1862 : vector<1x16xf32> to vector<16xf32>
      %add3A_1864 = arith.addf %add3A_1858, %get3A_1863 : vector<16xf32>
      %get3A_1865 = arith.constant 14 : i32
      %get3A_1866 = arith.index_cast %get3A_1865 : i32 to index
      %get3A_1867 = arith.constant 112 : index
      %get3A_1868 = tpu.vector_load %arg8[%get3A_1866, %get3A_1867] {strides = array<i32>} : memref<40x128xf32, #tpu.memory_space<vmem>>, vector<1x16xf32>,
      %get3A_1869 = vector.shape_cast %get3A_1868 : vector<1x16xf32> to vector<16xf32>
      %add3A_1870 = arith.addf %add3A_1864, %get3A_1869 : vector<16xf32>
      %get3A_1871 = arith.constant 15 : i32
      %get3A_1872 = arith.index_cast %get3A_1871 : i32 to index
      %get3A_1873 = arith.constant 112 : index
      %get3A_1874 = tpu.vector_load %arg8[%get3A_1872, %get3A_1873] {strides = array<i32>} : memref<40x128xf32, #tpu.memory_space<vmem>>, vector<1x16xf32>,
      %get3A_1875 = vector.shape_cast %get3A_1874 : vector<1x16xf32> to vector<16xf32>
      %add3A_1876 = arith.addf %add3A_1870, %get3A_1875 : vector<16xf32>
      %get3A_1877 = arith.constant 16 : i32
      %get3A_1878 = arith.index_cast %get3A_1877 : i32 to index
      %get3A_1879 = arith.constant 112 : index
      %get3A_1880 = tpu.vector_load %arg8[%get3A_1878, %get3A_1879] {strides = array<i32>} : memref<40x128xf32, #tpu.memory_space<vmem>>, vector<1x16xf32>,
      %get3A_1881 = vector.shape_cast %get3A_1880 : vector<1x16xf32> to vector<16xf32>
      %add3A_1882 = arith.addf %add3A_1876, %get3A_1881 : vector<16xf32>
      %get3A_1883 = arith.constant 17 : i32
      %get3A_1884 = arith.index_cast %get3A_1883 : i32 to index
      %get3A_1885 = arith.constant 112 : index
      %get3A_1886 = tpu.vector_load %arg8[%get3A_1884, %get3A_1885] {strides = array<i32>} : memref<40x128xf32, #tpu.memory_space<vmem>>, vector<1x16xf32>,
      %get3A_1887 = vector.shape_cast %get3A_1886 : vector<1x16xf32> to vector<16xf32>
      %add3A_1888 = arith.addf %add3A_1882, %get3A_1887 : vector<16xf32>
      %get3A_1889 = arith.constant 18 : i32
      %get3A_1890 = arith.index_cast %get3A_1889 : i32 to index
      %get3A_1891 = arith.constant 112 : index
      %get3A_1892 = tpu.vector_load %arg8[%get3A_1890, %get3A_1891] {strides = array<i32>} : memref<40x128xf32, #tpu.memory_space<vmem>>, vector<1x16xf32>,
      %get3A_1893 = vector.shape_cast %get3A_1892 : vector<1x16xf32> to vector<16xf32>
      %add3A_1894 = arith.addf %add3A_1888, %get3A_1893 : vector<16xf32>
      %get3A_1895 = arith.constant 19 : i32
      %get3A_1896 = arith.index_cast %get3A_1895 : i32 to index
      %get3A_1897 = arith.constant 112 : index
      %get3A_1898 = tpu.vector_load %arg8[%get3A_1896, %get3A_1897] {strides = array<i32>} : memref<40x128xf32, #tpu.memory_space<vmem>>, vector<1x16xf32>,
      %get3A_1899 = vector.shape_cast %get3A_1898 : vector<1x16xf32> to vector<16xf32>
      %add3A_1900 = arith.addf %add3A_1894, %get3A_1899 : vector<16xf32>
      %get3A_1901 = arith.constant 20 : i32
      %get3A_1902 = arith.index_cast %get3A_1901 : i32 to index
      %get3A_1903 = arith.constant 112 : index
      %get3A_1904 = tpu.vector_load %arg8[%get3A_1902, %get3A_1903] {strides = array<i32>} : memref<40x128xf32, #tpu.memory_space<vmem>>, vector<1x16xf32>,
      %get3A_1905 = vector.shape_cast %get3A_1904 : vector<1x16xf32> to vector<16xf32>
      %add3A_1906 = arith.addf %add3A_1900, %get3A_1905 : vector<16xf32>
      %get3A_1907 = arith.constant 21 : i32
      %get3A_1908 = arith.index_cast %get3A_1907 : i32 to index
      %get3A_1909 = arith.constant 112 : index
      %get3A_1910 = tpu.vector_load %arg8[%get3A_1908, %get3A_1909] {strides = array<i32>} : memref<40x128xf32, #tpu.memory_space<vmem>>, vector<1x16xf32>,
      %get3A_1911 = vector.shape_cast %get3A_1910 : vector<1x16xf32> to vector<16xf32>
      %add3A_1912 = arith.addf %add3A_1906, %get3A_1911 : vector<16xf32>
      %get3A_1913 = arith.constant 22 : i32
      %get3A_1914 = arith.index_cast %get3A_1913 : i32 to index
      %get3A_1915 = arith.constant 112 : index
      %get3A_1916 = tpu.vector_load %arg8[%get3A_1914, %get3A_1915] {strides = array<i32>} : memref<40x128xf32, #tpu.memory_space<vmem>>, vector<1x16xf32>,
      %get3A_1917 = vector.shape_cast %get3A_1916 : vector<1x16xf32> to vector<16xf32>
      %add3A_1918 = arith.addf %add3A_1912, %get3A_1917 : vector<16xf32>
      %get3A_1919 = arith.constant 23 : i32
      %get3A_1920 = arith.index_cast %get3A_1919 : i32 to index
      %get3A_1921 = arith.constant 112 : index
      %get3A_1922 = tpu.vector_load %arg8[%get3A_1920, %get3A_1921] {strides = array<i32>} : memref<40x128xf32, #tpu.memory_space<vmem>>, vector<1x16xf32>,
      %get3A_1923 = vector.shape_cast %get3A_1922 : vector<1x16xf32> to vector<16xf32>
      %add3A_1924 = arith.addf %add3A_1918, %get3A_1923 : vector<16xf32>
      %get3A_1925 = arith.constant 24 : i32
      %get3A_1926 = arith.index_cast %get3A_1925 : i32 to index
      %get3A_1927 = arith.constant 112 : index
      %get3A_1928 = tpu.vector_load %arg8[%get3A_1926, %get3A_1927] {strides = array<i32>} : memref<40x128xf32, #tpu.memory_space<vmem>>, vector<1x16xf32>,
      %get3A_1929 = vector.shape_cast %get3A_1928 : vector<1x16xf32> to vector<16xf32>
      %add3A_1930 = arith.addf %add3A_1924, %get3A_1929 : vector<16xf32>
      %get3A_1931 = arith.constant 25 : i32
      %get3A_1932 = arith.index_cast %get3A_1931 : i32 to index
      %get3A_1933 = arith.constant 112 : index
      %get3A_1934 = tpu.vector_load %arg8[%get3A_1932, %get3A_1933] {strides = array<i32>} : memref<40x128xf32, #tpu.memory_space<vmem>>, vector<1x16xf32>,
      %get3A_1935 = vector.shape_cast %get3A_1934 : vector<1x16xf32> to vector<16xf32>
      %add3A_1936 = arith.addf %add3A_1930, %get3A_1935 : vector<16xf32>
      %get3A_1937 = arith.constant 26 : i32
      %get3A_1938 = arith.index_cast %get3A_1937 : i32 to index
      %get3A_1939 = arith.constant 112 : index
      %get3A_1940 = tpu.vector_load %arg8[%get3A_1938, %get3A_1939] {strides = array<i32>} : memref<40x128xf32, #tpu.memory_space<vmem>>, vector<1x16xf32>,
      %get3A_1941 = vector.shape_cast %get3A_1940 : vector<1x16xf32> to vector<16xf32>
      %add3A_1942 = arith.addf %add3A_1936, %get3A_1941 : vector<16xf32>
      %get3A_1943 = arith.constant 27 : i32
      %get3A_1944 = arith.index_cast %get3A_1943 : i32 to index
      %get3A_1945 = arith.constant 112 : index
      %get3A_1946 = tpu.vector_load %arg8[%get3A_1944, %get3A_1945] {strides = array<i32>} : memref<40x128xf32, #tpu.memory_space<vmem>>, vector<1x16xf32>,
      %get3A_1947 = vector.shape_cast %get3A_1946 : vector<1x16xf32> to vector<16xf32>
      %add3A_1948 = arith.addf %add3A_1942, %get3A_1947 : vector<16xf32>
      %get3A_1949 = arith.constant 28 : i32
      %get3A_1950 = arith.index_cast %get3A_1949 : i32 to index
      %get3A_1951 = arith.constant 112 : index
      %get3A_1952 = tpu.vector_load %arg8[%get3A_1950, %get3A_1951] {strides = array<i32>} : memref<40x128xf32, #tpu.memory_space<vmem>>, vector<1x16xf32>,
      %get3A_1953 = vector.shape_cast %get3A_1952 : vector<1x16xf32> to vector<16xf32>
      %add3A_1954 = arith.addf %add3A_1948, %get3A_1953 : vector<16xf32>
      %get3A_1955 = arith.constant 29 : i32
      %get3A_1956 = arith.index_cast %get3A_1955 : i32 to index
      %get3A_1957 = arith.constant 112 : index
      %get3A_1958 = tpu.vector_load %arg8[%get3A_1956, %get3A_1957] {strides = array<i32>} : memref<40x128xf32, #tpu.memory_space<vmem>>, vector<1x16xf32>,
      %get3A_1959 = vector.shape_cast %get3A_1958 : vector<1x16xf32> to vector<16xf32>
      %add3A_1960 = arith.addf %add3A_1954, %get3A_1959 : vector<16xf32>
      %get3A_1961 = arith.constant 30 : i32
      %get3A_1962 = arith.index_cast %get3A_1961 : i32 to index
      %get3A_1963 = arith.constant 112 : index
      %get3A_1964 = tpu.vector_load %arg8[%get3A_1962, %get3A_1963] {strides = array<i32>} : memref<40x128xf32, #tpu.memory_space<vmem>>, vector<1x16xf32>,
      %get3A_1965 = vector.shape_cast %get3A_1964 : vector<1x16xf32> to vector<16xf32>
      %add3A_1966 = arith.addf %add3A_1960, %get3A_1965 : vector<16xf32>
      %get3A_1967 = arith.constant 31 : i32
      %get3A_1968 = arith.index_cast %get3A_1967 : i32 to index
      %get3A_1969 = arith.constant 112 : index
      %get3A_1970 = tpu.vector_load %arg8[%get3A_1968, %get3A_1969] {strides = array<i32>} : memref<40x128xf32, #tpu.memory_space<vmem>>, vector<1x16xf32>,
      %get3A_1971 = vector.shape_cast %get3A_1970 : vector<1x16xf32> to vector<16xf32>
      %add3A_1972 = arith.addf %add3A_1966, %get3A_1971 : vector<16xf32>
      %get3A_1973 = arith.constant 32 : i32
      %get3A_1974 = arith.index_cast %get3A_1973 : i32 to index
      %get3A_1975 = arith.constant 112 : index
      %get3A_1976 = tpu.vector_load %arg8[%get3A_1974, %get3A_1975] {strides = array<i32>} : memref<40x128xf32, #tpu.memory_space<vmem>>, vector<1x16xf32>,
      %get3A_1977 = vector.shape_cast %get3A_1976 : vector<1x16xf32> to vector<16xf32>
      %add3A_1978 = arith.addf %add3A_1972, %get3A_1977 : vector<16xf32>
      %get3A_1979 = arith.constant 33 : i32
      %get3A_1980 = arith.index_cast %get3A_1979 : i32 to index
      %get3A_1981 = arith.constant 112 : index
      %get3A_1982 = tpu.vector_load %arg8[%get3A_1980, %get3A_1981] {strides = array<i32>} : memref<40x128xf32, #tpu.memory_space<vmem>>, vector<1x16xf32>,
      %get3A_1983 = vector.shape_cast %get3A_1982 : vector<1x16xf32> to vector<16xf32>
      %add3A_1984 = arith.addf %add3A_1978, %get3A_1983 : vector<16xf32>
      %get3A_1985 = arith.constant 34 : i32
      %get3A_1986 = arith.index_cast %get3A_1985 : i32 to index
      %get3A_1987 = arith.constant 112 : index
      %get3A_1988 = tpu.vector_load %arg8[%get3A_1986, %get3A_1987] {strides = array<i32>} : memref<40x128xf32, #tpu.memory_space<vmem>>, vector<1x16xf32>,
      %get3A_1989 = vector.shape_cast %get3A_1988 : vector<1x16xf32> to vector<16xf32>
      %add3A_1990 = arith.addf %add3A_1984, %get3A_1989 : vector<16xf32>
      %get3A_1991 = arith.constant 35 : i32
      %get3A_1992 = arith.index_cast %get3A_1991 : i32 to index
      %get3A_1993 = arith.constant 112 : index
      %get3A_1994 = tpu.vector_load %arg8[%get3A_1992, %get3A_1993] {strides = array<i32>} : memref<40x128xf32, #tpu.memory_space<vmem>>, vector<1x16xf32>,
      %get3A_1995 = vector.shape_cast %get3A_1994 : vector<1x16xf32> to vector<16xf32>
      %add3A_1996 = arith.addf %add3A_1990, %get3A_1995 : vector<16xf32>
      %get3A_1997 = arith.constant 36 : i32
      %get3A_1998 = arith.index_cast %get3A_1997 : i32 to index
      %get3A_1999 = arith.constant 112 : index
      %get3A_2000 = tpu.vector_load %arg8[%get3A_1998, %get3A_1999] {strides = array<i32>} : memref<40x128xf32, #tpu.memory_space<vmem>>, vector<1x16xf32>,
      %get3A_2001 = vector.shape_cast %get3A_2000 : vector<1x16xf32> to vector<16xf32>
      %add3A_2002 = arith.addf %add3A_1996, %get3A_2001 : vector<16xf32>
      %get3A_2003 = arith.constant 37 : i32
      %get3A_2004 = arith.index_cast %get3A_2003 : i32 to index
      %get3A_2005 = arith.constant 112 : index
      %get3A_2006 = tpu.vector_load %arg8[%get3A_2004, %get3A_2005] {strides = array<i32>} : memref<40x128xf32, #tpu.memory_space<vmem>>, vector<1x16xf32>,
      %get3A_2007 = vector.shape_cast %get3A_2006 : vector<1x16xf32> to vector<16xf32>
      %add3A_2008 = arith.addf %add3A_2002, %get3A_2007 : vector<16xf32>
      %get3A_2009 = arith.constant 38 : i32
      %get3A_2010 = arith.index_cast %get3A_2009 : i32 to index
      %get3A_2011 = arith.constant 112 : index
      %get3A_2012 = tpu.vector_load %arg8[%get3A_2010, %get3A_2011] {strides = array<i32>} : memref<40x128xf32, #tpu.memory_space<vmem>>, vector<1x16xf32>,
      %get3A_2013 = vector.shape_cast %get3A_2012 : vector<1x16xf32> to vector<16xf32>
      %add3A_2014 = arith.addf %add3A_2008, %get3A_2013 : vector<16xf32>
      %get3A_2015 = arith.constant 39 : i32
      %get3A_2016 = arith.index_cast %get3A_2015 : i32 to index
      %get3A_2017 = arith.constant 112 : index
      %get3A_2018 = tpu.vector_load %arg8[%get3A_2016, %get3A_2017] {strides = array<i32>} : memref<40x128xf32, #tpu.memory_space<vmem>>, vector<1x16xf32>,
      %get3A_2019 = vector.shape_cast %get3A_2018 : vector<1x16xf32> to vector<16xf32>
      %add3A_2020 = arith.addf %add3A_2014, %get3A_2019 : vector<16xf32>
      %swap3A_2021 = arith.constant 112 : index
      %swap3A_2022 = tpu.vector_load %arg9[%swap3A_2021] {strides = array<i32>} : memref<128xf32, #tpu.memory_space<vmem>>, vector<16xf32>,
      %swap3A_2023 = vector.shape_cast %swap3A_2022 : vector<16xf32> to vector<16xf32>
      %swap3A_2024 = vector.shape_cast %add3A_2020 : vector<16xf32> to vector<16xf32>
      tpu.vector_store %arg9[%swap3A_2021], %swap3A_2024 {strides = array<i32>} : memref<128xf32, #tpu.memory_space<vmem>>, vector<16xf32>,
      %mul3A_2025 = arith.constant 128 : i32
      %mul3A_2026 = arith.muli %select_n3A, %mul3A_2025 : i32
      %multiple_of3A_2027 = tpu.assume_multiple %mul3A_2026, 8 : i32
      "tpu.region"() ({
        %run_scoped3A = tpu.sem_alloc : memref<!tpu.dma_semaphore, #tpu.memory_space<semaphore_mem>>
        %dma_start3A = tpu.memref_slice %arg6[%select_n3A_33, %multiple_of3A_2027] : memref<5x384xf32, #tpu.memory_space<hbm>> -> memref<1x128xf32, #tpu.memory_space<hbm>>
        %dma_start3A_2028 = tpu.memref_squeeze %dma_start3A : memref<1x128xf32, #tpu.memory_space<hbm>> -> memref<128xf32, #tpu.memory_space<hbm>>
        %dma_start3A_2029 = tpu.memref_slice %arg6[%select_n3A_33, %multiple_of3A_2027] : memref<5x384xf32, #tpu.memory_space<hbm>> -> memref<1x128xf32, #tpu.memory_space<hbm>>
        %dma_start3A_2030 = tpu.memref_squeeze %dma_start3A_2029 : memref<1x128xf32, #tpu.memory_space<hbm>> -> memref<128xf32, #tpu.memory_space<hbm>>
        tpu.enqueue_dma source(%arg9 : memref<128xf32, #tpu.memory_space<vmem>>) target(%dma_start3A_2030 : memref<128xf32, #tpu.memory_space<hbm>>) target_semaphore(%run_scoped3A : memref<!tpu.dma_semaphore, #tpu.memory_space<semaphore_mem>>)
        %dma_wait3A = tpu.memref_slice %arg6[%select_n3A_33, %multiple_of3A_2027] : memref<5x384xf32, #tpu.memory_space<hbm>> -> memref<1x128xf32, #tpu.memory_space<hbm>>
        %dma_wait3A_2031 = tpu.memref_squeeze %dma_wait3A : memref<1x128xf32, #tpu.memory_space<hbm>> -> memref<128xf32, #tpu.memory_space<hbm>>
        %dma_wait3A_2032 = tpu.memref_slice %arg6[%select_n3A_33, %multiple_of3A_2027] : memref<5x384xf32, #tpu.memory_space<hbm>> -> memref<1x128xf32, #tpu.memory_space<hbm>>
        %dma_wait3A_2033 = tpu.memref_squeeze %dma_wait3A_2032 : memref<1x128xf32, #tpu.memory_space<hbm>> -> memref<128xf32, #tpu.memory_space<hbm>>
        tpu.wait_dma2 semaphore(%run_scoped3A : memref<!tpu.dma_semaphore, #tpu.memory_space<semaphore_mem>>) src(%arg9 : memref<128xf32, #tpu.memory_space<vmem>>) dst(%dma_wait3A_2033 : memref<128xf32, #tpu.memory_space<hbm>>)
        tpu.yield
      }) : () -> ()
    } else {
    }
    return
  }
}

module attributes {stable_mosaic.version = 14 : i64} {
  func.func @_dense(%arg0: memref<5x384xf32, #tpu.memory_space<vmem>>, %arg1: memref<1000x384xf32, #tpu.memory_space<vmem>>, %arg2: memref<1000xf32, #tpu.memory_space<vmem>>, %arg3: memref<1x1xf32, #tpu.memory_space<vmem>>, %arg4: memref<1x1000xf32, #tpu.memory_space<vmem>>, %arg5: memref<1x1xf32, #tpu.memory_space<vmem>>) attributes {dimension_semantics = [], scalar_prefetch = 0 : i64, scratch_operands = 0 : i64, tpu.core_type = #tpu.core_type<tc>} {
    %get3A = arith.constant 0 : index
    %get3A_0 = arith.constant 0 : index
    %get3A_1 = vector.load %arg0[%get3A, %get3A_0] : memref<5x384xf32, #tpu.memory_space<vmem>>, vector<5x384xf32>
    %reduce_sum3A = arith.constant dense<0.000000e+00> : vector<384xf32>
    %reduce_sum3A_2 = vector.multi_reduction <add>, %get3A_1, %reduce_sum3A [0] : vector<5x384xf32> to vector<384xf32>
    %broadcast_in_dim3A = vector.shape_cast %reduce_sum3A_2 : vector<384xf32> to vector<1x384xf32>
    %max3A = arith.constant 0.000000e+00 : f32
    %max3A_3 = vector.broadcast %max3A : f32 to vector<1x384xf32>
    %max3A_4 = arith.maximumf %broadcast_in_dim3A, %max3A_3 : vector<1x384xf32>
    %get3A_5 = arith.constant 0 : index
    %get3A_6 = arith.constant 0 : index
    %get3A_7 = vector.load %arg1[%get3A_5, %get3A_6] : memref<1000x384xf32, #tpu.memory_space<vmem>>, vector<1000x384xf32>
    %dot_general3A = arith.constant dense<0.000000e+00> : vector<1x1000xf32>
    %dot_general3A_8 = tpu.matmul %max3A_4, %get3A_7, %dot_general3A {dimension_numbers = #tpu.dot_dimension_numbers<[1], [1], [0], [0], [0, 0, 1, 0], [], []>, transpose_lhs_hint = false} : vector<1x384xf32>, vector<1000x384xf32>, vector<1x1000xf32> -> vector<1x1000xf32>
    %get3A_9 = arith.constant 0 : index
    %get3A_10 = vector.load %arg2[%get3A_9] : memref<1000xf32, #tpu.memory_space<vmem>>, vector<1000xf32>
    %broadcast_in_dim3A_11 = vector.shape_cast %get3A_10 : vector<1000xf32> to vector<1x1000xf32>
    %add3A = arith.addf %dot_general3A_8, %broadcast_in_dim3A_11 : vector<1x1000xf32>
    %swap3A = arith.constant 0 : index
    %swap3A_12 = arith.constant 0 : index
    %swap3A_13 = vector.load %arg4[%swap3A, %swap3A_12] : memref<1x1000xf32, #tpu.memory_space<vmem>>, vector<1x1000xf32>
    tpu.vector_store %arg4[%swap3A, %swap3A_12], %add3A {strides = array<i32>} : memref<1x1000xf32, #tpu.memory_space<vmem>>, vector<1x1000xf32>,
    %logistic3A = arith.negf %add3A : vector<1x1000xf32>
    %logistic3A_14 = math.exp %logistic3A : vector<1x1000xf32>
    %logistic3A_15 = arith.constant 1.000000e+00 : f32
    %logistic3A_16 = vector.broadcast %logistic3A_15 : f32 to vector<1x1000xf32>
    %logistic3A_17 = arith.addf %logistic3A_16, %logistic3A_14 : vector<1x1000xf32>
    %logistic3A_18 = arith.divf %logistic3A_16, %logistic3A_17 : vector<1x1000xf32>
    %reduce_sum3A_19 = vector.shape_cast %logistic3A_18 : vector<1x1000xf32> to vector<1x1x1000xf32>
    %reduce_sum3A_20 = arith.constant dense<0.000000e+00> : vector<1xf32>
    %reduce_sum3A_21 = vector.multi_reduction <add>, %reduce_sum3A_19, %reduce_sum3A_20 [1, 2] : vector<1x1x1000xf32> to vector<1xf32>
    %reduce_sum3A_22 = vector.shape_cast %reduce_sum3A_21 : vector<1xf32> to vector<1x1x1xf32>
    %reduce_sum3A_23 = vector.extract %reduce_sum3A_22[0, 0, 0] : f32 from vector<1x1x1xf32>
    %get3A_24 = arith.constant 0 : index
    %get3A_25 = arith.constant 0 : index
    %get3A_26 = vector.load %arg3[%get3A_24, %get3A_25] : memref<1x1xf32, #tpu.memory_space<vmem>>, vector<1x1xf32>
    %get3A_27 = vector.extract %get3A_26[0, 0] : f32 from vector<1x1xf32>
    %mul3A = arith.constant 5.000000e-04 : f32
    %mul3A_28 = arith.mulf %mul3A, %get3A_27 : f32
    %mul3A_29 = arith.mulf %mul3A_28, %reduce_sum3A_23 : f32
    %mul3A_30 = arith.mulf %mul3A_29, %reduce_sum3A_23 : f32
    %reshape3A = vector.broadcast %mul3A_30 : f32 to vector<1x1xf32>
    %swap3A_31 = arith.constant 0 : index
    %swap3A_32 = arith.constant 0 : index
    %swap3A_33 = vector.load %arg5[%swap3A_31, %swap3A_32] : memref<1x1xf32, #tpu.memory_space<vmem>>, vector<1x1xf32>
    tpu.vector_store %arg5[%swap3A_31, %swap3A_32], %reshape3A {strides = array<i32>} : memref<1x1xf32, #tpu.memory_space<vmem>>, vector<1x1xf32>,
    return
  }
}

</mosaic_0001>

<sc_bundles>
// kernel: kernel.4.cloned.1.call-start
scs
__scs_entry_jumppad:
0x0: {  	(pc) =	sbr.rel $0x88, $3  }
0x1: {  	(tag) =	ssettag $0x0;
	lr =	simm.s32 $0x1  }
0x2: {  	[smem:$0x3F9A] =	sst lr;
	_ =	strace $0xD0000000  }
0x3: {  	_ = 	snop  }
0x4: {  	_ = 	snop  }
0x5: {  	_ = 	snop  }
0x6: {  	_ = 	snop  }
0x7: {  	_ = 	snop  }
__scs_overlays_trampoline_lowered:
0x8: {  	[smem:$0x3FA9] =	sst s0  }
0x9: {  	[smem:$0x3FAA] =	sst s1  }
0xa: {  	[smem:$0x3FAB] =	sst s2  }
0xb: {  	[smem:$0x3FAC] =	sst s3  }
0xc: {  	[smem:$0x3FAD] =	sst s4  }
0xd: {  	[smem:$0x3FAE] =	sst s5  }
0xe: {  	[smem:$0x3FAF] =	sst s6  }
0xf: {  	[smem:$0x3FB0] =	sst s7  }
0x10: {  	[smem:$0x3FB1] =	sst s8  }
0x11: {  	[smem:$0x3FB2] =	sst s9;
	s0 =	simm.s32 @!p0 $0x0  }
0x12: {  	s1 =	sld [smem:$0x3F98];
	s0 =	simm.s32 @p0 $0x1  }
0x13: {  	[smem:$0x3FB3] =	sst s0;
	s0 =	simm.s32 @!p1 $0x0  }
0x14: {  	s2 =	sld [smem:$0x3F97];
	s0 =	simm.s32 @p1 $0x1  }
0x15: {  	[smem:$0x3FB4] =	sst s0;
	s0 =	simm.s32 @!p2 $0x0  }
0x16: {  	s3 =	sld [smem:$0x3FDB];
	s0 =	simm.s32 @p2 $0x1  }
0x17: {  	s4 =	simm.s32 $0x1BF5;
	[smem:$0x3FB6] =	sst s0  }
0x18: {  	s0 =	sld [smem:$0x3F99];
	_ =	swait.ge [sflag:s4], $0x0  }
0x19: {  	s7 =	sld [smem:$0x3F9A]  }
0x1a: {  	s8 =	sadd.s32 $0xFFFFE003, lr  }
0x1b: {  	s9 =	sadd.s32 $0xFFFFFEF7, lr;
	s5 =	simm.s32 $0xFFFFFFFF;
	p2 =	slt.u32 s8, $0xFFFFF086  }
0x1c: {  	p1 =	slt.u32 s9, $0xF7A;
	s5 =	simm.s32 @!p2 $0x0  }
0x1d: {  	s5 =	simm.s32 @p1 $0x1;
	p0 =	seq.s32 s7, s2  }
0x1e: {  	s7 =	smul.u32 @!p0 $0xF7A, s2;
	p2 =	seq.s32 @!p0 s5, $0x0  }
0x1f: {  	s9 =	smul.u32 $0xF7A, s1;
	s8 =	simm.s32 @!p0 $0x1BF5;
	p2 =	por !p2, p0  }
0x20: {  	[sflag:s8] =	ssyncset.s32 @!p0 $0xFFFFF086;
	s6 =	sadd.s32 @!p0 s3, s7;
	s7 =	simm.s32 @!p0 $0x108  }
0x21: {  	s3 =	sadd.s32 s3, s9;
	s6 =	sadd.s32 @!p0 $0x88, s6;
	s7 =	simm.s32 @p2 $0x1082  }
0x22: {  	[simem:s7], [sflag:s8] =	dma.local @!p0 [hbm:s6], $0xF7A  }
0x23: {  	s9 =	sor.u32 $0xD0000000, s2;
	s6 =	simm.s32 $0x108;
	_ =	swait.ge @!p0 [sflag:s8], $0x0  }
0x24: {  	s3 =	sadd.s32 $0x88, s3;
	s6 =	simm.s32 @!p1 $0x1082;
	[sflag:s4] =	ssyncset.s32 $0xFFFFF086  }
0x25: {  	[simem:s6], [sflag:s4] =	dma.local [hbm:s3], $0xF7A  }
0x26: {  	[smem:$0x3F9A] =	sst s1;
	(tag) =	ssettag s2;
	_ =	strace s9  }
0x27: {  	s1 =	sld [smem:$0x3FAA]  }
0x28: {  	s2 =	sld [smem:$0x3FAB]  }
0x29: {  	s4 =	sld [smem:$0x3FAD]  }
0x2a: {  	p0 =	seq.s32 s5, $0x0;
	s5 =	sld [smem:$0x3FAE]  }
0x2b: {  	s6 =	sld [smem:$0x3FAF]  }
0x2c: {  	s7 =	sld [smem:$0x3FB0]  }
0x2d: {  	s3 =	simm.s32 $0x108;
	s8 =	sld [smem:$0x3FB1]  }
0x2e: {  	s3 =	simm.s32 @!p0 $0x1082;
	s9 =	sld [smem:$0x3FB2]  }
0x2f: {  	lr =	sadd.s32 s0, s3;
	s0 =	sld [smem:$0x3FA9]  }
0x30: {  	s3 =	sld [smem:$0x3FAC]  }
0x31: {  	[smem:$0x3FB5] =	sst s10  }
0x32: {  	s10 =	sld [smem:$0x3FB3];
	_ =	sdelay $0x3  }
0x33: {  	p0 =	seq.s32 s10, $0x1;
	s10 =	sld [smem:$0x3FB5];
	_ =	sdelay $0x3  }
0x34: {  	[smem:$0x3FB5] =	sst s10  }
0x35: {  	s10 =	sld [smem:$0x3FB4];
	_ =	sdelay $0x3  }
0x36: {  	p1 =	seq.s32 s10, $0x1;
	s10 =	sld [smem:$0x3FB5];
	_ =	sdelay $0x3  }
0x37: {  	[smem:$0x3FB5] =	sst s10  }
0x38: {  	s10 =	sld [smem:$0x3FB6]  }
0x39: {  	_ = 	snop;
	(pc) =	sbr.ind lr, $3  }
0x3a: {  	_ = 	snop  }
0x3b: {  	_ = 	snop  }
0x3c: {  	p2 =	seq.s32 s10, $0x1;
	s10 =	sld [smem:$0x3FB5]  }
0x3d: {  	_ =	shalt  }
0x3e: {  	_ =	shalt  }
0x3f: {  	_ =	shalt  }
0x40: {  	_ =	shalt  }
0x41: {  	_ =	shalt  }
0x42: {  	_ =	shalt  }
0x43: {  	_ =	shalt  }
0x44: {  	_ =	shalt  }
0x45: {  	_ =	shalt  }
0x46: {  	_ =	shalt  }
0x47: {  	_ =	shalt  }
0x48: {  	_ =	shalt  }
0x49: {  	_ =	shalt  }
0x4a: {  	_ =	shalt  }
0x4b: {  	_ =	shalt  }
0x4c: {  	_ =	shalt  }
0x4d: {  	_ =	shalt  }
0x4e: {  	_ =	shalt  }
0x4f: {  	_ =	shalt  }
0x50: {  	_ =	shalt  }
0x51: {  	_ =	shalt  }
0x52: {  	_ =	shalt  }
0x53: {  	_ =	shalt  }
0x54: {  	_ =	shalt  }
0x55: {  	_ =	shalt  }
0x56: {  	_ =	shalt  }
0x57: {  	_ =	shalt  }
0x58: {  	_ =	shalt  }
0x59: {  	_ =	shalt  }
0x5a: {  	_ =	shalt  }
0x5b: {  	_ =	shalt  }
0x5c: {  	_ =	shalt  }
0x5d: {  	_ =	shalt  }
0x5e: {  	_ =	shalt  }
0x5f: {  	_ =	shalt  }
0x60: {  	_ =	shalt  }
0x61: {  	_ =	shalt  }
0x62: {  	_ =	shalt  }
0x63: {  	_ =	shalt  }
0x64: {  	_ =	shalt  }
0x65: {  	_ =	shalt  }
0x66: {  	_ =	shalt  }
0x67: {  	_ =	shalt  }
0x68: {  	_ =	shalt  }
0x69: {  	_ =	shalt  }
0x6a: {  	_ =	shalt  }
0x6b: {  	_ =	shalt  }
0x6c: {  	_ =	shalt  }
0x6d: {  	_ =	shalt  }
0x6e: {  	_ =	shalt  }
0x6f: {  	_ =	shalt  }
0x70: {  	_ =	shalt  }
0x71: {  	_ =	shalt  }
0x72: {  	_ =	shalt  }
0x73: {  	_ =	shalt  }
0x74: {  	_ =	shalt  }
0x75: {  	_ =	shalt  }
0x76: {  	_ =	shalt  }
0x77: {  	_ =	shalt  }
0x78: {  	_ =	shalt  }
0x79: {  	_ =	shalt  }
0x7a: {  	_ =	shalt  }
0x7b: {  	_ =	shalt  }
0x7c: {  	_ =	shalt  }
0x7d: {  	_ =	shalt  }
0x7e: {  	_ =	shalt  }
0x7f: {  	_ =	shalt  }
0x80: {  	_ =	shalt  }
0x81: {  	_ =	shalt  }
0x82: {  	_ =	shalt  }
0x83: {  	_ =	shalt  }
0x84: {  	_ =	shalt  }
0x85: {  	_ =	shalt  }
0x86: {  	_ =	shalt  }
0x87: {  	_ =	shalt  }
.Lfunc_end0:
.L_simem_size_0:
called_computation_lowered:
.L_overlay_start_0:
0x88: {  	s2 =	sld [smem:$0x3FD9]  }
0x89: {  	s3 =	sld [smem:$0x3FFE];
	_ =	sdelay $0x1  }
0x8a: {  	s1 =	srdreg.scid  }
0x8b: {  	s0 =	sand.u32 $0x1, s1  }
0x8c: {  	s17 =	sshll.u32 s0, $0xA;
	s2 =	sadd.s32 s3, s2  }
0x8d: {  	s2 =	sadd.s32 s2, s17  }
0x8e: {  	[smem:$0x3FC1] =	sst s2  }
0x8f: {  	_ = 	snop  }
0x90: {  	s2 =	sld [smem:$0x3FC8]  }
0x91: {  	s18 =	sld [smem:$0x3FC7]  }
0x92: {  	s4 =	sld [smem:$0x3FC6];
	(tm) =	ssettm $0x1  }
0x93: {  	s5 =	sld [smem:$0x3FFB];
	_ =	sdelay $0x3  }
0x94: {  	_ =	strace s5  }
0x95: {  	s5 =	sld [smem:$0x3FFC];
	_ =	sdelay $0x3  }
0x96: {  	_ =	strace s5  }
0x97: {  	s5 =	sld [smem:$0x3FFD];
	_ =	sdelay $0x3  }
0x98: {  	_ =	strace s5  }
0x99: {  	_ =	strace $0x8FFFFFFF  }
0x9a: {  	s19 =	sld [smem:$0x3FDB];
	_ =	sdelay $0x1  }
0x9b: {  	s6 =	simm.s32 $_scs_section_size  }
0x9c: {  	s7 =	simm.s32 $_size__tile_overlayer_lowered;
	s8 =	simm.s32 $_tile_overlayer_lowered  }
0x9d: {  	s22 =	simm.s32 $0x1BFF;
	s21 =	sshll.u32 s8, $0x1;
	s5 =	sadd.s32 s6, s19  }
0x9e: {  	s9 =	simm.s32 $0x0;
	s20 =	sshll.u32 s7, $0x1;
	s7 =	sadd.s32 s21, s5  }
0x9f: {  	[timem:s9], [sflag:s22] =	dma.local [hbm:s7], s20  }
0xa0: {  	_ =	swait.ge [sflag:s22], s20  }
0xa1: {  	s6 =	ssub.s32 $0x0, s20;
	[sflag:s22] =	ssyncset.done $0x0  }
0xa2: {  	[sflag:s22] =	ssyncadd.s32 s6;
	_ =	sdelay $0x1  }
0xa3: {  	s23 =	simm.s32 $0x1B8B  }
0xa4: {  	_ =	swait.ge [sflag:s23], $0x1  }
0xa5: {  	[sflag:s23] =	ssyncset.done $0x0  }
0xa6: {  	s25 =	simm.s32 $0x1B8E;
	s24 =	sld [smem:$0x3FFE];
	[sflag:s23] =	ssyncadd.s32 $0xFFFFFFFF  }
0xa7: {  	s26 =	simm.s32 $execute0_lowered;
	[smem:$0x3FD2] =	sst s25  }
0xa8: {  	s7 =	sshll.u32 s26, $0x1;
	_ =	strace $0x80000046;
	[dreg:$0x1] =	wrdreg $0xFFFFFFFF  }
0xa9: {  	s28 =	simm.s32 $_size_execute0_lowered;
	s5 =	sadd.s32 s5, s7;
	[dreg:$0x0] =	wrdreg $0x0  }
0xaa: {  	s7 =	sshll.u32 s28, $0x1;
	[dreg:$0x2] =	wrdreg s5  }
0xab: {  	[dreg:$0x3] =	wrdreg s7  }
0xac: {  	[dreg:$0x4] =	wrdreg $0xC0  }
0xad: {  	_ =	task [dreg:s9], $0x5FFFF  }
0xae: {  	[dreg:$0x1] =	wrdreg $0xFFFFFFFF  }
0xaf: {  	[dreg:$0x0] =	wrdreg $0x60  }
0xb0: {  	[dreg:$0x2] =	wrdreg s24  }
0xb1: {  	[dreg:$0x3] =	wrdreg s2  }
0xb2: {  	[dreg:$0x4] =	wrdreg s18  }
0xb3: {  	[dreg:$0x5] =	wrdreg s4  }
0xb4: {  	[dreg:$0x6] =	wrdreg $0x9  }
0xb5: {  	_ =	task.clear_ibuf [dreg:s9], $0x7FFFF;
	_ =	strace $0x90000046  }
0xb6: {  	s29 =	simm.s32 $0x9;
	_ =	strace $0x80000048  }
0xb7: {  	_ =	swait.ge [sflag:s29], $0x1  }
0xb8: {  	[sflag:s29] =	ssyncadd.s32 $0xFFFFFFFF  }
0xb9: {  	_ =	strace $0x90000048  }
0xba: {  	_ =	sfence  }
0xbb: {  	s30 =	sld [smem:$0x0];
	_ =	sdelay $0x2  }
0xbc: {  	s31 =	sshll.u32 s1, $0xD;
	s1 =	sshrl.u32 s1, $0x2  }
0xbd: {  	s3 =	sand.u32 $0x4000, s31;
	s1 =	sadd.s32 s1, s30  }
0xbe: {  	s0 =	sor.u32 s3, s0;
	s1 =	sshll.u32 s1, $0x11  }
0xbf: {  	s0 =	sor.u32 s1, s0  }
0xc0: {  	s0 =	sadd.s32 $0x8F2B, s0  }
0xc1: {  	[sflag:s0] =	ssyncadd.remote.s32 $0x1  }
0xc2: {  	_ =	sfence.sel $0xFFFF  }
0xc3: {  	[dreg:$0x0] =	wrdreg $0xFFFFFFFF;
	(pc) =	sbr.abs _section_cstart, $3  }
0xc4: {  	[dreg:$0x1] =	wrdreg $0xFFFFFFFF  }
0xc5: {  	_ =	task.clear_ibuf [dreg:s9], $0x2FFFF;
	_ =	strace $0x9FFFFFFF  }
0xc6: {  	(tm) =	ssettm $0x7FFFFFFF  }
0xc7: {  	_ =	shalt  }
tec
execute0_lowered:
.L_overlay_start_1:
0x0: {  	(tag) =	ssettag $0x1  }
0x1: {  	s1 =	srdreg.scid;
	s0 =	stileid.u32  }
0x2: {  	s5 =	sand.u32 $0x1, s1;
	s6 =	sshll.u32 s0, $0x1  }
0x3: {  	s6 =	sor.u32 s5, s6  }
0x4: {  	s4 =	rddreg [dreg:$0x0];
	p0 =	sgt.u32 s6, $0xE  }
.Ltmp0:
0x5: {  	s9 =	rddreg [dreg:$0x1];
	(pc) =	sbr.rel @p0 .LBB2_3-.Ltmp0, $4  }
0x6: {  	s7 =	rddreg [dreg:$0x2]  }
0x7: {  	s2 =	rddreg [dreg:$0x3];
	s3 =	simm.s32 $0x0  }
0x8: {  	[smem:$0x7FF] =	sst s3  }
0x9: {  	s1 =	rddreg [dreg:$0x4];
	_ =	strace $0x80000047  }
0xa: {  	s8 =	smul.u32 $0x34, s6  }
0xb: {  	p0 =	slt.u32 s6, $0x5;
	s25 =	smul.u32 $0x34, s0;
	s12 =	simm.s32 $0x1  }
0xc: {  	s28 =	sadd.s32 $0xC00, s4;
	s5 =	ssub.s32 $0x2, s5;
	s8 =	sshrl.u32 s8, $0x8  }
0xd: {  	s30 =	sshrl.u32 s5, $0x1;
	s10 =	smul.u32 $0x5, s8;
	s11 =	sand.u32 $0x1, s8  }
0xe: {  	s31 =	ssub.s32 s5, s30;
	s5 =	simm.s32 $0x1;
	p1 =	seq.s32 s11, $0x1  }
0xf: {  	s13 =	smul.u32 $0xC8, s8;
	s10 =	ssub.s32 s6, s10;
	p0 =	por !p0, !p1  }
0x10: {  	s26 =	sshll.u32 s8, $0x7;
	s10 =	sand.u32 $0xFF, s10;
	p0 =	por !p0, !p0  }
0x11: {  	s11 =	sshrl.u32 s25, $0x8;
	s24 =	sshll.u32 s10, $0x4;
	s12 =	simm.s32 @!p0 $0x0  }
0x12: {  	s10 =	smul.u32 $0x28, s10;
	p0 =	seq.s32 s8, $0x0;
	s11 =	ssub.s32 s11, s12  }
0x13: {  	s6 =	sadd.s32 s24, s4;
	p1 =	seq.s32 @!p0 s8, $0x2;
	s11 =	smul.u32 $0xFFFFFDA8, s11  }
0x14: {  	s8 =	simm.s32 $0x2;
	s6 =	sadd.s32 s26, s6;
	s29 =	sadd.s32 s10, s13  }
0x15: {  	p1 =	por !p1, p0;
	s4 =	sadd.s32 $0xE00, s6;
	s6 =	sadd.s32 s11, s29  }
0x16: {  	s10 =	simm.s32 $0x80;
	s2 =	smov.u32 @p1 s7;
	s6 =	sadd.s32 $0x258, s6  }
0x17: {  	s7 =	smax.u32 s31, $0x1;
	s2 =	smov.u32 @p0 s9;
	s6 =	sshrl.u32 s6, $0x3  }
0x18: {  	s9 =	simm.s32 $0x28;
	s11 =	simm.s32 $0x1480;
	s6 =	sadd.s32 s28, s6  }
.LBB2_2:
0x19: {  	[tilespmem:s3], [sflag:$0x2] =	stream.linear.gather [hbm4b:s6+s3], $0x28, $0x38;
	[tilespmem:$0x1500] =	vst v63  }
0x1a: {  	_ =	swait.ge [sflag:s8], $0x28  }
0x1b: {  	[sflag:s8] =	ssyncset.done $0x0  }
0x1c: {  	[sflag:s8] =	ssyncadd.s32 $0xFFFFFFD8  }
0x1d: {  	[tilespmem:s10], [sflag:$0x1] =	stream.indirect.gather [hbm4b:s2+s9], $0x80, s3, s9, $0xb8;
	[tilespmem:$0x1500] =	vst v63  }
0x1e: {  	_ =	swait.ge [sflag:s5], $0x1400  }
0x1f: {  	[sflag:s5] =	ssyncset.done $0x0  }
0x20: {  	[sflag:s5] =	ssyncadd.s32 $0xFFFFEC00  }
0x21: {  	v51 =	vld [tilespmem:$0x80]  }
0x22: {  	v47 =	vld [tilespmem:$0x100]  }
0x23: {  	v53 =	vld [tilespmem:$0x180]  }
0x24: {  	v57 =	vld [tilespmem:$0x200]  }
0x25: {  	v61 =	vld [tilespmem:$0x280]  }
0x26: {  	v0 =	vld [tilespmem:$0x300]  }
0x27: {  	v43 =	vld [tilespmem:$0x380]  }
0x28: {  	v44 =	vld [tilespmem:$0x400]  }
0x29: {  	v45 =	vld [tilespmem:$0x480]  }
0x2a: {  	v46 =	vld [tilespmem:$0x500]  }
0x2b: {  	v48 =	vld [tilespmem:$0x580]  }
0x2c: {  	v49 =	vld [tilespmem:$0x600]  }
0x2d: {  	v50 =	vld [tilespmem:$0x680]  }
0x2e: {  	v52 =	vld [tilespmem:$0x700]  }
0x2f: {  	v54 =	vld [tilespmem:$0x780]  }
0x30: {  	v55 =	vld [tilespmem:$0x800]  }
0x31: {  	v56 =	vld [tilespmem:$0x880]  }
0x32: {  	v58 =	vld [tilespmem:$0x900];
	[tilespmem:$0x1F7D0] =	vst v0  }
0x33: {  	v59 =	vld [tilespmem:$0x980];
	[tilespmem:$0x1F7E0] =	vst v43  }
0x34: {  	v60 =	vld [tilespmem:$0xA00];
	[tilespmem:$0x1F7F0] =	vst v44  }
0x35: {  	v62 =	vld [tilespmem:$0xA80];
	[tilespmem:$0x1F800] =	vst v45  }
0x36: {  	v63 =	vld [tilespmem:$0xB00];
	[tilespmem:$0x1F810] =	vst v46  }
0x37: {  	v4 =	vld [tilespmem:$0xB80];
	[tilespmem:$0x1F820] =	vst v48  }
0x38: {  	v5 =	vld [tilespmem:$0xC00];
	[tilespmem:$0x1F830] =	vst v49  }
0x39: {  	v6 =	vld [tilespmem:$0xC80];
	[tilespmem:$0x1F840] =	vst v50  }
0x3a: {  	v7 =	vld [tilespmem:$0xD00];
	[tilespmem:$0x1F860] =	vst v52  }
0x3b: {  	v8 =	vld [tilespmem:$0xD80];
	[tilespmem:$0x1F880] =	vst v54  }
0x3c: {  	v9 =	vld [tilespmem:$0xE00];
	[tilespmem:$0x1F8A0] =	vst v55  }
0x3d: {  	v10 =	vld [tilespmem:$0xE80];
	[tilespmem:$0x1F8C0] =	vst v56  }
0x3e: {  	v11 =	vld [tilespmem:$0xF00];
	[tilespmem:$0x1F8E0] =	vst v58  }
0x3f: {  	v12 =	vld [tilespmem:$0xF80];
	[tilespmem:$0x1F900] =	vst v59  }
0x40: {  	v13 =	vld [tilespmem:$0x1000];
	[tilespmem:$0x1F920] =	vst v60  }
0x41: {  	v14 =	vld [tilespmem:$0x1080];
	[tilespmem:$0x1F940] =	vst v62  }
0x42: {  	v15 =	vld [tilespmem:$0x1100];
	[tilespmem:$0x1F970] =	vst v63  }
0x43: {  	v16 =	vld [tilespmem:$0x1180];
	[tilespmem:$0x1F9A0] =	vst v4  }
0x44: {  	v17 =	vld [tilespmem:$0x1200];
	[tilespmem:$0x1F9D0] =	vst v5  }
0x45: {  	v18 =	vld [tilespmem:$0x1280];
	[tilespmem:$0x1FA00] =	vst v6  }
0x46: {  	v19 =	vld [tilespmem:$0x1300];
	[tilespmem:$0x1FA30] =	vst v7  }
0x47: {  	v20 =	vld [tilespmem:$0x1380];
	[tilespmem:$0x1FA60] =	vst v8  }
0x48: {  	v21 =	vld [tilespmem:$0x1400];
	[tilespmem:$0x1FA90] =	vst v9  }
0x49: {  	v26 =	vld [tilespmem:$0x90];
	[tilespmem:$0x1FAC0] =	vst v10  }
0x4a: {  	v25 =	vld [tilespmem:$0x110];
	[tilespmem:$0x1FB00] =	vst v11  }
0x4b: {  	v29 =	vld [tilespmem:$0x190];
	[tilespmem:$0x1FB40] =	vst v12  }
0x4c: {  	v32 =	vld [tilespmem:$0x210];
	[tilespmem:$0x1FB80] =	vst v13  }
0x4d: {  	v35 =	vld [tilespmem:$0x290];
	[tilespmem:$0x1FBC0] =	vst v14  }
0x4e: {  	v38 =	vld [tilespmem:$0x310];
	[tilespmem:$0x1FC00] =	vst v15  }
0x4f: {  	v41 =	vld [tilespmem:$0x390];
	[tilespmem:$0x1FC40] =	vst v16  }
0x50: {  	v22 =	vld [tilespmem:$0x690];
	[tilespmem:$0x1FC80] =	vst v17  }
0x51: {  	v23 =	vld [tilespmem:$0x710];
	[tilespmem:$0x1FCC0] =	vst v18  }
0x52: {  	v24 =	vld [tilespmem:$0x790];
	[tilespmem:$0x1FD00] =	vst v19  }
0x53: {  	[tilespmem:$0x1FD40] =	vst v20;
	v43 =	vld [tilespmem:$0x410]  }
0x54: {  	[tilespmem:$0x1FD80] =	vst v21;
	v46 =	vld [tilespmem:$0x490]  }
0x55: {  	v52 =	vld [tilespmem:$0x510];
	[tilespmem:$0x1F850] =	vst v22  }
0x56: {  	v56 =	vld [tilespmem:$0x590];
	[tilespmem:$0x1F870] =	vst v23  }
0x57: {  	v60 =	vld [tilespmem:$0x610];
	[tilespmem:$0x1F890] =	vst v24  }
0x58: {  	v0 =	vld [tilespmem:$0x810]  }
0x59: {  	v27 =	vld [tilespmem:$0x890]  }
0x5a: {  	v28 =	vld [tilespmem:$0x910]  }
0x5b: {  	v30 =	vld [tilespmem:$0x990]  }
0x5c: {  	v31 =	vld [tilespmem:$0xA10]  }
0x5d: {  	v33 =	vld [tilespmem:$0xA90]  }
0x5e: {  	v34 =	vld [tilespmem:$0xB10]  }
0x5f: {  	v36 =	vld [tilespmem:$0xB90]  }
0x60: {  	v37 =	vld [tilespmem:$0xC10]  }
0x61: {  	v39 =	vld [tilespmem:$0xC90]  }
0x62: {  	v40 =	vld [tilespmem:$0xD10]  }
0x63: {  	v42 =	vld [tilespmem:$0xD90]  }
0x64: {  	v44 =	vld [tilespmem:$0xE10]  }
0x65: {  	v45 =	vld [tilespmem:$0xE90]  }
0x66: {  	v48 =	vld [tilespmem:$0xF10]  }
0x67: {  	v49 =	vld [tilespmem:$0xF90]  }
0x68: {  	v50 =	vld [tilespmem:$0x1010]  }
0x69: {  	v54 =	vld [tilespmem:$0x1090]  }
0x6a: {  	v55 =	vld [tilespmem:$0x1110]  }
0x6b: {  	v58 =	vld [tilespmem:$0x1190]  }
0x6c: {  	v59 =	vld [tilespmem:$0x1210]  }
0x6d: {  	v62 =	vld [tilespmem:$0x1290]  }
0x6e: {  	v63 =	vld [tilespmem:$0x1310]  }
0x6f: {  	v4 =	vld [tilespmem:$0x1390]  }
0x70: {  	v5 =	vld [tilespmem:$0x1410]  }
0x71: {  	v10 =	vld [tilespmem:$0xA0]  }
0x72: {  	v9 =	vld [tilespmem:$0x120]  }
0x73: {  	v12 =	vld [tilespmem:$0x1A0]  }
0x74: {  	v14 =	vld [tilespmem:$0x220]  }
0x75: {  	v16 =	vld [tilespmem:$0x2A0]  }
0x76: {  	v18 =	vld [tilespmem:$0x320]  }
0x77: {  	v20 =	vld [tilespmem:$0x3A0]  }
0x78: {  	v22 =	vld [tilespmem:$0x420]  }
0x79: {  	v24 =	vld [tilespmem:$0x4A0]  }
0x7a: {  	v6 =	vld [tilespmem:$0xA20]  }
0x7b: {  	v7 =	vld [tilespmem:$0xAA0]  }
0x7c: {  	v8 =	vld [tilespmem:$0xB20]  }
0x7d: {  	v11 =	vld [tilespmem:$0xBA0]  }
0x7e: {  	v13 =	vld [tilespmem:$0xC20]  }
0x7f: {  	v15 =	vld [tilespmem:$0xCA0]  }
0x80: {  	v17 =	vld [tilespmem:$0xD20]  }
0x81: {  	v19 =	vld [tilespmem:$0xDA0]  }
0x82: {  	v21 =	vld [tilespmem:$0xE20]  }
0x83: {  	v23 =	vld [tilespmem:$0xEA0]  }
0x84: {  	v47 =	vadd.f32 v47, v51;
	v1 =	vld [tilespmem:$0xB0]  }
0x85: {  	v2 =	vld [tilespmem:$0x1B0]  }
0x86: {  	v3 =	vld [tilespmem:$0x230];
	v51 =	vadd.f32 v53, v47  }
0x87: {  	v53 =	vld [tilespmem:$0x540]  }
0x88: {  	v25 =	vadd.f32 v25, v26;
	v26 =	vadd.f32 v57, v51;
	v51 =	vld [tilespmem:$0x740]  }
0x89: {  	v57 =	vld [tilespmem:$0x7C0]  }
0x8a: {  	[tilespmem:$0x1F8F0] =	vst v28;
	v28 =	vld [tilespmem:$0x520]  }
0x8b: {  	[tilespmem:$0x1F930] =	vst v31;
	v31 =	vld [tilespmem:$0x5A0]  }
0x8c: {  	[tilespmem:$0x1F990] =	vst v34;
	v34 =	vld [tilespmem:$0x620]  }
0x8d: {  	[tilespmem:$0x1F9F0] =	vst v37;
	v37 =	vld [tilespmem:$0x6A0]  }
0x8e: {  	[tilespmem:$0x1FA50] =	vst v40;
	v40 =	vld [tilespmem:$0x720]  }
0x8f: {  	[tilespmem:$0x1FA80] =	vst v42;
	v42 =	vld [tilespmem:$0x7A0]  }
0x90: {  	[tilespmem:$0x1FAE0] =	vst v45;
	v45 =	vld [tilespmem:$0x820]  }
0x91: {  	[tilespmem:$0x1FB60] =	vst v49;
	v49 =	vld [tilespmem:$0x8A0]  }
0x92: {  	[tilespmem:$0x1FC20] =	vst v55;
	v55 =	vld [tilespmem:$0x920]  }
0x93: {  	[tilespmem:$0x1FCA0] =	vst v59;
	v59 =	vld [tilespmem:$0x9A0]  }
0x94: {  	[tilespmem:$0x1F8D0] =	vst v27;
	v27 =	vld [tilespmem:$0xF20]  }
0x95: {  	[tilespmem:$0x1FD20] =	vst v63;
	v63 =	vld [tilespmem:$0xE30]  }
0x96: {  	[tilespmem:$0x1F910] =	vst v30;
	v30 =	vld [tilespmem:$0xFA0]  }
0x97: {  	[tilespmem:$0x1F960] =	vst v33;
	v33 =	vld [tilespmem:$0x1020]  }
0x98: {  	[tilespmem:$0x1F9C0] =	vst v36;
	v36 =	vld [tilespmem:$0x10A0]  }
0x99: {  	[tilespmem:$0x1FA20] =	vst v39;
	v39 =	vld [tilespmem:$0x1120]  }
0x9a: {  	[tilespmem:$0x1FAF0] =	vst v63;
	v63 =	vld [tilespmem:$0xEB0]  }
0x9b: {  	[tilespmem:$0x1FAB0] =	vst v44;
	v44 =	vld [tilespmem:$0x11A0]  }
0x9c: {  	[tilespmem:$0x1FB20] =	vst v48;
	v48 =	vld [tilespmem:$0x1220]  }
0x9d: {  	[tilespmem:$0x1FBA0] =	vst v50;
	v50 =	vld [tilespmem:$0x12A0]  }
0x9e: {  	[tilespmem:$0x1FBE0] =	vst v54;
	v54 =	vld [tilespmem:$0x1320]  }
0x9f: {  	[tilespmem:$0x1FB30] =	vst v63;
	v63 =	vld [tilespmem:$0xF30]  }
0xa0: {  	[tilespmem:$0x1FC60] =	vst v58;
	v58 =	vld [tilespmem:$0x13A0]  }
0xa1: {  	[tilespmem:$0x1FCE0] =	vst v62;
	v62 =	vld [tilespmem:$0x1420]  }
0xa2: {  	[tilespmem:$0x1F8B0] =	vst v0;
	v0 =	vld [tilespmem:$0x130]  }
0xa3: {  	[tilespmem:$0x1FD60] =	vst v4;
	v4 =	vld [tilespmem:$0x2B0]  }
0xa4: {  	[tilespmem:$0x1FB70] =	vst v63;
	v63 =	vld [tilespmem:$0xFB0]  }
0xa5: {  	[tilespmem:$0x1FDA0] =	vst v5;
	v5 =	vld [tilespmem:$0x330]  }
0xa6: {  	[tilespmem:$0x1F950] =	vst v6;
	v6 =	vld [tilespmem:$0x3B0]  }
0xa7: {  	[tilespmem:$0x1F980] =	vst v7;
	v7 =	vld [tilespmem:$0x430]  }
0xa8: {  	[tilespmem:$0x1F9B0] =	vst v8;
	v8 =	vld [tilespmem:$0x4B0]  }
0xa9: {  	[tilespmem:$0x1FBB0] =	vst v63;
	v63 =	vld [tilespmem:$0x1030]  }
0xaa: {  	[tilespmem:$0x1F9E0] =	vst v11;
	v11 =	vld [tilespmem:$0x530]  }
0xab: {  	[tilespmem:$0x1FA10] =	vst v13;
	v13 =	vld [tilespmem:$0x5B0]  }
0xac: {  	[tilespmem:$0x1FA40] =	vst v15;
	v15 =	vld [tilespmem:$0x630]  }
0xad: {  	[tilespmem:$0x1FA70] =	vst v17;
	v17 =	vld [tilespmem:$0x6B0]  }
0xae: {  	[tilespmem:$0x1FBF0] =	vst v63;
	v63 =	vld [tilespmem:$0x10B0]  }
0xaf: {  	[tilespmem:$0x1FAA0] =	vst v19;
	v19 =	vld [tilespmem:$0x730]  }
0xb0: {  	[tilespmem:$0x1FAD0] =	vst v21;
	v21 =	vld [tilespmem:$0x7B0];
	v9 =	vadd.f32 v9, v10  }
0xb1: {  	[tilespmem:$0x1FB10] =	vst v23;
	v23 =	vld [tilespmem:$0x830]  }
0xb2: {  	v9 =	vadd.f32 v12, v9;
	v12 =	vld [tilespmem:$0x1F7E0]  }
0xb3: {  	[tilespmem:$0x1FC30] =	vst v63;
	v63 =	vld [tilespmem:$0x1130]  }
0xb4: {  	[tilespmem:$0x1FEB0] =	vst v51;
	v51 =	vld [tilespmem:$0xDC0]  }
0xb5: {  	[tilespmem:$0x1FEC0] =	vst v57;
	v57 =	vld [tilespmem:$0x1F840]  }
0xb6: {  	v47 =	vadd.f32 v14, v9;
	v14 =	vld [tilespmem:$0x940]  }
0xb7: {  	[tilespmem:$0x1FB50] =	vst v27;
	v27 =	vld [tilespmem:$0x8B0]  }
0xb8: {  	[tilespmem:$0x1FC70] =	vst v63;
	v63 =	vld [tilespmem:$0x11B0]  }
0xb9: {  	[tilespmem:$0x1FB90] =	vst v30;
	v30 =	vld [tilespmem:$0x930]  }
0xba: {  	[tilespmem:$0x1FBD0] =	vst v33;
	v33 =	vld [tilespmem:$0x9B0]  }
0xbb: {  	[tilespmem:$0x1FC10] =	vst v36;
	v36 =	vld [tilespmem:$0xA30]  }
0xbc: {  	[tilespmem:$0x1FC50] =	vst v39;
	v39 =	vld [tilespmem:$0xAB0]  }
0xbd: {  	[tilespmem:$0x1FCB0] =	vst v63;
	v63 =	vld [tilespmem:$0x1230]  }
0xbe: {  	[tilespmem:$0x1FC90] =	vst v44;
	v44 =	vld [tilespmem:$0xB30]  }
0xbf: {  	[tilespmem:$0x1FCD0] =	vst v48;
	v48 =	vld [tilespmem:$0xBB0]  }
0xc0: {  	[tilespmem:$0x1FD10] =	vst v50;
	v50 =	vld [tilespmem:$0xC30]  }
0xc1: {  	[tilespmem:$0x1FD50] =	vst v54;
	v54 =	vld [tilespmem:$0xCB0]  }
0xc2: {  	[tilespmem:$0x1FCF0] =	vst v63;
	v63 =	vld [tilespmem:$0x12B0]  }
0xc3: {  	[tilespmem:$0x1FD90] =	vst v58;
	v58 =	vld [tilespmem:$0xD30]  }
0xc4: {  	[tilespmem:$0x1FDC0] =	vst v62;
	v62 =	vld [tilespmem:$0xDB0]  }
0xc5: {  	v0 =	vadd.f32 v0, v1;
	v1 =	vadd.f32 v61, v26;
	v61 =	vld [tilespmem:$0x1F7D0]  }
0xc6: {  	v26 =	vld [tilespmem:$0xAC0]  }
0xc7: {  	[tilespmem:$0x1FD30] =	vst v63;
	v63 =	vld [tilespmem:$0x1330]  }
0xc8: {  	v0 =	vadd.f32 v2, v0;
	v2 =	vadd.f32 v16, v47;
	v16 =	vld [tilespmem:$0x9C0]  }
0xc9: {  	v47 =	vld [tilespmem:$0xD40]  }
0xca: {  	[tilespmem:$0x1FF80] =	vst v51;
	v51 =	vld [tilespmem:$0x1FA40]  }
0xcb: {  	v2 =	vadd.f32 v18, v2;
	v18 =	vld [tilespmem:$0x1F7F0]  }
0xcc: {  	[tilespmem:$0x1FD70] =	vst v63;
	v63 =	vld [tilespmem:$0x13B0]  }
0xcd: {  	[tilespmem:$0x1FEF0] =	vst v14;
	v14 =	vld [tilespmem:$0x1F890]  }
0xce: {  	v1 =	vadd.f32 v61, v1;
	v61 =	vld [tilespmem:$0x1F850]  }
0xcf: {  	[tilespmem:$0x1FF20] =	vst v26;
	v26 =	vld [tilespmem:$0x1F950]  }
0xd0: {  	v0 =	vadd.f32 v3, v0;
	v2 =	vadd.f32 v20, v2;
	v20 =	vld [tilespmem:$0x1F8F0]  }
0xd1: {  	[tilespmem:$0x1FDB0] =	vst v63;
	v63 =	vld [tilespmem:$0x1430]  }
0xd2: {  	v0 =	vadd.f32 v4, v0;
	v4 =	vld [tilespmem:$0x11D0]  }
0xd3: {  	v1 =	vadd.f32 v12, v1;
	v12 =	vld [tilespmem:$0x1F880]  }
0xd4: {  	[tilespmem:$0x1FF00] =	vst v16;
	v16 =	vld [tilespmem:$0x1F8B0]  }
0xd5: {  	[tilespmem:$0x1FF70] =	vst v47;
	v47 =	vld [tilespmem:$0x250]  }
0xd6: {  	v2 =	vadd.f32 v22, v2;
	[tilespmem:$0x1FDF0] =	vst v63;
	v63 =	vld [tilespmem:$0xC0]  }
0xd7: {  	v0 =	vadd.f32 v5, v0;
	v22 =	vld [tilespmem:$0x1F910]  }
0xd8: {  	v1 =	vadd.f32 v18, v1;
	v18 =	vld [tilespmem:$0x1F8D0];
	v2 =	vadd.f32 v24, v2  }
0xd9: {  	v0 =	vadd.f32 v6, v0;
	v24 =	vld [tilespmem:$0x1F930]  }
0xda: {  	v2 =	vadd.f32 v28, v2;
	v28 =	vld [tilespmem:$0x1F970]  }
0xdb: {  	v0 =	vadd.f32 v7, v0;
	[tilespmem:$0x1FDD0] =	vst v63;
	v63 =	vld [tilespmem:$0x140]  }
0xdc: {  	v7 =	vld [tilespmem:$0x12D0]  }
0xdd: {  	v0 =	vadd.f32 v8, v0;
	v8 =	vld [tilespmem:$0x1F860]  }
0xde: {  	v2 =	vadd.f32 v31, v2;
	v31 =	vld [tilespmem:$0x1F9A0]  }
0xdf: {  	v0 =	vadd.f32 v11, v0;
	v11 =	vld [tilespmem:$0x10C0]  }
0xe0: {  	[tilespmem:$0x1FDE0] =	vst v63;
	v63 =	vld [tilespmem:$0x1C0]  }
0xe1: {  	v2 =	vadd.f32 v34, v2;
	v34 =	vld [tilespmem:$0x1F9B0]  }
0xe2: {  	v0 =	vadd.f32 v13, v0;
	v13 =	vld [tilespmem:$0x1140]  }
0xe3: {  	v2 =	vadd.f32 v37, v2;
	v37 =	vld [tilespmem:$0x1F9D0]  }
0xe4: {  	v0 =	vadd.f32 v15, v0;
	v15 =	vld [tilespmem:$0x1F8A0]  }
0xe5: {  	[tilespmem:$0x1FE00] =	vst v63;
	v63 =	vld [tilespmem:$0x240]  }
0xe6: {  	v2 =	vadd.f32 v40, v2;
	v40 =	vld [tilespmem:$0x1F9F0];
	v0 =	vadd.f32 v17, v0  }
0xe7: {  	[tilespmem:$0x1FFE0] =	vst v11;
	v11 =	vld [tilespmem:$0x1FAB0]  }
0xe8: {  	v17 =	vld [tilespmem:$0x1F8C0];
	v0 =	vadd.f32 v19, v0  }
0xe9: {  	v2 =	vadd.f32 v42, v2;
	v42 =	vld [tilespmem:$0x2D0]  }
0xea: {  	v0 =	vadd.f32 v21, v0;
	[tilespmem:$0x1FE10] =	vst v63;
	v63 =	vld [tilespmem:$0x2C0]  }
0xeb: {  	[tilespmem:$0x1FFF0] =	vst v13;
	v13 =	vld [tilespmem:$0x1FAD0]  }
0xec: {  	v19 =	vld [tilespmem:$0x1F8E0];
	v0 =	vadd.f32 v23, v0  }
0xed: {  	v2 =	vadd.f32 v45, v2;
	v45 =	vld [tilespmem:$0x550]  }
0xee: {  	v21 =	vld [tilespmem:$0x1F900];
	v0 =	vadd.f32 v27, v0  }
0xef: {  	[tilespmem:$0x1FE20] =	vst v63;
	v63 =	vld [tilespmem:$0x340]  }
0xf0: {  	v2 =	vadd.f32 v49, v2;
	v49 =	vld [tilespmem:$0x1D0];
	v0 =	vadd.f32 v30, v0  }
0xf1: {  	v23 =	vld [tilespmem:$0x1F920]  }
0xf2: {  	v2 =	vadd.f32 v55, v2;
	v55 =	vld [tilespmem:$0x1FA50];
	v0 =	vadd.f32 v33, v0  }
0xf3: {  	v27 =	vld [tilespmem:$0x1F960]  }
0xf4: {  	v0 =	vadd.f32 v36, v0;
	[tilespmem:$0x1FE30] =	vst v63;
	v63 =	vld [tilespmem:$0x3C0]  }
0xf5: {  	v2 =	vadd.f32 v59, v2;
	v59 =	vld [tilespmem:$0x1FA60]  }
0xf6: {  	v30 =	vld [tilespmem:$0x1F990];
	v0 =	vadd.f32 v39, v0  }
0xf7: {  	v2 =	vadd.f32 v26, v2;
	v26 =	vld [tilespmem:$0xAD0]  }
0xf8: {  	v33 =	vld [tilespmem:$0x3D0];
	v0 =	vadd.f32 v44, v0  }
0xf9: {  	[tilespmem:$0x1FE40] =	vst v63;
	v63 =	vld [tilespmem:$0x440]  }
0xfa: {  	v36 =	vld [tilespmem:$0x1F9C0];
	v0 =	vadd.f32 v48, v0  }
0xfb: {  	v39 =	vld [tilespmem:$0x1F9E0]  }
0xfc: {  	v44 =	vld [tilespmem:$0x1FA10];
	v0 =	vadd.f32 v50, v0  }
0xfd: {  	v48 =	vld [tilespmem:$0x1FA20]  }
0xfe: {  	v0 =	vadd.f32 v54, v0;
	[tilespmem:$0x1FE50] =	vst v63;
	v63 =	vld [tilespmem:$0x4C0]  }
0xff: {  	v50 =	vld [tilespmem:$0x1FA30]  }
0x100: {  	v54 =	vld [tilespmem:$0x1FBD0];
	v0 =	vadd.f32 v58, v0  }
0x101: {  	v58 =	vld [tilespmem:$0x1FBF0]  }
0x102: {  	v0 =	vadd.f32 v62, v0;
	v62 =	vld [tilespmem:$0x1FC10]  }
0x103: {  	[tilespmem:$0x1FE60] =	vst v63;
	v63 =	vadd.f32 v29, v25;
	v25 =	vld [tilespmem:$0x5C0]  }
0x104: {  	v29 =	vld [tilespmem:$0x640]  }
0x105: {  	v10 =	vadd.f32 v32, v63;
	v32 =	vld [tilespmem:$0x6C0]  }
0x106: {  	v63 =	vld [tilespmem:$0x840]  }
0x107: {  	[tilespmem:$0x1FE70] =	vst v53;
	v53 =	vadd.f32 v35, v10;
	v10 =	vld [tilespmem:$0x8C0]  }
0x108: {  	v35 =	vld [tilespmem:$0xBC0]  }
0x109: {  	[tilespmem:$0x1FE80] =	vst v25;
	v25 =	vld [tilespmem:$0xA40]  }
0x10a: {  	[tilespmem:$0x1FE90] =	vst v29;
	v29 =	vld [tilespmem:$0x1F800]  }
0x10b: {  	v9 =	vadd.f32 v38, v53;
	v38 =	vld [tilespmem:$0x1F810]  }
0x10c: {  	v53 =	vld [tilespmem:$0xE40]  }
0x10d: {  	[tilespmem:$0x1FEA0] =	vst v32;
	v32 =	vld [tilespmem:$0xB40]  }
0x10e: {  	[tilespmem:$0x1FED0] =	vst v63;
	v63 =	vld [tilespmem:$0xFC0]  }
0x10f: {  	v3 =	vadd.f32 v41, v9;
	v41 =	vld [tilespmem:$0xC40]  }
0x110: {  	v9 =	vld [tilespmem:$0x1040]  }
0x111: {  	[tilespmem:$0x1FEE0] =	vst v10;
	v10 =	vld [tilespmem:$0x1F870]  }
0x112: {  	[tilespmem:$0x1FF40] =	vst v35;
	v35 =	vld [tilespmem:$0x450]  }
0x113: {  	v3 =	vadd.f32 v43, v3;
	v43 =	vld [tilespmem:$0xCC0]  }
0x114: {  	[tilespmem:$0x1FF10] =	vst v25;
	v25 =	vld [tilespmem:$0x1F940]  }
0x115: {  	v1 =	vadd.f32 v29, v1;
	v29 =	vld [tilespmem:$0x1F980]  }
0x116: {  	[tilespmem:$0x1FF90] =	vst v53;
	v53 =	vld [tilespmem:$0x13C0]  }
0x117: {  	v3 =	vadd.f32 v46, v3;
	v46 =	vld [tilespmem:$0x1F820]  }
0x118: {  	[tilespmem:$0x1FF30] =	vst v32;
	v32 =	vld [tilespmem:$0xD0]  }
0x119: {  	v1 =	vadd.f32 v38, v1;
	v38 =	vld [tilespmem:$0x4D0]  }
0x11a: {  	[tilespmem:$0x1FFC0] =	vst v63;
	v63 =	vld [tilespmem:$0x1FA70]  }
0x11b: {  	[tilespmem:$0x1FF50] =	vst v41;
	v41 =	vld [tilespmem:$0x1FA00]  }
0x11c: {  	[tilespmem:$0x1FFD0] =	vst v9;
	v9 =	vld [tilespmem:$0x1FA90]  }
0x11d: {  	v3 =	vadd.f32 v52, v3;
	v52 =	vld [tilespmem:$0x1F830]  }
0x11e: {  	[tilespmem:$0x1FF60] =	vst v43;
	v43 =	vld [tilespmem:$0x350]  }
0x11f: {  	v2 =	vadd.f32 v29, v2;
	v29 =	vld [tilespmem:$0x850]  }
0x120: {  	v3 =	vadd.f32 v56, v3;
	v56 =	vld [tilespmem:$0xEC0]  }
0x121: {  	v1 =	vadd.f32 v46, v1;
	v46 =	vld [tilespmem:$0x150]  }
0x122: {  	v2 =	vadd.f32 v34, v2;
	v34 =	vld [tilespmem:$0x5D0]  }
0x123: {  	v3 =	vadd.f32 v60, v3;
	v60 =	vld [tilespmem:$0xF40]  }
0x124: {  	v1 =	vadd.f32 v52, v1;
	v2 =	vadd.f32 v39, v2;
	v39 =	vld [tilespmem:$0x1FB70]  }
0x125: {  	v3 =	vadd.f32 v61, v3;
	v61 =	vld [tilespmem:$0x11C0]  }
0x126: {  	v1 =	vadd.f32 v57, v1;
	v57 =	vld [tilespmem:$0x12C0]  }
0x127: {  	[tilespmem:$0x1FFA0] =	vst v56;
	v56 =	vld [tilespmem:$0x1340]  }
0x128: {  	v2 =	vadd.f32 v44, v2;
	v44 =	vld [tilespmem:$0x1FB90]  }
0x129: {  	v3 =	vadd.f32 v10, v3;
	v10 =	vld [tilespmem:$0x1FAA0]  }
0x12a: {  	[tilespmem:$0x1FFB0] =	vst v60;
	v60 =	vld [tilespmem:$0x1240]  }
0x12b: {  	v1 =	vadd.f32 v8, v1;
	v8 =	vld [tilespmem:$0x1FA80]  }
0x12c: {  	v32 =	vadd.f32 v46, v32;
	v2 =	vadd.f32 v51, v2;
	v51 =	vld [tilespmem:$0x1FBC0]  }
0x12d: {  	v3 =	vadd.f32 v14, v3;
	v14 =	vld [tilespmem:$0x1FAE0]  }
0x12e: {  	v32 =	vadd.f32 v49, v32;
	v49 =	vld [tilespmem:$0x1FE40]  }
0x12f: {  	v1 =	vadd.f32 v12, v1;
	v12 =	vld [tilespmem:$0x1FAC0]  }
0x130: {  	v2 =	vadd.f32 v63, v2;
	v63 =	vld [tilespmem:$0x1FC20]  }
0x131: {  	v3 =	vadd.f32 v16, v3;
	v16 =	vld [tilespmem:$0x1FB00]  }
0x132: {  	v32 =	vadd.f32 v47, v32;
	v47 =	vld [tilespmem:$0x1FE70]  }
0x133: {  	v1 =	vadd.f32 v15, v1;
	v15 =	vld [tilespmem:$0x1FAF0]  }
0x134: {  	v2 =	vadd.f32 v10, v2;
	v10 =	vld [tilespmem:$0x1FC50]  }
0x135: {  	v3 =	vadd.f32 v18, v3;
	v18 =	vld [tilespmem:$0x1FB20]  }
0x136: {  	v1 =	vadd.f32 v17, v1;
	v17 =	vld [tilespmem:$0x1FB10]  }
0x137: {  	v2 =	vadd.f32 v13, v2;
	v13 =	vld [tilespmem:$0x10D0]  }
0x138: {  	v3 =	vadd.f32 v20, v3;
	v20 =	vld [tilespmem:$0x9D0]  }
0x139: {  	v32 =	vadd.f32 v42, v32;
	v1 =	vadd.f32 v19, v1;
	v19 =	vld [tilespmem:$0x950]  }
0x13a: {  	v3 =	vadd.f32 v22, v3;
	v22 =	vld [tilespmem:$0xBD0]  }
0x13b: {  	v32 =	vadd.f32 v43, v32;
	v0 =	vadd.f32 v15, v0;
	v15 =	vld [tilespmem:$0xED0]  }
0x13c: {  	v1 =	vadd.f32 v21, v1;
	v21 =	vld [tilespmem:$0x1FB30]  }
0x13d: {  	v32 =	vadd.f32 v33, v32;
	v3 =	vadd.f32 v24, v3;
	v24 =	vld [tilespmem:$0xA50]  }
0x13e: {  	v2 =	vadd.f32 v17, v2;
	v17 =	vld [tilespmem:$0xC50]  }
0x13f: {  	v32 =	vadd.f32 v35, v32;
	v1 =	vadd.f32 v23, v1;
	v23 =	vld [tilespmem:$0x1FB40]  }
0x140: {  	v3 =	vadd.f32 v27, v3;
	v27 =	vld [tilespmem:$0x6D0]  }
0x141: {  	v32 =	vadd.f32 v38, v32;
	v38 =	vld [tilespmem:$0x1FF60]  }
0x142: {  	v1 =	vadd.f32 v25, v1;
	v25 =	vld [tilespmem:$0xB50]  }
0x143: {  	v3 =	vadd.f32 v30, v3;
	v30 =	vld [tilespmem:$0x650]  }
0x144: {  	v0 =	vadd.f32 v21, v0;
	v21 =	vld [tilespmem:$0xDD0]  }
0x145: {  	v32 =	vadd.f32 v45, v32;
	v45 =	vld [tilespmem:$0x1FEB0]  }
0x146: {  	v1 =	vadd.f32 v28, v1;
	v28 =	vld [tilespmem:$0x7D0]  }
0x147: {  	v3 =	vadd.f32 v36, v3;
	v36 =	vld [tilespmem:$0x1FB50]  }
0x148: {  	v0 =	vadd.f32 v39, v0;
	v39 =	vld [tilespmem:$0x1FC80]  }
0x149: {  	v1 =	vadd.f32 v31, v1;
	v31 =	vld [tilespmem:$0x750]  }
0x14a: {  	v3 =	vadd.f32 v40, v3;
	v40 =	vld [tilespmem:$0x8D0]  }
0x14b: {  	v1 =	vadd.f32 v37, v1;
	v37 =	vld [tilespmem:$0x1FB60]  }
0x14c: {  	v3 =	vadd.f32 v48, v3;
	v48 =	vld [tilespmem:$0x1FBA0]  }
0x14d: {  	v1 =	vadd.f32 v41, v1;
	v41 =	vld [tilespmem:$0x1FB80]  }
0x14e: {  	v2 =	vadd.f32 v36, v2;
	v36 =	vld [tilespmem:$0x1FC60]  }
0x14f: {  	v3 =	vadd.f32 v55, v3;
	v55 =	vld [tilespmem:$0x1FBE0]  }
0x150: {  	v32 =	vadd.f32 v34, v32;
	v1 =	vadd.f32 v50, v1;
	v50 =	vld [tilespmem:$0x1FBB0]  }
0x151: {  	v2 =	vadd.f32 v44, v2;
	v44 =	vld [tilespmem:$0x1FCA0]  }
0x152: {  	v30 =	vadd.f32 v30, v32;
	v3 =	vadd.f32 v8, v3;
	v8 =	vld [tilespmem:$0x1FC30]  }
0x153: {  	v1 =	vadd.f32 v59, v1;
	v59 =	vld [tilespmem:$0x1FC00]  }
0x154: {  	v27 =	vadd.f32 v27, v30;
	v2 =	vadd.f32 v54, v2;
	v54 =	vld [tilespmem:$0x1FCE0]  }
0x155: {  	v3 =	vadd.f32 v11, v3;
	v11 =	vld [tilespmem:$0xD50]  }
0x156: {  	v27 =	vadd.f32 v31, v27;
	v1 =	vadd.f32 v9, v1;
	v9 =	vld [tilespmem:$0x1FC40]  }
0x157: {  	v2 =	vadd.f32 v62, v2;
	v62 =	vld [tilespmem:$0x1FD20]  }
0x158: {  	v27 =	vadd.f32 v28, v27;
	v3 =	vadd.f32 v14, v3;
	v14 =	vld [tilespmem:$0x1050]  }
0x159: {  	v0 =	vadd.f32 v50, v0;
	v50 =	vld [tilespmem:$0x1FCC0]  }
0x15a: {  	v27 =	vadd.f32 v29, v27;
	v1 =	vadd.f32 v12, v1;
	v12 =	vld [tilespmem:$0xFD0]  }
0x15b: {  	v2 =	vadd.f32 v10, v2;
	v10 =	vld [tilespmem:$0x1250]  }
0x15c: {  	v27 =	vadd.f32 v40, v27;
	v40 =	vld [tilespmem:$0x1FEF0]  }
0x15d: {  	v3 =	vadd.f32 v18, v3;
	v18 =	vld [tilespmem:$0xCD0]  }
0x15e: {  	v0 =	vadd.f32 v58, v0;
	v58 =	vld [tilespmem:$0x1FD00]  }
0x15f: {  	v1 =	vadd.f32 v16, v1;
	v16 =	vld [tilespmem:$0xE50]  }
0x160: {  	v3 =	vadd.f32 v37, v3;
	v37 =	vld [tilespmem:$0x1FC70]  }
0x161: {  	v0 =	vadd.f32 v8, v0;
	v8 =	vld [tilespmem:$0x1450]  }
0x162: {  	v1 =	vadd.f32 v23, v1;
	v23 =	vld [tilespmem:$0xF50]  }
0x163: {  	v3 =	vadd.f32 v48, v3;
	v48 =	vld [tilespmem:$0x1FCB0]  }
0x164: {  	v1 =	vadd.f32 v41, v1;
	v41 =	vld [tilespmem:$0x1FC90]  }
0x165: {  	v3 =	vadd.f32 v55, v3;
	v55 =	vld [tilespmem:$0x1FCF0]  }
0x166: {  	v1 =	vadd.f32 v51, v1;
	v51 =	vld [tilespmem:$0x1FCD0]  }
0x167: {  	v0 =	vadd.f32 v37, v0;
	v3 =	vadd.f32 v63, v3;
	v63 =	vld [tilespmem:$0x1FD30]  }
0x168: {  	v1 =	vadd.f32 v59, v1;
	v59 =	vld [tilespmem:$0x1FD10]  }
0x169: {  	v0 =	vadd.f32 v48, v0;
	v48 =	vld [tilespmem:$0x1FD60]  }
0x16a: {  	v3 =	vadd.f32 v36, v3;
	v36 =	vld [tilespmem:$0xE0]  }
0x16b: {  	v2 =	vadd.f32 v41, v2;
	v41 =	vld [tilespmem:$0x1FD40]  }
0x16c: {  	v1 =	vadd.f32 v9, v1;
	v9 =	vld [tilespmem:$0x1150]  }
0x16d: {  	v6 =	vadd.f32 v55, v0;
	v0 =	vld [tilespmem:$0x13D0]  }
0x16e: {  	v55 =	vld [tilespmem:$0x1FDA0]  }
0x16f: {  	v5 =	vadd.f32 v51, v2;
	v2 =	vld [tilespmem:$0x1350]  }
0x170: {  	v3 =	vadd.f32 v44, v3;
	v44 =	vld [tilespmem:$0x1FD50]  }
0x171: {  	v51 =	vld [tilespmem:$0x1FD80]  }
0x172: {  	v1 =	vadd.f32 v39, v1;
	v39 =	vld [tilespmem:$0x160]  }
0x173: {  	v6 =	vadd.f32 v63, v6;
	v63 =	vld [tilespmem:$0x1FDE0]  }
0x174: {  	v3 =	vadd.f32 v54, v3;
	v54 =	vld [tilespmem:$0x1FD90]  }
0x175: {  	v5 =	vadd.f32 v59, v5;
	v59 =	vld [tilespmem:$0x1FDC0]  }
0x176: {  	v1 =	vadd.f32 v50, v1;
	v50 =	vld [tilespmem:$0x1FD70]  }
0x177: {  	v3 =	vadd.f32 v62, v3;
	v62 =	vld [tilespmem:$0x1FDD0]  }
0x178: {  	v1 =	vadd.f32 v58, v1;
	v58 =	vld [tilespmem:$0x1FDB0]  }
0x179: {  	v3 =	vadd.f32 v48, v3;
	v48 =	vld [tilespmem:$0x1E0]  }
0x17a: {  	v36 =	vadd.f32 v39, v36;
	v39 =	vld [tilespmem:$0xD70]  }
0x17b: {  	v37 =	vadd.f32 v44, v5;
	v1 =	vadd.f32 v41, v1;
	v41 =	vld [tilespmem:$0xF0]  }
0x17c: {  	v3 =	vadd.f32 v55, v3;
	v55 =	vld [tilespmem:$0x1FDF0]  }
0x17d: {  	v5 =	vadd.f32 v51, v1;
	v1 =	vadd.f32 v54, v37;
	v37 =	vld [tilespmem:$0x170]  }
0x17e: {  	v54 =	vld [tilespmem:$0x1F0]  }
0x17f: {  	v6 =	vadd.f32 v50, v6;
	v50 =	vadd.f32 v63, v62;
	v62 =	vld [tilespmem:$0x270]  }
0x180: {  	v63 =	vld [tilespmem:$0x1FE10]  }
0x181: {  	v44 =	vadd.f32 v58, v6;
	v58 =	vld [tilespmem:$0x260]  }
0x182: {  	v6 =	vadd.f32 v59, v1;
	v59 =	vld [tilespmem:$0x1FE00]  }
0x183: {  	v36 =	vadd.f32 v48, v36;
	v48 =	vld [tilespmem:$0x2F0]  }
0x184: {  	v1 =	vadd.f32 v55, v44;
	v55 =	vld [tilespmem:$0x1FE20]  }
0x185: {  	v44 =	vld [tilespmem:$0x7E0]  }
0x186: {  	v37 =	vadd.f32 v37, v41;
	v41 =	vld [tilespmem:$0x2E0]  }
0x187: {  	v36 =	vadd.f32 v58, v36;
	v58 =	vld [tilespmem:$0x370]  }
0x188: {  	v37 =	vadd.f32 v54, v37;
	v54 =	vld [tilespmem:$0x360]  }
0x189: {  	v46 =	vadd.f32 v59, v50;
	v59 =	vld [tilespmem:$0x3E0]  }
0x18a: {  	v50 =	vld [tilespmem:$0x470]  }
0x18b: {  	v37 =	vadd.f32 v62, v37;
	v62 =	vld [tilespmem:$0x1FE30]  }
0x18c: {  	v46 =	vadd.f32 v63, v46;
	v63 =	vld [tilespmem:$0x3F0]  }
0x18d: {  	v36 =	vadd.f32 v41, v36;
	v37 =	vadd.f32 v48, v37;
	v48 =	vld [tilespmem:$0x460]  }
0x18e: {  	v46 =	vadd.f32 v55, v46;
	v55 =	vld [tilespmem:$0x1FE50]  }
0x18f: {  	v36 =	vadd.f32 v54, v36;
	v54 =	vld [tilespmem:$0x4E0]  }
0x190: {  	v51 =	vadd.f32 v58, v37;
	v58 =	vld [tilespmem:$0x4F0]  }
0x191: {  	v36 =	vadd.f32 v59, v36;
	v59 =	vld [tilespmem:$0x560]  }
0x192: {  	v42 =	vadd.f32 v62, v46;
	v62 =	vld [tilespmem:$0x1FE60]  }
0x193: {  	v46 =	vld [tilespmem:$0x5E0]  }
0x194: {  	v33 =	vadd.f32 v63, v51;
	v63 =	vld [tilespmem:$0x570]  }
0x195: {  	v51 =	vld [tilespmem:$0x670]  }
0x196: {  	v36 =	vadd.f32 v48, v36;
	v48 =	vld [tilespmem:$0x5F0]  }
0x197: {  	v42 =	vadd.f32 v49, v42;
	v49 =	vld [tilespmem:$0x660]  }
0x198: {  	v33 =	vadd.f32 v50, v33;
	v50 =	vld [tilespmem:$0x1FE80]  }
0x199: {  	v36 =	vadd.f32 v54, v36;
	v54 =	vld [tilespmem:$0x6E0]  }
0x19a: {  	v42 =	vadd.f32 v55, v42;
	v55 =	vld [tilespmem:$0x1FE90]  }
0x19b: {  	v33 =	vadd.f32 v58, v33;
	v58 =	vld [tilespmem:$0x6F0]  }
0x19c: {  	v41 =	vadd.f32 v62, v42;
	v62 =	vld [tilespmem:$0x760]  }
0x19d: {  	v35 =	vadd.f32 v59, v36;
	v42 =	vld [tilespmem:$0x770]  }
0x19e: {  	v33 =	vadd.f32 v63, v33;
	v63 =	vld [tilespmem:$0x1FEA0]  }
0x19f: {  	v35 =	vadd.f32 v46, v35;
	v46 =	vld [tilespmem:$0x7F0]  }
0x1a0: {  	v41 =	vadd.f32 v47, v41;
	v47 =	vld [tilespmem:$0x860]  }
0x1a1: {  	v59 =	vadd.f32 v48, v33;
	v48 =	vld [tilespmem:$0x1FEC0]  }
0x1a2: {  	v35 =	vadd.f32 v49, v35;
	v49 =	vld [tilespmem:$0x870]  }
0x1a3: {  	v43 =	vadd.f32 v51, v59;
	v51 =	vld [tilespmem:$0x8E0]  }
0x1a4: {  	v41 =	vadd.f32 v50, v41;
	v59 =	vld [tilespmem:$0x1FEE0]  }
0x1a5: {  	v34 =	vadd.f32 v54, v35;
	v54 =	vld [tilespmem:$0x1FED0]  }
0x1a6: {  	v41 =	vadd.f32 v55, v41;
	v55 =	vld [tilespmem:$0x8F0]  }
0x1a7: {  	v30 =	vadd.f32 v58, v43;
	v58 =	vld [tilespmem:$0x960]  }
0x1a8: {  	v43 =	vld [tilespmem:$0xA60]  }
0x1a9: {  	v33 =	vadd.f32 v62, v34;
	v62 =	vld [tilespmem:$0x970]  }
0x1aa: {  	v37 =	vadd.f32 v63, v41;
	v63 =	vld [tilespmem:$0x9E0]  }
0x1ab: {  	v41 =	vld [tilespmem:$0x9F0]  }
0x1ac: {  	v34 =	vld [tilespmem:$0x1FF50]  }
0x1ad: {  	v32 =	vadd.f32 v44, v33;
	v44 =	vld [tilespmem:$0x1FF00]  }
0x1ae: {  	v50 =	vadd.f32 v42, v30;
	v36 =	vadd.f32 v45, v37;
	v45 =	vld [tilespmem:$0xA70]  }
0x1af: {  	v37 =	vld [tilespmem:$0xD60]  }
0x1b0: {  	v28 =	vadd.f32 v46, v50;
	v50 =	vld [tilespmem:$0xB60]  }
0x1b1: {  	v31 =	vadd.f32 v47, v32;
	v47 =	vld [tilespmem:$0xAE0]  }
0x1b2: {  	v36 =	vadd.f32 v48, v36;
	v48 =	vld [tilespmem:$0x1FF10]  }
0x1b3: {  	v28 =	vadd.f32 v49, v28;
	v49 =	vld [tilespmem:$0xAF0]  }
0x1b4: {  	v30 =	vadd.f32 v51, v31;
	v51 =	vld [tilespmem:$0x1FF20]  }
0x1b5: {  	v36 =	vadd.f32 v54, v36;
	v54 =	vld [tilespmem:$0xB70]  }
0x1b6: {  	v42 =	vadd.f32 v55, v28;
	v55 =	vld [tilespmem:$0xBE0]  }
0x1b7: {  	v35 =	vadd.f32 v59, v36;
	v29 =	vadd.f32 v58, v30;
	v58 =	vld [tilespmem:$0x1FF30]  }
0x1b8: {  	v19 =	vadd.f32 v19, v27;
	v59 =	vld [tilespmem:$0xBF0]  }
0x1b9: {  	v46 =	vadd.f32 v62, v42;
	v62 =	vld [tilespmem:$0xC60];
	v35 =	vadd.f32 v40, v35  }
0x1ba: {  	v19 =	vadd.f32 v20, v19;
	v42 =	vld [tilespmem:$0x1FF70]  }
0x1bb: {  	v29 =	vadd.f32 v63, v29;
	v63 =	vld [tilespmem:$0x1FF40];
	v33 =	vadd.f32 v44, v35  }
0x1bc: {  	v20 =	vadd.f32 v41, v46;
	v41 =	vld [tilespmem:$0xDE0]  }
0x1bd: {  	v19 =	vadd.f32 v24, v19;
	v46 =	vld [tilespmem:$0x1FF80];
	v32 =	vadd.f32 v48, v33  }
0x1be: {  	v28 =	vadd.f32 v43, v29;
	v35 =	vld [tilespmem:$0xCF0]  }
0x1bf: {  	v19 =	vadd.f32 v26, v19;
	v43 =	vld [tilespmem:$0xDF0];
	v31 =	vadd.f32 v51, v32  }
0x1c0: {  	v20 =	vadd.f32 v45, v20;
	v45 =	vld [tilespmem:$0xE60];
	v27 =	vadd.f32 v47, v28  }
0x1c1: {  	v19 =	vadd.f32 v25, v19;
	v33 =	vld [tilespmem:$0xCE0];
	v30 =	vadd.f32 v58, v31  }
0x1c2: {  	v47 =	vld [tilespmem:$0xE70];
	v20 =	vadd.f32 v49, v20;
	v24 =	vadd.f32 v50, v27  }
0x1c3: {  	v19 =	vadd.f32 v22, v19;
	v32 =	vld [tilespmem:$0xC70];
	v30 =	vadd.f32 v63, v30  }
0x1c4: {  	v48 =	vld [tilespmem:$0xEE0];
	v20 =	vadd.f32 v54, v20;
	v24 =	vadd.f32 v55, v24  }
0x1c5: {  	v17 =	vadd.f32 v17, v19;
	v49 =	vld [tilespmem:$0x1FF90];
	v29 =	vadd.f32 v34, v30  }
0x1c6: {  	v50 =	vld [tilespmem:$0xEF0];
	v36 =	vadd.f32 v59, v20;
	v24 =	vadd.f32 v62, v24  }
0x1c7: {  	v17 =	vadd.f32 v18, v17;
	v54 =	vld [tilespmem:$0xF60];
	v28 =	vadd.f32 v38, v29  }
0x1c8: {  	v55 =	vld [tilespmem:$0x1FFA0];
	v40 =	vadd.f32 v32, v36;
	v22 =	vadd.f32 v33, v24  }
0x1c9: {  	v11 =	vadd.f32 v11, v17;
	v58 =	vld [tilespmem:$0xF70];
	v27 =	vadd.f32 v42, v28  }
0x1ca: {  	v31 =	vld [tilespmem:$0x10F0];
	v44 =	vadd.f32 v35, v40;
	v20 =	vadd.f32 v37, v22  }
0x1cb: {  	v11 =	vadd.f32 v21, v11;
	v62 =	vld [tilespmem:$0xFE0];
	v26 =	vadd.f32 v46, v27  }
0x1cc: {  	v63 =	vld [tilespmem:$0x1FFB0];
	v17 =	vadd.f32 v39, v44;
	v19 =	vadd.f32 v41, v20  }
0x1cd: {  	v11 =	vadd.f32 v16, v11;
	v32 =	vld [tilespmem:$0x1160];
	v25 =	vadd.f32 v49, v26  }
0x1ce: {  	v30 =	vld [tilespmem:$0x1FFD0];
	v51 =	vadd.f32 v43, v17;
	v18 =	vadd.f32 v45, v19  }
0x1cf: {  	v11 =	vadd.f32 v15, v11;
	v26 =	vld [tilespmem:$0x1FFC0];
	v24 =	vadd.f32 v55, v25  }
0x1d0: {  	v59 =	vadd.f32 v47, v51;
	v18 =	vadd.f32 v48, v18;
	v25 =	vld [tilespmem:$0x1060]  }
0x1d1: {  	v11 =	vadd.f32 v23, v11;
	v22 =	vadd.f32 v63, v24;
	v24 =	vld [tilespmem:$0xFF0]  }
0x1d2: {  	v29 =	vld [tilespmem:$0x10E0];
	v15 =	vadd.f32 v50, v59;
	v17 =	vadd.f32 v54, v18  }
0x1d3: {  	v11 =	vadd.f32 v12, v11;
	v27 =	vld [tilespmem:$0x1070]  }
0x1d4: {  	v33 =	vld [tilespmem:$0x1FFE0];
	v28 =	vadd.f32 v58, v15;
	v16 =	vadd.f32 v62, v17  }
0x1d5: {  	v11 =	vadd.f32 v14, v11;
	v36 =	vld [tilespmem:$0x1FFF0];
	v22 =	vadd.f32 v26, v22  }
0x1d6: {  	v34 =	vld [tilespmem:$0x1170];
	v16 =	vadd.f32 v25, v16;
	v12 =	vadd.f32 v24, v28  }
0x1d7: {  	v11 =	vadd.f32 v13, v11;
	v35 =	vld [tilespmem:$0x11E0];
	v19 =	vadd.f32 v30, v22  }
0x1d8: {  	v37 =	vld [tilespmem:$0x11F0];
	v15 =	vadd.f32 v29, v16;
	v12 =	vadd.f32 v27, v12  }
0x1d9: {  	v9 =	vadd.f32 v9, v11;
	v39 =	vld [tilespmem:$0x1260];
	v19 =	vadd.f32 v33, v19  }
0x1da: {  	v41 =	vld [tilespmem:$0x1270];
	v14 =	vadd.f32 v32, v15;
	v38 =	vadd.f32 v31, v12  }
0x1db: {  	v4 =	vadd.f32 v4, v9;
	v43 =	vld [tilespmem:$0x12E0];
	v18 =	vadd.f32 v36, v19  }
0x1dc: {  	v44 =	vld [tilespmem:$0x12F0];
	v13 =	vadd.f32 v35, v14;
	v42 =	vadd.f32 v34, v38  }
0x1dd: {  	v4 =	vadd.f32 v10, v4;
	v45 =	vld [tilespmem:$0x1360];
	v40 =	vadd.f32 v61, v18  }
0x1de: {  	v47 =	vld [tilespmem:$0x1370];
	v12 =	vadd.f32 v39, v13;
	v9 =	vadd.f32 v37, v42  }
0x1df: {  	v4 =	vadd.f32 v7, v4;
	v49 =	vld [tilespmem:$0x13E0];
	v17 =	vadd.f32 v60, v40  }
0x1e0: {  	v51 =	vld [tilespmem:$0x13F0];
	v11 =	vadd.f32 v43, v12;
	v48 =	vadd.f32 v41, v9  }
0x1e1: {  	v2 =	vadd.f32 v2, v4;
	v55 =	vld [tilespmem:$0x1460];
	v46 =	vadd.f32 v57, v17  }
0x1e2: {  	v52 =	vld [tilespmem:$0x1440];
	v10 =	vadd.f32 v45, v11;
	v54 =	vadd.f32 v44, v48  }
0x1e3: {  	[tilespmem:$0x1490] =	vst v3;
	v0 =	vadd.f32 v0, v2;
	v57 =	vld [tilespmem:$0x1470];
	v50 =	vadd.f32 v56, v46  }
0x1e4: {  	[tilespmem:$0x1480] =	vst v5;
	v60 =	vadd.f32 v49, v10;
	v58 =	vadd.f32 v47, v54  }
0x1e5: {  	[tilespmem:$0x14A0] =	vst v6;
	v0 =	vadd.f32 v8, v0;
	v56 =	vadd.f32 v53, v50  }
0x1e6: {  	[tilespmem:$0x14B0] =	vst v1;
	v62 =	vadd.f32 v55, v60;
	v61 =	vadd.f32 v51, v58  }
0x1e7: {  	[tilespmem:$0x14D0] =	vst v0;
	v59 =	vadd.f32 v52, v56  }
0x1e8: {  	s7 =	sadd.s32 $0xFFFFFFFF, s7;
	[tilespmem:$0x14E0] =	vst v62;
	v63 =	vadd.f32 v57, v61  }
0x1e9: {  	p0 =	sne.s32 s7, $0x0;
	[tilespmem:$0x14C0] =	vst v59  }
.Ltmp1:
0x1ea: {  	[tilespmem:$0x14F0] =	vst v63;
	(pc) =	sbr.rel @p0 .LBB2_2-.Ltmp1, $4  }
0x1eb: {  	[hbm4b:s4+s3] =	stream.linear.scatter [tilespmem:s11], [sflag:$0x2], $0x80, $0x38;
	[tilespmem:$0x1500] =	vst v63  }
0x1ec: {  	_ =	swait.ge [sflag:s8], $0x80  }
0x1ed: {  	[sflag:s8] =	ssyncset.done $0x0  }
0x1ee: {  	[sflag:s8] =	ssyncadd.s32 $0xFFFFFF80  }
.LBB2_3:
0x1ef: {  	_ =	sfence.sel $0x180000  }
0x1f0: {  	[bflag:$0x0] =	sbarrier.arrive $0xFFFF  }
0x1f1: {  	p0 =	sne.s32 s0, $0x0;
	_ =	strace $0x90000047  }
0x1f2: {  	s0 =	sadd.s32 @!p0 $0x100000, s1;
	[bflag:$0x2] =	sbarrier.arrive $0xFFFF  }
0x1f3: {  	[sflag:s0] =	ssyncadd.tile.s32 @!p0 $0x1;
	_ =	shalt  }
.Lfunc_end2:
_tile_overlayer_lowered:
.L_overlay_start_2:
0x1f4: {  	(tag) =	ssettag $0x2  }
0x1f5: {  	s0 =	rddreg [dreg:$0x0];
	s2 =	stileid.u32  }
0x1f6: {  	s1 =	rddreg [dreg:$0x1];
	p0 =	sne.s32 s2, $0x0  }
0x1f7: {  	s3 =	rddreg [dreg:$0x2];
	[bflag:$0x3] =	sbarrier.arrive $0xFFFF;
	s2 =	simm.s32 @!p0 $0x1C02  }
0x1f8: {  	[timem:s3], [sflag:s2] =	dma.local @!p0 [hbm:s0], s1  }
0x1f9: {  	s0 =	simm.s32 @!p0 $0x2  }
0x1fa: {  	_ =	swait.ge @!p0 [sflag:s0], s1  }
0x1fb: {  	s1 =	ssub.s32 @!p0 $0x0, s1;
	[sflag:s0] =	ssyncset.done @!p0 $0x0  }
0x1fc: {  	[sflag:s0] =	ssyncadd.s32 @!p0 s1  }
0x1fd: {  	[bflag:$0x3] =	sbarrier.arrive $0xFFFF  }
0x1fe: {  	_ =	shalt  }

</sc_bundles>
